<compile_context>
chip_gen: v7x
topology: tpu7x:2x2x1
jax: 0.10.2.dev20260603
libtpu: 0.0.44.dev20260713+nightly
codegen_flags: <defaults>
</compile_context>

<pallas_src>
import functools

import jax
import jax.numpy as jnp
from jax import lax
from jax.experimental import pallas as pl
from jax.experimental.pallas import tpu as pltpu
from jax.experimental.pallas import tpu_sc as plsc

_K = 20
_N = 2048
_B = 8
_TN = 256
_TC = 512
_INTERPRET = False



def _topk_body(ht_ref, o_ref, work_ref):
    b = pl.program_id(0)
    i = pl.program_id(1)
    ht = ht_ref[0]
    xx_full = jnp.sum(ht * ht, axis=0)
    a = ht_ref[0, :, pl.ds(i * _TN, _TN)]
    xx_tile = jnp.sum(a * a, axis=0)
    mm = lax.dot_general(a, ht, (((0,), (0,)), ((), ())),
                         preferred_element_type=jnp.float32)
    inner = -2.0 * mm
    t = (-xx_tile)[:, None] - inner
    dist = t - xx_full[None, :]
    work_ref[...] = dist
    lane = lax.broadcasted_iota(jnp.int32, (_TN, _N), 1)
    base = b * _N
    for j in range(_K):
        w = work_ref[...]
        m = jnp.max(w, axis=1)
        eq = w == m[:, None]
        idx = jnp.min(jnp.where(eq, lane, _N), axis=1)
        o_ref[j, :] = idx + base
        work_ref[...] = jnp.where(lane == idx[:, None], -jnp.inf, w)


def _knn_pallas(ht):
    B, C, N = ht.shape
    return pl.pallas_call(
        _topk_body,
        grid=(B, N // _TN),
        in_specs=[pl.BlockSpec((1, C, N), lambda b, i: (b, 0, 0))],
        out_specs=pl.BlockSpec((_K, _TN), lambda b, i: (0, b * (_N // _TN) + i)),
        out_shape=jax.ShapeDtypeStruct((_K, B * N), jnp.int32),
        scratch_shapes=[pltpu.VMEM((_TN, _N), jnp.float32)],
        interpret=_INTERPRET,
    )(ht)



def _sc_gather(table, gidx):
    R_tot = gidx.shape[0]
    C = table.shape[1]
    NW = 32
    per_w = R_tot // NW
    R = 128
    iters = per_w // R

    @functools.partial(
        pl.kernel,
        mesh=plsc.VectorSubcoreMesh(core_axis_name="c", subcore_axis_name="s"),
        compiler_params=pltpu.CompilerParams(use_tc_tiling_on_sc=False),
        out_type=jax.ShapeDtypeStruct((R_tot, C), jnp.float32),
        scratch_types=[
            pltpu.VMEM((R,), jnp.int32),
            pltpu.VMEM((R, C), jnp.float32),
            pltpu.SemaphoreType.DMA,
        ],
    )
    def k(table_hbm, gidx_hbm, out_hbm, idx_v, rows_v, sem):
        wid = lax.axis_index("s") * 2 + lax.axis_index("c")
        base0 = wid * per_w

        def body(it, carry):
            base = base0 + it * R
            pltpu.sync_copy(gidx_hbm.at[pl.ds(base, R)], idx_v)
            pltpu.async_copy(table_hbm.at[idx_v], rows_v, sem).wait()
            pltpu.sync_copy(rows_v, out_hbm.at[pl.ds(base, R)])
            return carry

        lax.fori_loop(0, iters, body, 0)

    return k(table, gidx)



def _conv_body(g_ref, x_ref, w_ref, z_ref, y_ref):
    nt = pl.program_id(0)
    k = pl.program_id(1)
    x = x_ref[...]
    d = g_ref[...] - x
    cat = jnp.concatenate([d, x], axis=1)
    y = lax.dot_general(cat, w_ref[...], (((1,), (0,)), ((), ())),
                        preferred_element_type=jnp.float32)

    y_ref[...] = y

    @pl.when(k == 0)
    def _first():
        z_ref[...] = y

    @pl.when(k > 0)
    def _rest():
        z_ref[...] = jnp.maximum(z_ref[...], y)


def _conv_max_pallas(G, X, WT):
    BN, C = X.shape
    O = WT.shape[1]
    NT = BN // _TC
    return pl.pallas_call(
        _conv_body,
        grid=(NT, _K),
        in_specs=[
            pl.BlockSpec((_TC, C), lambda nt, k: (k * NT + nt, 0)),
            pl.BlockSpec((_TC, C), lambda nt, k: (nt, 0)),
            pl.BlockSpec((2 * C, O), lambda nt, k: (0, 0)),
        ],
        out_specs=[
            pl.BlockSpec((_TC, O), lambda nt, k: (nt, 0)),
            pl.BlockSpec((_TC, O), lambda nt, k: (k * NT + nt, 0)),
        ],
        out_shape=[
            jax.ShapeDtypeStruct((BN, O), jnp.float32),
            jax.ShapeDtypeStruct((_K * BN, O), jnp.float32),
        ],
        interpret=_INTERPRET,
    )(G, X, WT)



def _bn_body(z_ref, m_ref, v_ref, g_ref, b_ref, o_ref):
    denom = jnp.sqrt(v_ref[...] + 1e-5)
    zn = ((z_ref[...] - m_ref[...]) / denom) * g_ref[...] + b_ref[...]
    o_ref[...] = jnp.where(zn > 0, zn, 0.2 * zn)


def _bn_pallas(Z, mean, var, g, b):
    BN, O = Z.shape
    return pl.pallas_call(
        _bn_body,
        grid=(BN // _TC,),
        in_specs=[
            pl.BlockSpec((_TC, O), lambda nt: (nt, 0)),
            pl.BlockSpec((1, O), lambda nt: (0, 0)),
            pl.BlockSpec((1, O), lambda nt: (0, 0)),
            pl.BlockSpec((1, O), lambda nt: (0, 0)),
            pl.BlockSpec((1, O), lambda nt: (0, 0)),
        ],
        out_specs=pl.BlockSpec((_TC, O), lambda nt: (nt, 0)),
        out_shape=jax.ShapeDtypeStruct((BN, O), jnp.float32),
        interpret=_INTERPRET,
    )(Z, mean.reshape(1, O), var.reshape(1, O),
      g.reshape(1, O), b.reshape(1, O))



def _layer(ht, hp, WT, g, b):
    B, C, N = ht.shape
    O = WT.shape[1]
    gidx = _knn_pallas(ht)
    G = _sc_gather(hp, gidx.reshape(-1))
    Z, Y = _conv_max_pallas(G, hp, WT)
    yy = jnp.transpose(Y.reshape(_K, B, N, O), (1, 3, 2, 0))
    yy = jax.lax.optimization_barrier(yy)
    mean = jnp.mean(yy, axis=(0, 2, 3))
    var = jnp.var(yy, axis=(0, 2, 3))
    h = _bn_pallas(Z, mean, var, g, b)
    ht_next = jnp.transpose(h.reshape(B, N, O), (0, 2, 1))
    return ht_next, h


def kernel(x, W1, g1, b1, W2, g2, b2, W3, g3, b3, W4, g4, b4):
    C0 = x.shape[1]
    ht = jnp.pad(x, ((0, 0), (0, 3), (0, 0)))
    hp = jnp.transpose(ht, (0, 2, 1)).reshape(_B * _N, 8)
    W1T = jnp.concatenate([
        jnp.pad(jnp.transpose(W1[:, :C0]), ((0, 3), (0, 0))),
        jnp.pad(jnp.transpose(W1[:, C0:]), ((0, 3), (0, 0))),
    ], axis=0)
    ht, hp = _layer(ht, hp, W1T, g1, b1)
    for (W, g, b) in ((W2, g2, b2), (W3, g3, b3), (W4, g4, b4)):
        ht, hp = _layer(ht, hp, jnp.transpose(W), g, b)
    return ht

# --- scband reference (transcript-rebuilt; emitter-appended) ---
"""Pipeline reference for scband-dgcnnspatial-branch-5274219839629 (READ-ONLY COPY).

The authoritative reference and input builder live on the scoring server;
editing this copy changes nothing except your own understanding.
"""

import jax, jax.numpy as jnp
import numpy as np

K = 20

def knn(x, k):
    # x: (B, C, N)
    inner = -2.0 * jnp.einsum('bcn,bcm->bnm', x, x)
    xx = jnp.sum(x ** 2, axis=1)  # (B, N)
    dist = -xx[:, :, None] - inner - xx[:, None, :]
    return jax.lax.top_k(dist, k)[1]  # (B, N, K)


def get_graph_feature(x, k):
    B, C, N = x.shape
    idx = knn(x, k)  # (B, N, K)
    x_t = jnp.transpose(x, (0, 2, 1))  # (B, N, C)
    feat = jax.vmap(lambda xt, i: xt[i])(x_t, idx)  # (B, N, K, C) gather
    x_rep = jnp.broadcast_to(x_t[:, :, None, :], (B, N, k, C))
    out = jnp.concatenate([feat - x_rep, x_rep], axis=3)  # (B, N, K, 2C)
    return jnp.transpose(out, (0, 3, 1, 2))  # (B, 2C, N, K)


def conv_bn_lrelu(x, W, gamma, beta):
    # 1x1 Conv2d (no bias) + BatchNorm2d (training-mode batch stats) + LeakyReLU(0.2)
    y = jnp.einsum('oc,bcnk->bonk', W, x)
    mean = jnp.mean(y, axis=(0, 2, 3), keepdims=True)
    var = jnp.var(y, axis=(0, 2, 3), keepdims=True)
    yn = (y - mean) / jnp.sqrt(var + 1e-5)
    yn = yn * gamma[None, :, None, None] + beta[None, :, None, None]
    return jnp.where(yn > 0, yn, 0.2 * yn)


def setup_inputs(seed: int = 0) -> dict:
    key = jax.random.key(seed)
    ks = jax.random.split(key, 8)
    x = jax.random.normal(ks[0], (8, 5, 2048), dtype=jnp.float32)
    W1 = jax.random.normal(ks[1], (64, 10), dtype=jnp.float32) * 0.1
    W2 = jax.random.normal(ks[2], (64, 128), dtype=jnp.float32) * 0.05
    W3 = jax.random.normal(ks[3], (128, 128), dtype=jnp.float32) * 0.05
    W4 = jax.random.normal(ks[4], (128, 256), dtype=jnp.float32) * 0.05
    return {
        'x': x,
        'W1': W1, 'g1': jnp.ones((64,), jnp.float32), 'b1': jnp.zeros((64,), jnp.float32),
        'W2': W2, 'g2': jnp.ones((64,), jnp.float32), 'b2': jnp.zeros((64,), jnp.float32),
        'W3': W3, 'g3': jnp.ones((128,), jnp.float32), 'b3': jnp.zeros((128,), jnp.float32),
        'W4': W4, 'g4': jnp.ones((128,), jnp.float32), 'b4': jnp.zeros((128,), jnp.float32),
    }


def reference(x, W1, g1, b1, W2, g2, b2, W3, g3, b3, W4, g4, b4):
    h = get_graph_feature(x, K)
    h = conv_bn_lrelu(h, W1, g1, b1)
    h = jnp.max(h, axis=-1)  # (B, 64, N)
    h = get_graph_feature(h, K)
    h = conv_bn_lrelu(h, W2, g2, b2)
    h = jnp.max(h, axis=-1)  # (B, 64, N)
    h = get_graph_feature(h, K)
    h = conv_bn_lrelu(h, W3, g3, b3)
    h = jnp.max(h, axis=-1)  # (B, 128, N)
    h = get_graph_feature(h, K)
    h = conv_bn_lrelu(h, W4, g4, b4)
    h = jnp.max(h, axis=-1)  # (B, 128, N)
    return h

if __name__ == "__main__":
    import jax
    _d = setup_inputs()
    print(jax.jit(kernel)(*tuple(_d.values())))

</pallas_src>

<mosaic_0001>
#map = affine_map<(d0, d1) -> (0, 0)>
#map1 = affine_map<(d0, d1) -> (0)>
module attributes {stable_mosaic.version = 14 : i64} {
  func.func @k(%arg0: i32, %arg1: i32, %arg2: memref<16384x128xf32, #tpu.memory_space<hbm>>, %arg3: memref<327680xi32, #tpu.memory_space<hbm>>, %arg4: memref<327680x128xf32, #tpu.memory_space<hbm>>, %arg5: memref<128xi32, #tpu.memory_space<vmem>>, %arg6: memref<128x128xf32, #tpu.memory_space<vmem>>, %arg7: memref<!tpu.dma_semaphore, #tpu.memory_space<semaphore_mem>>) attributes {dimension_semantics = [#tpu.dimension_semantics<core_parallel>, #tpu.dimension_semantics<subcore_parallel>], iteration_bounds = array<i64: 2, 16>, scalar_prefetch = 0 : i64, scratch_operands = 3 : i64, tpu.core_type = #tpu.core_type<sc_vector_subcore>, window_params = [{transform_indices = #map}, {transform_indices = #map1}, {transform_indices = #map}]} {
    %mul3A = arith.constant 2 : i32
    %mul3A_0 = arith.muli %arg1, %mul3A : i32
    %add3A = arith.addi %mul3A_0, %arg0 : i32
    %mul3A_1 = arith.constant 10240 : i32
    %mul3A_2 = arith.muli %add3A, %mul3A_1 : i32
    %scan3A = arith.constant 0 : i32
    %scan3A_3 = arith.constant 0 : i32
    %scan3A_4 = arith.constant 80 : i32
    %scan3A_5 = arith.addi %scan3A_3, %scan3A_4 : i32
    %scan3A_6 = arith.constant 1 : i32
    scf.for %scan3A_8 = %scan3A_3 to %scan3A_5 step %scan3A_6  : i32 {
      %mul3A_9 = arith.constant 128 : i32
      %mul3A_10 = arith.muli %scan3A_8, %mul3A_9 : i32
      %add3A_11 = arith.addi %mul3A_2, %mul3A_10 : i32
      "tpu.region"() ({
        %run_scoped3A = tpu.sem_alloc : memref<!tpu.dma_semaphore, #tpu.memory_space<semaphore_mem>>
        %dma_start3A_16 = tpu.memref_slice %arg3[%add3A_11] : memref<327680xi32, #tpu.memory_space<hbm>> -> memref<128xi32, #tpu.memory_space<hbm>>
        %dma_start3A_17 = tpu.memref_slice %arg3[%add3A_11] : memref<327680xi32, #tpu.memory_space<hbm>> -> memref<128xi32, #tpu.memory_space<hbm>>
        tpu.enqueue_dma source(%dma_start3A_17 : memref<128xi32, #tpu.memory_space<hbm>>) target(%arg5 : memref<128xi32, #tpu.memory_space<vmem>>) target_semaphore(%run_scoped3A : memref<!tpu.dma_semaphore, #tpu.memory_space<semaphore_mem>>)
        %dma_wait3A_18 = tpu.memref_slice %arg3[%add3A_11] : memref<327680xi32, #tpu.memory_space<hbm>> -> memref<128xi32, #tpu.memory_space<hbm>>
        %dma_wait3A_19 = tpu.memref_slice %arg3[%add3A_11] : memref<327680xi32, #tpu.memory_space<hbm>> -> memref<128xi32, #tpu.memory_space<hbm>>
        tpu.wait_dma2 semaphore(%run_scoped3A : memref<!tpu.dma_semaphore, #tpu.memory_space<semaphore_mem>>) src(%dma_wait3A_19 : memref<128xi32, #tpu.memory_space<hbm>>) dst(%arg5 : memref<128xi32, #tpu.memory_space<vmem>>)
        tpu.yield
      }) : () -> ()
      %dma_start3A = arith.constant 0 : i32
      %dma_start3A_12 = arith.constant 0 : i32
      %dma_start3A_13 = tpu.memref_slice %arg2[%dma_start3A, %dma_start3A_12] : memref<16384x128xf32, #tpu.memory_space<hbm>> -> memref<16384x128xf32, #tpu.memory_space<hbm>>
      tpu.enqueue_indirect_dma source(%dma_start3A_13 : memref<16384x128xf32, #tpu.memory_space<hbm>>) target(%arg6 : memref<128x128xf32, #tpu.memory_space<vmem>>) offsets(%arg5 : memref<128xi32, #tpu.memory_space<vmem>>) semaphore(%arg7 : memref<!tpu.dma_semaphore, #tpu.memory_space<semaphore_mem>>)
      %dma_wait3A = arith.constant 0 : i32
      %dma_wait3A_14 = arith.constant 0 : i32
      %dma_wait3A_15 = tpu.memref_slice %arg2[%dma_wait3A, %dma_wait3A_14] : memref<16384x128xf32, #tpu.memory_space<hbm>> -> memref<16384x128xf32, #tpu.memory_space<hbm>>
      tpu.wait_indirect_dma semaphore(%arg7 : memref<!tpu.dma_semaphore, #tpu.memory_space<semaphore_mem>>) src(%dma_wait3A_15 : memref<16384x128xf32, #tpu.memory_space<hbm>>) dst(%arg6 : memref<128x128xf32, #tpu.memory_space<vmem>>)
      "tpu.region"() ({
        %run_scoped3A = tpu.sem_alloc : memref<!tpu.dma_semaphore, #tpu.memory_space<semaphore_mem>>
        %dma_start3A_16 = arith.constant 0 : i32
        %dma_start3A_17 = tpu.memref_slice %arg4[%add3A_11, %dma_start3A_16] : memref<327680x128xf32, #tpu.memory_space<hbm>> -> memref<128x128xf32, #tpu.memory_space<hbm>>
        %dma_start3A_18 = arith.constant 0 : i32
        %dma_start3A_19 = tpu.memref_slice %arg4[%add3A_11, %dma_start3A_18] : memref<327680x128xf32, #tpu.memory_space<hbm>> -> memref<128x128xf32, #tpu.memory_space<hbm>>
        tpu.enqueue_dma source(%arg6 : memref<128x128xf32, #tpu.memory_space<vmem>>) target(%dma_start3A_19 : memref<128x128xf32, #tpu.memory_space<hbm>>) target_semaphore(%run_scoped3A : memref<!tpu.dma_semaphore, #tpu.memory_space<semaphore_mem>>)
        %dma_wait3A_20 = arith.constant 0 : i32
        %dma_wait3A_21 = tpu.memref_slice %arg4[%add3A_11, %dma_wait3A_20] : memref<327680x128xf32, #tpu.memory_space<hbm>> -> memref<128x128xf32, #tpu.memory_space<hbm>>
        %dma_wait3A_22 = arith.constant 0 : i32
        %dma_wait3A_23 = tpu.memref_slice %arg4[%add3A_11, %dma_wait3A_22] : memref<327680x128xf32, #tpu.memory_space<hbm>> -> memref<128x128xf32, #tpu.memory_space<hbm>>
        tpu.wait_dma2 semaphore(%run_scoped3A : memref<!tpu.dma_semaphore, #tpu.memory_space<semaphore_mem>>) src(%arg6 : memref<128x128xf32, #tpu.memory_space<vmem>>) dst(%dma_wait3A_23 : memref<128x128xf32, #tpu.memory_space<hbm>>)
        tpu.yield
      }) : () -> ()
    }
    %scan3A_7 = arith.constant 80 : i32
    return
  }
}

#map = affine_map<(d0, d1) -> (0, 0)>
#map1 = affine_map<(d0, d1) -> (0)>
module attributes {stable_mosaic.version = 14 : i64} {
  func.func @k(%arg0: i32, %arg1: i32, %arg2: memref<16384x8xf32, #tpu.memory_space<hbm>>, %arg3: memref<327680xi32, #tpu.memory_space<hbm>>, %arg4: memref<327680x8xf32, #tpu.memory_space<hbm>>, %arg5: memref<128xi32, #tpu.memory_space<vmem>>, %arg6: memref<128x8xf32, #tpu.memory_space<vmem>>, %arg7: memref<!tpu.dma_semaphore, #tpu.memory_space<semaphore_mem>>) attributes {dimension_semantics = [#tpu.dimension_semantics<core_parallel>, #tpu.dimension_semantics<subcore_parallel>], iteration_bounds = array<i64: 2, 16>, scalar_prefetch = 0 : i64, scratch_operands = 3 : i64, tpu.core_type = #tpu.core_type<sc_vector_subcore>, window_params = [{transform_indices = #map}, {transform_indices = #map1}, {transform_indices = #map}]} {
    %mul3A = arith.constant 2 : i32
    %mul3A_0 = arith.muli %arg1, %mul3A : i32
    %add3A = arith.addi %mul3A_0, %arg0 : i32
    %mul3A_1 = arith.constant 10240 : i32
    %mul3A_2 = arith.muli %add3A, %mul3A_1 : i32
    %scan3A = arith.constant 0 : i32
    %scan3A_3 = arith.constant 0 : i32
    %scan3A_4 = arith.constant 80 : i32
    %scan3A_5 = arith.addi %scan3A_3, %scan3A_4 : i32
    %scan3A_6 = arith.constant 1 : i32
    scf.for %scan3A_8 = %scan3A_3 to %scan3A_5 step %scan3A_6  : i32 {
      %mul3A_9 = arith.constant 128 : i32
      %mul3A_10 = arith.muli %scan3A_8, %mul3A_9 : i32
      %add3A_11 = arith.addi %mul3A_2, %mul3A_10 : i32
      "tpu.region"() ({
        %run_scoped3A = tpu.sem_alloc : memref<!tpu.dma_semaphore, #tpu.memory_space<semaphore_mem>>
        %dma_start3A_16 = tpu.memref_slice %arg3[%add3A_11] : memref<327680xi32, #tpu.memory_space<hbm>> -> memref<128xi32, #tpu.memory_space<hbm>>
        %dma_start3A_17 = tpu.memref_slice %arg3[%add3A_11] : memref<327680xi32, #tpu.memory_space<hbm>> -> memref<128xi32, #tpu.memory_space<hbm>>
        tpu.enqueue_dma source(%dma_start3A_17 : memref<128xi32, #tpu.memory_space<hbm>>) target(%arg5 : memref<128xi32, #tpu.memory_space<vmem>>) target_semaphore(%run_scoped3A : memref<!tpu.dma_semaphore, #tpu.memory_space<semaphore_mem>>)
        %dma_wait3A_18 = tpu.memref_slice %arg3[%add3A_11] : memref<327680xi32, #tpu.memory_space<hbm>> -> memref<128xi32, #tpu.memory_space<hbm>>
        %dma_wait3A_19 = tpu.memref_slice %arg3[%add3A_11] : memref<327680xi32, #tpu.memory_space<hbm>> -> memref<128xi32, #tpu.memory_space<hbm>>
        tpu.wait_dma2 semaphore(%run_scoped3A : memref<!tpu.dma_semaphore, #tpu.memory_space<semaphore_mem>>) src(%dma_wait3A_19 : memref<128xi32, #tpu.memory_space<hbm>>) dst(%arg5 : memref<128xi32, #tpu.memory_space<vmem>>)
        tpu.yield
      }) : () -> ()
      %dma_start3A = arith.constant 0 : i32
      %dma_start3A_12 = arith.constant 0 : i32
      %dma_start3A_13 = tpu.memref_slice %arg2[%dma_start3A, %dma_start3A_12] : memref<16384x8xf32, #tpu.memory_space<hbm>> -> memref<16384x8xf32, #tpu.memory_space<hbm>>
      tpu.enqueue_indirect_dma source(%dma_start3A_13 : memref<16384x8xf32, #tpu.memory_space<hbm>>) target(%arg6 : memref<128x8xf32, #tpu.memory_space<vmem>>) offsets(%arg5 : memref<128xi32, #tpu.memory_space<vmem>>) semaphore(%arg7 : memref<!tpu.dma_semaphore, #tpu.memory_space<semaphore_mem>>)
      %dma_wait3A = arith.constant 0 : i32
      %dma_wait3A_14 = arith.constant 0 : i32
      %dma_wait3A_15 = tpu.memref_slice %arg2[%dma_wait3A, %dma_wait3A_14] : memref<16384x8xf32, #tpu.memory_space<hbm>> -> memref<16384x8xf32, #tpu.memory_space<hbm>>
      tpu.wait_indirect_dma semaphore(%arg7 : memref<!tpu.dma_semaphore, #tpu.memory_space<semaphore_mem>>) src(%dma_wait3A_15 : memref<16384x8xf32, #tpu.memory_space<hbm>>) dst(%arg6 : memref<128x8xf32, #tpu.memory_space<vmem>>)
      "tpu.region"() ({
        %run_scoped3A = tpu.sem_alloc : memref<!tpu.dma_semaphore, #tpu.memory_space<semaphore_mem>>
        %dma_start3A_16 = arith.constant 0 : i32
        %dma_start3A_17 = tpu.memref_slice %arg4[%add3A_11, %dma_start3A_16] : memref<327680x8xf32, #tpu.memory_space<hbm>> -> memref<128x8xf32, #tpu.memory_space<hbm>>
        %dma_start3A_18 = arith.constant 0 : i32
        %dma_start3A_19 = tpu.memref_slice %arg4[%add3A_11, %dma_start3A_18] : memref<327680x8xf32, #tpu.memory_space<hbm>> -> memref<128x8xf32, #tpu.memory_space<hbm>>
        tpu.enqueue_dma source(%arg6 : memref<128x8xf32, #tpu.memory_space<vmem>>) target(%dma_start3A_19 : memref<128x8xf32, #tpu.memory_space<hbm>>) target_semaphore(%run_scoped3A : memref<!tpu.dma_semaphore, #tpu.memory_space<semaphore_mem>>)
        %dma_wait3A_20 = arith.constant 0 : i32
        %dma_wait3A_21 = tpu.memref_slice %arg4[%add3A_11, %dma_wait3A_20] : memref<327680x8xf32, #tpu.memory_space<hbm>> -> memref<128x8xf32, #tpu.memory_space<hbm>>
        %dma_wait3A_22 = arith.constant 0 : i32
        %dma_wait3A_23 = tpu.memref_slice %arg4[%add3A_11, %dma_wait3A_22] : memref<327680x8xf32, #tpu.memory_space<hbm>> -> memref<128x8xf32, #tpu.memory_space<hbm>>
        tpu.wait_dma2 semaphore(%run_scoped3A : memref<!tpu.dma_semaphore, #tpu.memory_space<semaphore_mem>>) src(%arg6 : memref<128x8xf32, #tpu.memory_space<vmem>>) dst(%dma_wait3A_23 : memref<128x8xf32, #tpu.memory_space<hbm>>)
        tpu.yield
      }) : () -> ()
    }
    %scan3A_7 = arith.constant 80 : i32
    return
  }
}

#map = affine_map<(d0, d1) -> (0, 0)>
#map1 = affine_map<(d0, d1) -> (0)>
module attributes {stable_mosaic.version = 14 : i64} {
  func.func @k(%arg0: i32, %arg1: i32, %arg2: memref<16384x64xf32, #tpu.memory_space<hbm>>, %arg3: memref<327680xi32, #tpu.memory_space<hbm>>, %arg4: memref<327680x64xf32, #tpu.memory_space<hbm>>, %arg5: memref<128xi32, #tpu.memory_space<vmem>>, %arg6: memref<128x64xf32, #tpu.memory_space<vmem>>, %arg7: memref<!tpu.dma_semaphore, #tpu.memory_space<semaphore_mem>>) attributes {dimension_semantics = [#tpu.dimension_semantics<core_parallel>, #tpu.dimension_semantics<subcore_parallel>], iteration_bounds = array<i64: 2, 16>, scalar_prefetch = 0 : i64, scratch_operands = 3 : i64, tpu.core_type = #tpu.core_type<sc_vector_subcore>, window_params = [{transform_indices = #map}, {transform_indices = #map1}, {transform_indices = #map}]} {
    %mul3A = arith.constant 2 : i32
    %mul3A_0 = arith.muli %arg1, %mul3A : i32
    %add3A = arith.addi %mul3A_0, %arg0 : i32
    %mul3A_1 = arith.constant 10240 : i32
    %mul3A_2 = arith.muli %add3A, %mul3A_1 : i32
    %scan3A = arith.constant 0 : i32
    %scan3A_3 = arith.constant 0 : i32
    %scan3A_4 = arith.constant 80 : i32
    %scan3A_5 = arith.addi %scan3A_3, %scan3A_4 : i32
    %scan3A_6 = arith.constant 1 : i32
    scf.for %scan3A_8 = %scan3A_3 to %scan3A_5 step %scan3A_6  : i32 {
      %mul3A_9 = arith.constant 128 : i32
      %mul3A_10 = arith.muli %scan3A_8, %mul3A_9 : i32
      %add3A_11 = arith.addi %mul3A_2, %mul3A_10 : i32
      "tpu.region"() ({
        %run_scoped3A = tpu.sem_alloc : memref<!tpu.dma_semaphore, #tpu.memory_space<semaphore_mem>>
        %dma_start3A_16 = tpu.memref_slice %arg3[%add3A_11] : memref<327680xi32, #tpu.memory_space<hbm>> -> memref<128xi32, #tpu.memory_space<hbm>>
        %dma_start3A_17 = tpu.memref_slice %arg3[%add3A_11] : memref<327680xi32, #tpu.memory_space<hbm>> -> memref<128xi32, #tpu.memory_space<hbm>>
        tpu.enqueue_dma source(%dma_start3A_17 : memref<128xi32, #tpu.memory_space<hbm>>) target(%arg5 : memref<128xi32, #tpu.memory_space<vmem>>) target_semaphore(%run_scoped3A : memref<!tpu.dma_semaphore, #tpu.memory_space<semaphore_mem>>)
        %dma_wait3A_18 = tpu.memref_slice %arg3[%add3A_11] : memref<327680xi32, #tpu.memory_space<hbm>> -> memref<128xi32, #tpu.memory_space<hbm>>
        %dma_wait3A_19 = tpu.memref_slice %arg3[%add3A_11] : memref<327680xi32, #tpu.memory_space<hbm>> -> memref<128xi32, #tpu.memory_space<hbm>>
        tpu.wait_dma2 semaphore(%run_scoped3A : memref<!tpu.dma_semaphore, #tpu.memory_space<semaphore_mem>>) src(%dma_wait3A_19 : memref<128xi32, #tpu.memory_space<hbm>>) dst(%arg5 : memref<128xi32, #tpu.memory_space<vmem>>)
        tpu.yield
      }) : () -> ()
      %dma_start3A = arith.constant 0 : i32
      %dma_start3A_12 = arith.constant 0 : i32
      %dma_start3A_13 = tpu.memref_slice %arg2[%dma_start3A, %dma_start3A_12] : memref<16384x64xf32, #tpu.memory_space<hbm>> -> memref<16384x64xf32, #tpu.memory_space<hbm>>
      tpu.enqueue_indirect_dma source(%dma_start3A_13 : memref<16384x64xf32, #tpu.memory_space<hbm>>) target(%arg6 : memref<128x64xf32, #tpu.memory_space<vmem>>) offsets(%arg5 : memref<128xi32, #tpu.memory_space<vmem>>) semaphore(%arg7 : memref<!tpu.dma_semaphore, #tpu.memory_space<semaphore_mem>>)
      %dma_wait3A = arith.constant 0 : i32
      %dma_wait3A_14 = arith.constant 0 : i32
      %dma_wait3A_15 = tpu.memref_slice %arg2[%dma_wait3A, %dma_wait3A_14] : memref<16384x64xf32, #tpu.memory_space<hbm>> -> memref<16384x64xf32, #tpu.memory_space<hbm>>
      tpu.wait_indirect_dma semaphore(%arg7 : memref<!tpu.dma_semaphore, #tpu.memory_space<semaphore_mem>>) src(%dma_wait3A_15 : memref<16384x64xf32, #tpu.memory_space<hbm>>) dst(%arg6 : memref<128x64xf32, #tpu.memory_space<vmem>>)
      "tpu.region"() ({
        %run_scoped3A = tpu.sem_alloc : memref<!tpu.dma_semaphore, #tpu.memory_space<semaphore_mem>>
        %dma_start3A_16 = arith.constant 0 : i32
        %dma_start3A_17 = tpu.memref_slice %arg4[%add3A_11, %dma_start3A_16] : memref<327680x64xf32, #tpu.memory_space<hbm>> -> memref<128x64xf32, #tpu.memory_space<hbm>>
        %dma_start3A_18 = arith.constant 0 : i32
        %dma_start3A_19 = tpu.memref_slice %arg4[%add3A_11, %dma_start3A_18] : memref<327680x64xf32, #tpu.memory_space<hbm>> -> memref<128x64xf32, #tpu.memory_space<hbm>>
        tpu.enqueue_dma source(%arg6 : memref<128x64xf32, #tpu.memory_space<vmem>>) target(%dma_start3A_19 : memref<128x64xf32, #tpu.memory_space<hbm>>) target_semaphore(%run_scoped3A : memref<!tpu.dma_semaphore, #tpu.memory_space<semaphore_mem>>)
        %dma_wait3A_20 = arith.constant 0 : i32
        %dma_wait3A_21 = tpu.memref_slice %arg4[%add3A_11, %dma_wait3A_20] : memref<327680x64xf32, #tpu.memory_space<hbm>> -> memref<128x64xf32, #tpu.memory_space<hbm>>
        %dma_wait3A_22 = arith.constant 0 : i32
        %dma_wait3A_23 = tpu.memref_slice %arg4[%add3A_11, %dma_wait3A_22] : memref<327680x64xf32, #tpu.memory_space<hbm>> -> memref<128x64xf32, #tpu.memory_space<hbm>>
        tpu.wait_dma2 semaphore(%run_scoped3A : memref<!tpu.dma_semaphore, #tpu.memory_space<semaphore_mem>>) src(%arg6 : memref<128x64xf32, #tpu.memory_space<vmem>>) dst(%dma_wait3A_23 : memref<128x64xf32, #tpu.memory_space<hbm>>)
        tpu.yield
      }) : () -> ()
    }
    %scan3A_7 = arith.constant 80 : i32
    return
  }
}

#map = affine_map<(d0, d1) -> (0, 0)>
#map1 = affine_map<(d0, d1) -> (0)>
module attributes {stable_mosaic.version = 14 : i64} {
  func.func @k(%arg0: i32, %arg1: i32, %arg2: memref<16384x64xf32, #tpu.memory_space<hbm>>, %arg3: memref<327680xi32, #tpu.memory_space<hbm>>, %arg4: memref<327680x64xf32, #tpu.memory_space<hbm>>, %arg5: memref<128xi32, #tpu.memory_space<vmem>>, %arg6: memref<128x64xf32, #tpu.memory_space<vmem>>, %arg7: memref<!tpu.dma_semaphore, #tpu.memory_space<semaphore_mem>>) attributes {dimension_semantics = [#tpu.dimension_semantics<core_parallel>, #tpu.dimension_semantics<subcore_parallel>], iteration_bounds = array<i64: 2, 16>, scalar_prefetch = 0 : i64, scratch_operands = 3 : i64, tpu.core_type = #tpu.core_type<sc_vector_subcore>, window_params = [{transform_indices = #map}, {transform_indices = #map1}, {transform_indices = #map}]} {
    %mul3A = arith.constant 2 : i32
    %mul3A_0 = arith.muli %arg1, %mul3A : i32
    %add3A = arith.addi %mul3A_0, %arg0 : i32
    %mul3A_1 = arith.constant 10240 : i32
    %mul3A_2 = arith.muli %add3A, %mul3A_1 : i32
    %scan3A = arith.constant 0 : i32
    %scan3A_3 = arith.constant 0 : i32
    %scan3A_4 = arith.constant 80 : i32
    %scan3A_5 = arith.addi %scan3A_3, %scan3A_4 : i32
    %scan3A_6 = arith.constant 1 : i32
    scf.for %scan3A_8 = %scan3A_3 to %scan3A_5 step %scan3A_6  : i32 {
      %mul3A_9 = arith.constant 128 : i32
      %mul3A_10 = arith.muli %scan3A_8, %mul3A_9 : i32
      %add3A_11 = arith.addi %mul3A_2, %mul3A_10 : i32
      "tpu.region"() ({
        %run_scoped3A = tpu.sem_alloc : memref<!tpu.dma_semaphore, #tpu.memory_space<semaphore_mem>>
        %dma_start3A_16 = tpu.memref_slice %arg3[%add3A_11] : memref<327680xi32, #tpu.memory_space<hbm>> -> memref<128xi32, #tpu.memory_space<hbm>>
        %dma_start3A_17 = tpu.memref_slice %arg3[%add3A_11] : memref<327680xi32, #tpu.memory_space<hbm>> -> memref<128xi32, #tpu.memory_space<hbm>>
        tpu.enqueue_dma source(%dma_start3A_17 : memref<128xi32, #tpu.memory_space<hbm>>) target(%arg5 : memref<128xi32, #tpu.memory_space<vmem>>) target_semaphore(%run_scoped3A : memref<!tpu.dma_semaphore, #tpu.memory_space<semaphore_mem>>)
        %dma_wait3A_18 = tpu.memref_slice %arg3[%add3A_11] : memref<327680xi32, #tpu.memory_space<hbm>> -> memref<128xi32, #tpu.memory_space<hbm>>
        %dma_wait3A_19 = tpu.memref_slice %arg3[%add3A_11] : memref<327680xi32, #tpu.memory_space<hbm>> -> memref<128xi32, #tpu.memory_space<hbm>>
        tpu.wait_dma2 semaphore(%run_scoped3A : memref<!tpu.dma_semaphore, #tpu.memory_space<semaphore_mem>>) src(%dma_wait3A_19 : memref<128xi32, #tpu.memory_space<hbm>>) dst(%arg5 : memref<128xi32, #tpu.memory_space<vmem>>)
        tpu.yield
      }) : () -> ()
      %dma_start3A = arith.constant 0 : i32
      %dma_start3A_12 = arith.constant 0 : i32
      %dma_start3A_13 = tpu.memref_slice %arg2[%dma_start3A, %dma_start3A_12] : memref<16384x64xf32, #tpu.memory_space<hbm>> -> memref<16384x64xf32, #tpu.memory_space<hbm>>
      tpu.enqueue_indirect_dma source(%dma_start3A_13 : memref<16384x64xf32, #tpu.memory_space<hbm>>) target(%arg6 : memref<128x64xf32, #tpu.memory_space<vmem>>) offsets(%arg5 : memref<128xi32, #tpu.memory_space<vmem>>) semaphore(%arg7 : memref<!tpu.dma_semaphore, #tpu.memory_space<semaphore_mem>>)
      %dma_wait3A = arith.constant 0 : i32
      %dma_wait3A_14 = arith.constant 0 : i32
      %dma_wait3A_15 = tpu.memref_slice %arg2[%dma_wait3A, %dma_wait3A_14] : memref<16384x64xf32, #tpu.memory_space<hbm>> -> memref<16384x64xf32, #tpu.memory_space<hbm>>
      tpu.wait_indirect_dma semaphore(%arg7 : memref<!tpu.dma_semaphore, #tpu.memory_space<semaphore_mem>>) src(%dma_wait3A_15 : memref<16384x64xf32, #tpu.memory_space<hbm>>) dst(%arg6 : memref<128x64xf32, #tpu.memory_space<vmem>>)
      "tpu.region"() ({
        %run_scoped3A = tpu.sem_alloc : memref<!tpu.dma_semaphore, #tpu.memory_space<semaphore_mem>>
        %dma_start3A_16 = arith.constant 0 : i32
        %dma_start3A_17 = tpu.memref_slice %arg4[%add3A_11, %dma_start3A_16] : memref<327680x64xf32, #tpu.memory_space<hbm>> -> memref<128x64xf32, #tpu.memory_space<hbm>>
        %dma_start3A_18 = arith.constant 0 : i32
        %dma_start3A_19 = tpu.memref_slice %arg4[%add3A_11, %dma_start3A_18] : memref<327680x64xf32, #tpu.memory_space<hbm>> -> memref<128x64xf32, #tpu.memory_space<hbm>>
        tpu.enqueue_dma source(%arg6 : memref<128x64xf32, #tpu.memory_space<vmem>>) target(%dma_start3A_19 : memref<128x64xf32, #tpu.memory_space<hbm>>) target_semaphore(%run_scoped3A : memref<!tpu.dma_semaphore, #tpu.memory_space<semaphore_mem>>)
        %dma_wait3A_20 = arith.constant 0 : i32
        %dma_wait3A_21 = tpu.memref_slice %arg4[%add3A_11, %dma_wait3A_20] : memref<327680x64xf32, #tpu.memory_space<hbm>> -> memref<128x64xf32, #tpu.memory_space<hbm>>
        %dma_wait3A_22 = arith.constant 0 : i32
        %dma_wait3A_23 = tpu.memref_slice %arg4[%add3A_11, %dma_wait3A_22] : memref<327680x64xf32, #tpu.memory_space<hbm>> -> memref<128x64xf32, #tpu.memory_space<hbm>>
        tpu.wait_dma2 semaphore(%run_scoped3A : memref<!tpu.dma_semaphore, #tpu.memory_space<semaphore_mem>>) src(%arg6 : memref<128x64xf32, #tpu.memory_space<vmem>>) dst(%dma_wait3A_23 : memref<128x64xf32, #tpu.memory_space<hbm>>)
        tpu.yield
      }) : () -> ()
    }
    %scan3A_7 = arith.constant 80 : i32
    return
  }
}

module attributes {stable_mosaic.version = 14 : i64} {
  func.func @_topk_body(%arg0: i32, %arg1: i32, %arg2: memref<1x8x2048xf32, #tpu.memory_space<vmem>>, %arg3: memref<20x256xi32, #tpu.memory_space<vmem>>, %arg4: memref<256x2048xf32, #tpu.memory_space<vmem>>) attributes {dimension_semantics = [#tpu.dimension_semantics<arbitrary>, #tpu.dimension_semantics<arbitrary>], iteration_bounds = array<i64: 8, 8>, scalar_prefetch = 0 : i64, scratch_operands = 1 : i64, tpu.core_type = #tpu.core_type<tc>, window_params = [{transform_indices = @transform_0, window_bounds = array<i64: 1, 8, 2048>}, {transform_indices = @transform_1, window_bounds = array<i64: 20, 256>}]} {
    %get3A = arith.constant 0 : index
    %get3A_0 = arith.constant 0 : index
    %get3A_1 = arith.constant 0 : index
    %get3A_2 = vector.load %arg2[%get3A, %get3A_0, %get3A_1] : memref<1x8x2048xf32, #tpu.memory_space<vmem>>, vector<1x8x2048xf32>
    %get3A_3 = vector.shape_cast %get3A_2 : vector<1x8x2048xf32> to vector<8x2048xf32>
    %mul3A = arith.mulf %get3A_3, %get3A_3 : vector<8x2048xf32>
    %reduce_sum3A = arith.constant dense<0.000000e+00> : vector<2048xf32>
    %reduce_sum3A_4 = vector.multi_reduction <add>, %mul3A, %reduce_sum3A [0] : vector<8x2048xf32> to vector<2048xf32>
    %mul3A_5 = arith.constant 256 : i32
    %mul3A_6 = arith.muli %arg1, %mul3A_5 : i32
    %get3A_7 = arith.constant 0 : index
    %get3A_8 = arith.constant 0 : index
    %get3A_9 = arith.index_cast %mul3A_6 : i32 to index
    %get3A_10 = vector.load %arg2[%get3A_7, %get3A_8, %get3A_9] : memref<1x8x2048xf32, #tpu.memory_space<vmem>>, vector<1x8x256xf32>
    %get3A_11 = vector.shape_cast %get3A_10 : vector<1x8x256xf32> to vector<8x256xf32>
    %mul3A_12 = arith.mulf %get3A_11, %get3A_11 : vector<8x256xf32>
    %reduce_sum3A_13 = arith.constant dense<0.000000e+00> : vector<256xf32>
    %reduce_sum3A_14 = vector.multi_reduction <add>, %mul3A_12, %reduce_sum3A_13 [0] : vector<8x256xf32> to vector<256xf32>
    %dot_general3A = arith.constant dense<0.000000e+00> : vector<256x2048xf32>
    %dot_general3A_15 = tpu.matmul %get3A_11, %get3A_3, %dot_general3A {dimension_numbers = #tpu.dot_dimension_numbers<[0], [0], [1], [1], [0, 1, 1, 1], [], []>, transpose_lhs_hint = false} : vector<8x256xf32>, vector<8x2048xf32>, vector<256x2048xf32> -> vector<256x2048xf32>
    %mul3A_16 = arith.constant -2.000000e+00 : f32
    %mul3A_17 = vector.broadcast %mul3A_16 : f32 to vector<256x2048xf32>
    %mul3A_18 = arith.mulf %mul3A_17, %dot_general3A_15 : vector<256x2048xf32>
    %neg3A = arith.constant 0.000000e+00 : f32
    %neg3A_19 = vector.broadcast %neg3A : f32 to vector<256xf32>
    %neg3A_20 = arith.subf %neg3A_19, %reduce_sum3A_14 : vector<256xf32>
    %broadcast_in_dim3A = vector.shape_cast %neg3A_20 : vector<256xf32> to vector<256x1xf32>
    %sub3A = vector.broadcast %broadcast_in_dim3A : vector<256x1xf32> to vector<256x2048xf32>
    %sub3A_21 = arith.subf %sub3A, %mul3A_18 : vector<256x2048xf32>
    %broadcast_in_dim3A_22 = vector.shape_cast %reduce_sum3A_4 : vector<2048xf32> to vector<1x2048xf32>
    %sub3A_23 = vector.broadcast %broadcast_in_dim3A_22 : vector<1x2048xf32> to vector<256x2048xf32>
    %sub3A_24 = arith.subf %sub3A_21, %sub3A_23 : vector<256x2048xf32>
    %swap3A = arith.constant 0 : index
    %swap3A_25 = arith.constant 0 : index
    %swap3A_26 = vector.load %arg4[%swap3A, %swap3A_25] : memref<256x2048xf32, #tpu.memory_space<vmem>>, vector<256x2048xf32>
    tpu.vector_store %arg4[%swap3A, %swap3A_25], %sub3A_24 {strides = array<i32>} : memref<256x2048xf32, #tpu.memory_space<vmem>>, vector<256x2048xf32>,
    %iota3A = tpu.iota {dimensions = array<i32: 1>} : vector<256x2048xi32>
    %mul3A_27 = arith.constant 2048 : i32
    %mul3A_28 = arith.muli %arg0, %mul3A_27 : i32
    %get3A_29 = arith.constant 0 : index
    %get3A_30 = arith.constant 0 : index
    %get3A_31 = vector.load %arg4[%get3A_29, %get3A_30] : memref<256x2048xf32, #tpu.memory_space<vmem>>, vector<256x2048xf32>
    %reduce_max3A = arith.constant dense<0xFF800000> : vector<256xf32>
    %reduce_max3A_32 = vector.multi_reduction <maximumf>, %get3A_31, %reduce_max3A [1] : vector<256x2048xf32> to vector<256xf32>
    %broadcast_in_dim3A_33 = vector.shape_cast %reduce_max3A_32 : vector<256xf32> to vector<256x1xf32>
    %eq3A = vector.broadcast %broadcast_in_dim3A_33 : vector<256x1xf32> to vector<256x2048xf32>
    %eq3A_34 = arith.cmpf oeq, %get3A_31, %eq3A : vector<256x2048xf32>
    %jit3A = arith.constant 2048 : i32
    %broadcast_in_dim3A_35 = vector.broadcast %jit3A : i32 to vector<256x2048xi32>
    %select_n3A = arith.select %eq3A_34, %iota3A, %broadcast_in_dim3A_35 : vector<256x2048xi1>, vector<256x2048xi32>
    %reduce_min3A = arith.constant dense<2147483647> : vector<256xi32>
    %reduce_min3A_36 = vector.multi_reduction <minsi>, %select_n3A, %reduce_min3A [1] : vector<256x2048xi32> to vector<256xi32>
    %add3A = vector.broadcast %mul3A_28 : i32 to vector<256xi32>
    %add3A_37 = arith.addi %reduce_min3A_36, %add3A : vector<256xi32>
    %swap3A_38 = arith.constant 0 : index
    %swap3A_39 = arith.constant 0 : index
    %swap3A_40 = vector.load %arg3[%swap3A_38, %swap3A_39] : memref<20x256xi32, #tpu.memory_space<vmem>>, vector<1x256xi32>
    %swap3A_41 = vector.shape_cast %swap3A_40 : vector<1x256xi32> to vector<256xi32>
    %swap3A_42 = vector.shape_cast %add3A_37 : vector<256xi32> to vector<1x256xi32>
    tpu.vector_store %arg3[%swap3A_38, %swap3A_39], %swap3A_42 {strides = array<i32>} : memref<20x256xi32, #tpu.memory_space<vmem>>, vector<1x256xi32>,
    %broadcast_in_dim3A_43 = vector.shape_cast %reduce_min3A_36 : vector<256xi32> to vector<256x1xi32>
    %eq3A_44 = vector.broadcast %broadcast_in_dim3A_43 : vector<256x1xi32> to vector<256x2048xi32>
    %eq3A_45 = arith.cmpi eq, %iota3A, %eq3A_44 : vector<256x2048xi32>
    %jit3A_46 = arith.constant 0xFF800000 : f32
    %broadcast_in_dim3A_47 = vector.broadcast %jit3A_46 : f32 to vector<256x2048xf32>
    %select_n3A_48 = arith.select %eq3A_45, %broadcast_in_dim3A_47, %get3A_31 : vector<256x2048xi1>, vector<256x2048xf32>
    %swap3A_49 = arith.constant 0 : index
    %swap3A_50 = arith.constant 0 : index
    %swap3A_51 = vector.load %arg4[%swap3A_49, %swap3A_50] : memref<256x2048xf32, #tpu.memory_space<vmem>>, vector<256x2048xf32>
    tpu.vector_store %arg4[%swap3A_49, %swap3A_50], %select_n3A_48 {strides = array<i32>} : memref<256x2048xf32, #tpu.memory_space<vmem>>, vector<256x2048xf32>,
    %get3A_52 = arith.constant 0 : index
    %get3A_53 = arith.constant 0 : index
    %get3A_54 = vector.load %arg4[%get3A_52, %get3A_53] : memref<256x2048xf32, #tpu.memory_space<vmem>>, vector<256x2048xf32>
    %reduce_max3A_55 = arith.constant dense<0xFF800000> : vector<256xf32>
    %reduce_max3A_56 = vector.multi_reduction <maximumf>, %get3A_54, %reduce_max3A_55 [1] : vector<256x2048xf32> to vector<256xf32>
    %broadcast_in_dim3A_57 = vector.shape_cast %reduce_max3A_56 : vector<256xf32> to vector<256x1xf32>
    %eq3A_58 = vector.broadcast %broadcast_in_dim3A_57 : vector<256x1xf32> to vector<256x2048xf32>
    %eq3A_59 = arith.cmpf oeq, %get3A_54, %eq3A_58 : vector<256x2048xf32>
    %jit3A_60 = arith.constant 2048 : i32
    %broadcast_in_dim3A_61 = vector.broadcast %jit3A_60 : i32 to vector<256x2048xi32>
    %select_n3A_62 = arith.select %eq3A_59, %iota3A, %broadcast_in_dim3A_61 : vector<256x2048xi1>, vector<256x2048xi32>
    %reduce_min3A_63 = arith.constant dense<2147483647> : vector<256xi32>
    %reduce_min3A_64 = vector.multi_reduction <minsi>, %select_n3A_62, %reduce_min3A_63 [1] : vector<256x2048xi32> to vector<256xi32>
    %add3A_65 = vector.broadcast %mul3A_28 : i32 to vector<256xi32>
    %add3A_66 = arith.addi %reduce_min3A_64, %add3A_65 : vector<256xi32>
    %swap3A_67 = arith.constant 1 : index
    %swap3A_68 = arith.constant 0 : index
    %swap3A_69 = vector.load %arg3[%swap3A_67, %swap3A_68] : memref<20x256xi32, #tpu.memory_space<vmem>>, vector<1x256xi32>
    %swap3A_70 = vector.shape_cast %swap3A_69 : vector<1x256xi32> to vector<256xi32>
    %swap3A_71 = vector.shape_cast %add3A_66 : vector<256xi32> to vector<1x256xi32>
    tpu.vector_store %arg3[%swap3A_67, %swap3A_68], %swap3A_71 {strides = array<i32>} : memref<20x256xi32, #tpu.memory_space<vmem>>, vector<1x256xi32>,
    %broadcast_in_dim3A_72 = vector.shape_cast %reduce_min3A_64 : vector<256xi32> to vector<256x1xi32>
    %eq3A_73 = vector.broadcast %broadcast_in_dim3A_72 : vector<256x1xi32> to vector<256x2048xi32>
    %eq3A_74 = arith.cmpi eq, %iota3A, %eq3A_73 : vector<256x2048xi32>
    %jit3A_75 = arith.constant 0xFF800000 : f32
    %broadcast_in_dim3A_76 = vector.broadcast %jit3A_75 : f32 to vector<256x2048xf32>
    %select_n3A_77 = arith.select %eq3A_74, %broadcast_in_dim3A_76, %get3A_54 : vector<256x2048xi1>, vector<256x2048xf32>
    %swap3A_78 = arith.constant 0 : index
    %swap3A_79 = arith.constant 0 : index
    %swap3A_80 = vector.load %arg4[%swap3A_78, %swap3A_79] : memref<256x2048xf32, #tpu.memory_space<vmem>>, vector<256x2048xf32>
    tpu.vector_store %arg4[%swap3A_78, %swap3A_79], %select_n3A_77 {strides = array<i32>} : memref<256x2048xf32, #tpu.memory_space<vmem>>, vector<256x2048xf32>,
    %get3A_81 = arith.constant 0 : index
    %get3A_82 = arith.constant 0 : index
    %get3A_83 = vector.load %arg4[%get3A_81, %get3A_82] : memref<256x2048xf32, #tpu.memory_space<vmem>>, vector<256x2048xf32>
    %reduce_max3A_84 = arith.constant dense<0xFF800000> : vector<256xf32>
    %reduce_max3A_85 = vector.multi_reduction <maximumf>, %get3A_83, %reduce_max3A_84 [1] : vector<256x2048xf32> to vector<256xf32>
    %broadcast_in_dim3A_86 = vector.shape_cast %reduce_max3A_85 : vector<256xf32> to vector<256x1xf32>
    %eq3A_87 = vector.broadcast %broadcast_in_dim3A_86 : vector<256x1xf32> to vector<256x2048xf32>
    %eq3A_88 = arith.cmpf oeq, %get3A_83, %eq3A_87 : vector<256x2048xf32>
    %jit3A_89 = arith.constant 2048 : i32
    %broadcast_in_dim3A_90 = vector.broadcast %jit3A_89 : i32 to vector<256x2048xi32>
    %select_n3A_91 = arith.select %eq3A_88, %iota3A, %broadcast_in_dim3A_90 : vector<256x2048xi1>, vector<256x2048xi32>
    %reduce_min3A_92 = arith.constant dense<2147483647> : vector<256xi32>
    %reduce_min3A_93 = vector.multi_reduction <minsi>, %select_n3A_91, %reduce_min3A_92 [1] : vector<256x2048xi32> to vector<256xi32>
    %add3A_94 = vector.broadcast %mul3A_28 : i32 to vector<256xi32>
    %add3A_95 = arith.addi %reduce_min3A_93, %add3A_94 : vector<256xi32>
    %swap3A_96 = arith.constant 2 : index
    %swap3A_97 = arith.constant 0 : index
    %swap3A_98 = vector.load %arg3[%swap3A_96, %swap3A_97] : memref<20x256xi32, #tpu.memory_space<vmem>>, vector<1x256xi32>
    %swap3A_99 = vector.shape_cast %swap3A_98 : vector<1x256xi32> to vector<256xi32>
    %swap3A_100 = vector.shape_cast %add3A_95 : vector<256xi32> to vector<1x256xi32>
    tpu.vector_store %arg3[%swap3A_96, %swap3A_97], %swap3A_100 {strides = array<i32>} : memref<20x256xi32, #tpu.memory_space<vmem>>, vector<1x256xi32>,
    %broadcast_in_dim3A_101 = vector.shape_cast %reduce_min3A_93 : vector<256xi32> to vector<256x1xi32>
    %eq3A_102 = vector.broadcast %broadcast_in_dim3A_101 : vector<256x1xi32> to vector<256x2048xi32>
    %eq3A_103 = arith.cmpi eq, %iota3A, %eq3A_102 : vector<256x2048xi32>
    %jit3A_104 = arith.constant 0xFF800000 : f32
    %broadcast_in_dim3A_105 = vector.broadcast %jit3A_104 : f32 to vector<256x2048xf32>
    %select_n3A_106 = arith.select %eq3A_103, %broadcast_in_dim3A_105, %get3A_83 : vector<256x2048xi1>, vector<256x2048xf32>
    %swap3A_107 = arith.constant 0 : index
    %swap3A_108 = arith.constant 0 : index
    %swap3A_109 = vector.load %arg4[%swap3A_107, %swap3A_108] : memref<256x2048xf32, #tpu.memory_space<vmem>>, vector<256x2048xf32>
    tpu.vector_store %arg4[%swap3A_107, %swap3A_108], %select_n3A_106 {strides = array<i32>} : memref<256x2048xf32, #tpu.memory_space<vmem>>, vector<256x2048xf32>,
    %get3A_110 = arith.constant 0 : index
    %get3A_111 = arith.constant 0 : index
    %get3A_112 = vector.load %arg4[%get3A_110, %get3A_111] : memref<256x2048xf32, #tpu.memory_space<vmem>>, vector<256x2048xf32>
    %reduce_max3A_113 = arith.constant dense<0xFF800000> : vector<256xf32>
    %reduce_max3A_114 = vector.multi_reduction <maximumf>, %get3A_112, %reduce_max3A_113 [1] : vector<256x2048xf32> to vector<256xf32>
    %broadcast_in_dim3A_115 = vector.shape_cast %reduce_max3A_114 : vector<256xf32> to vector<256x1xf32>
    %eq3A_116 = vector.broadcast %broadcast_in_dim3A_115 : vector<256x1xf32> to vector<256x2048xf32>
    %eq3A_117 = arith.cmpf oeq, %get3A_112, %eq3A_116 : vector<256x2048xf32>
    %jit3A_118 = arith.constant 2048 : i32
    %broadcast_in_dim3A_119 = vector.broadcast %jit3A_118 : i32 to vector<256x2048xi32>
    %select_n3A_120 = arith.select %eq3A_117, %iota3A, %broadcast_in_dim3A_119 : vector<256x2048xi1>, vector<256x2048xi32>
    %reduce_min3A_121 = arith.constant dense<2147483647> : vector<256xi32>
    %reduce_min3A_122 = vector.multi_reduction <minsi>, %select_n3A_120, %reduce_min3A_121 [1] : vector<256x2048xi32> to vector<256xi32>
    %add3A_123 = vector.broadcast %mul3A_28 : i32 to vector<256xi32>
    %add3A_124 = arith.addi %reduce_min3A_122, %add3A_123 : vector<256xi32>
    %swap3A_125 = arith.constant 3 : index
    %swap3A_126 = arith.constant 0 : index
    %swap3A_127 = vector.load %arg3[%swap3A_125, %swap3A_126] : memref<20x256xi32, #tpu.memory_space<vmem>>, vector<1x256xi32>
    %swap3A_128 = vector.shape_cast %swap3A_127 : vector<1x256xi32> to vector<256xi32>
    %swap3A_129 = vector.shape_cast %add3A_124 : vector<256xi32> to vector<1x256xi32>
    tpu.vector_store %arg3[%swap3A_125, %swap3A_126], %swap3A_129 {strides = array<i32>} : memref<20x256xi32, #tpu.memory_space<vmem>>, vector<1x256xi32>,
    %broadcast_in_dim3A_130 = vector.shape_cast %reduce_min3A_122 : vector<256xi32> to vector<256x1xi32>
    %eq3A_131 = vector.broadcast %broadcast_in_dim3A_130 : vector<256x1xi32> to vector<256x2048xi32>
    %eq3A_132 = arith.cmpi eq, %iota3A, %eq3A_131 : vector<256x2048xi32>
    %jit3A_133 = arith.constant 0xFF800000 : f32
    %broadcast_in_dim3A_134 = vector.broadcast %jit3A_133 : f32 to vector<256x2048xf32>
    %select_n3A_135 = arith.select %eq3A_132, %broadcast_in_dim3A_134, %get3A_112 : vector<256x2048xi1>, vector<256x2048xf32>
    %swap3A_136 = arith.constant 0 : index
    %swap3A_137 = arith.constant 0 : index
    %swap3A_138 = vector.load %arg4[%swap3A_136, %swap3A_137] : memref<256x2048xf32, #tpu.memory_space<vmem>>, vector<256x2048xf32>
    tpu.vector_store %arg4[%swap3A_136, %swap3A_137], %select_n3A_135 {strides = array<i32>} : memref<256x2048xf32, #tpu.memory_space<vmem>>, vector<256x2048xf32>,
    %get3A_139 = arith.constant 0 : index
    %get3A_140 = arith.constant 0 : index
    %get3A_141 = vector.load %arg4[%get3A_139, %get3A_140] : memref<256x2048xf32, #tpu.memory_space<vmem>>, vector<256x2048xf32>
    %reduce_max3A_142 = arith.constant dense<0xFF800000> : vector<256xf32>
    %reduce_max3A_143 = vector.multi_reduction <maximumf>, %get3A_141, %reduce_max3A_142 [1] : vector<256x2048xf32> to vector<256xf32>
    %broadcast_in_dim3A_144 = vector.shape_cast %reduce_max3A_143 : vector<256xf32> to vector<256x1xf32>
    %eq3A_145 = vector.broadcast %broadcast_in_dim3A_144 : vector<256x1xf32> to vector<256x2048xf32>
    %eq3A_146 = arith.cmpf oeq, %get3A_141, %eq3A_145 : vector<256x2048xf32>
    %jit3A_147 = arith.constant 2048 : i32
    %broadcast_in_dim3A_148 = vector.broadcast %jit3A_147 : i32 to vector<256x2048xi32>
    %select_n3A_149 = arith.select %eq3A_146, %iota3A, %broadcast_in_dim3A_148 : vector<256x2048xi1>, vector<256x2048xi32>
    %reduce_min3A_150 = arith.constant dense<2147483647> : vector<256xi32>
    %reduce_min3A_151 = vector.multi_reduction <minsi>, %select_n3A_149, %reduce_min3A_150 [1] : vector<256x2048xi32> to vector<256xi32>
    %add3A_152 = vector.broadcast %mul3A_28 : i32 to vector<256xi32>
    %add3A_153 = arith.addi %reduce_min3A_151, %add3A_152 : vector<256xi32>
    %swap3A_154 = arith.constant 4 : index
    %swap3A_155 = arith.constant 0 : index
    %swap3A_156 = vector.load %arg3[%swap3A_154, %swap3A_155] : memref<20x256xi32, #tpu.memory_space<vmem>>, vector<1x256xi32>
    %swap3A_157 = vector.shape_cast %swap3A_156 : vector<1x256xi32> to vector<256xi32>
    %swap3A_158 = vector.shape_cast %add3A_153 : vector<256xi32> to vector<1x256xi32>
    tpu.vector_store %arg3[%swap3A_154, %swap3A_155], %swap3A_158 {strides = array<i32>} : memref<20x256xi32, #tpu.memory_space<vmem>>, vector<1x256xi32>,
    %broadcast_in_dim3A_159 = vector.shape_cast %reduce_min3A_151 : vector<256xi32> to vector<256x1xi32>
    %eq3A_160 = vector.broadcast %broadcast_in_dim3A_159 : vector<256x1xi32> to vector<256x2048xi32>
    %eq3A_161 = arith.cmpi eq, %iota3A, %eq3A_160 : vector<256x2048xi32>
    %jit3A_162 = arith.constant 0xFF800000 : f32
    %broadcast_in_dim3A_163 = vector.broadcast %jit3A_162 : f32 to vector<256x2048xf32>
    %select_n3A_164 = arith.select %eq3A_161, %broadcast_in_dim3A_163, %get3A_141 : vector<256x2048xi1>, vector<256x2048xf32>
    %swap3A_165 = arith.constant 0 : index
    %swap3A_166 = arith.constant 0 : index
    %swap3A_167 = vector.load %arg4[%swap3A_165, %swap3A_166] : memref<256x2048xf32, #tpu.memory_space<vmem>>, vector<256x2048xf32>
    tpu.vector_store %arg4[%swap3A_165, %swap3A_166], %select_n3A_164 {strides = array<i32>} : memref<256x2048xf32, #tpu.memory_space<vmem>>, vector<256x2048xf32>,
    %get3A_168 = arith.constant 0 : index
    %get3A_169 = arith.constant 0 : index
    %get3A_170 = vector.load %arg4[%get3A_168, %get3A_169] : memref<256x2048xf32, #tpu.memory_space<vmem>>, vector<256x2048xf32>
    %reduce_max3A_171 = arith.constant dense<0xFF800000> : vector<256xf32>
    %reduce_max3A_172 = vector.multi_reduction <maximumf>, %get3A_170, %reduce_max3A_171 [1] : vector<256x2048xf32> to vector<256xf32>
    %broadcast_in_dim3A_173 = vector.shape_cast %reduce_max3A_172 : vector<256xf32> to vector<256x1xf32>
    %eq3A_174 = vector.broadcast %broadcast_in_dim3A_173 : vector<256x1xf32> to vector<256x2048xf32>
    %eq3A_175 = arith.cmpf oeq, %get3A_170, %eq3A_174 : vector<256x2048xf32>
    %jit3A_176 = arith.constant 2048 : i32
    %broadcast_in_dim3A_177 = vector.broadcast %jit3A_176 : i32 to vector<256x2048xi32>
    %select_n3A_178 = arith.select %eq3A_175, %iota3A, %broadcast_in_dim3A_177 : vector<256x2048xi1>, vector<256x2048xi32>
    %reduce_min3A_179 = arith.constant dense<2147483647> : vector<256xi32>
    %reduce_min3A_180 = vector.multi_reduction <minsi>, %select_n3A_178, %reduce_min3A_179 [1] : vector<256x2048xi32> to vector<256xi32>
    %add3A_181 = vector.broadcast %mul3A_28 : i32 to vector<256xi32>
    %add3A_182 = arith.addi %reduce_min3A_180, %add3A_181 : vector<256xi32>
    %swap3A_183 = arith.constant 5 : index
    %swap3A_184 = arith.constant 0 : index
    %swap3A_185 = vector.load %arg3[%swap3A_183, %swap3A_184] : memref<20x256xi32, #tpu.memory_space<vmem>>, vector<1x256xi32>
    %swap3A_186 = vector.shape_cast %swap3A_185 : vector<1x256xi32> to vector<256xi32>
    %swap3A_187 = vector.shape_cast %add3A_182 : vector<256xi32> to vector<1x256xi32>
    tpu.vector_store %arg3[%swap3A_183, %swap3A_184], %swap3A_187 {strides = array<i32>} : memref<20x256xi32, #tpu.memory_space<vmem>>, vector<1x256xi32>,
    %broadcast_in_dim3A_188 = vector.shape_cast %reduce_min3A_180 : vector<256xi32> to vector<256x1xi32>
    %eq3A_189 = vector.broadcast %broadcast_in_dim3A_188 : vector<256x1xi32> to vector<256x2048xi32>
    %eq3A_190 = arith.cmpi eq, %iota3A, %eq3A_189 : vector<256x2048xi32>
    %jit3A_191 = arith.constant 0xFF800000 : f32
    %broadcast_in_dim3A_192 = vector.broadcast %jit3A_191 : f32 to vector<256x2048xf32>
    %select_n3A_193 = arith.select %eq3A_190, %broadcast_in_dim3A_192, %get3A_170 : vector<256x2048xi1>, vector<256x2048xf32>
    %swap3A_194 = arith.constant 0 : index
    %swap3A_195 = arith.constant 0 : index
    %swap3A_196 = vector.load %arg4[%swap3A_194, %swap3A_195] : memref<256x2048xf32, #tpu.memory_space<vmem>>, vector<256x2048xf32>
    tpu.vector_store %arg4[%swap3A_194, %swap3A_195], %select_n3A_193 {strides = array<i32>} : memref<256x2048xf32, #tpu.memory_space<vmem>>, vector<256x2048xf32>,
    %get3A_197 = arith.constant 0 : index
    %get3A_198 = arith.constant 0 : index
    %get3A_199 = vector.load %arg4[%get3A_197, %get3A_198] : memref<256x2048xf32, #tpu.memory_space<vmem>>, vector<256x2048xf32>
    %reduce_max3A_200 = arith.constant dense<0xFF800000> : vector<256xf32>
    %reduce_max3A_201 = vector.multi_reduction <maximumf>, %get3A_199, %reduce_max3A_200 [1] : vector<256x2048xf32> to vector<256xf32>
    %broadcast_in_dim3A_202 = vector.shape_cast %reduce_max3A_201 : vector<256xf32> to vector<256x1xf32>
    %eq3A_203 = vector.broadcast %broadcast_in_dim3A_202 : vector<256x1xf32> to vector<256x2048xf32>
    %eq3A_204 = arith.cmpf oeq, %get3A_199, %eq3A_203 : vector<256x2048xf32>
    %jit3A_205 = arith.constant 2048 : i32
    %broadcast_in_dim3A_206 = vector.broadcast %jit3A_205 : i32 to vector<256x2048xi32>
    %select_n3A_207 = arith.select %eq3A_204, %iota3A, %broadcast_in_dim3A_206 : vector<256x2048xi1>, vector<256x2048xi32>
    %reduce_min3A_208 = arith.constant dense<2147483647> : vector<256xi32>
    %reduce_min3A_209 = vector.multi_reduction <minsi>, %select_n3A_207, %reduce_min3A_208 [1] : vector<256x2048xi32> to vector<256xi32>
    %add3A_210 = vector.broadcast %mul3A_28 : i32 to vector<256xi32>
    %add3A_211 = arith.addi %reduce_min3A_209, %add3A_210 : vector<256xi32>
    %swap3A_212 = arith.constant 6 : index
    %swap3A_213 = arith.constant 0 : index
    %swap3A_214 = vector.load %arg3[%swap3A_212, %swap3A_213] : memref<20x256xi32, #tpu.memory_space<vmem>>, vector<1x256xi32>
    %swap3A_215 = vector.shape_cast %swap3A_214 : vector<1x256xi32> to vector<256xi32>
    %swap3A_216 = vector.shape_cast %add3A_211 : vector<256xi32> to vector<1x256xi32>
    tpu.vector_store %arg3[%swap3A_212, %swap3A_213], %swap3A_216 {strides = array<i32>} : memref<20x256xi32, #tpu.memory_space<vmem>>, vector<1x256xi32>,
    %broadcast_in_dim3A_217 = vector.shape_cast %reduce_min3A_209 : vector<256xi32> to vector<256x1xi32>
    %eq3A_218 = vector.broadcast %broadcast_in_dim3A_217 : vector<256x1xi32> to vector<256x2048xi32>
    %eq3A_219 = arith.cmpi eq, %iota3A, %eq3A_218 : vector<256x2048xi32>
    %jit3A_220 = arith.constant 0xFF800000 : f32
    %broadcast_in_dim3A_221 = vector.broadcast %jit3A_220 : f32 to vector<256x2048xf32>
    %select_n3A_222 = arith.select %eq3A_219, %broadcast_in_dim3A_221, %get3A_199 : vector<256x2048xi1>, vector<256x2048xf32>
    %swap3A_223 = arith.constant 0 : index
    %swap3A_224 = arith.constant 0 : index
    %swap3A_225 = vector.load %arg4[%swap3A_223, %swap3A_224] : memref<256x2048xf32, #tpu.memory_space<vmem>>, vector<256x2048xf32>
    tpu.vector_store %arg4[%swap3A_223, %swap3A_224], %select_n3A_222 {strides = array<i32>} : memref<256x2048xf32, #tpu.memory_space<vmem>>, vector<256x2048xf32>,
    %get3A_226 = arith.constant 0 : index
    %get3A_227 = arith.constant 0 : index
    %get3A_228 = vector.load %arg4[%get3A_226, %get3A_227] : memref<256x2048xf32, #tpu.memory_space<vmem>>, vector<256x2048xf32>
    %reduce_max3A_229 = arith.constant dense<0xFF800000> : vector<256xf32>
    %reduce_max3A_230 = vector.multi_reduction <maximumf>, %get3A_228, %reduce_max3A_229 [1] : vector<256x2048xf32> to vector<256xf32>
    %broadcast_in_dim3A_231 = vector.shape_cast %reduce_max3A_230 : vector<256xf32> to vector<256x1xf32>
    %eq3A_232 = vector.broadcast %broadcast_in_dim3A_231 : vector<256x1xf32> to vector<256x2048xf32>
    %eq3A_233 = arith.cmpf oeq, %get3A_228, %eq3A_232 : vector<256x2048xf32>
    %jit3A_234 = arith.constant 2048 : i32
    %broadcast_in_dim3A_235 = vector.broadcast %jit3A_234 : i32 to vector<256x2048xi32>
    %select_n3A_236 = arith.select %eq3A_233, %iota3A, %broadcast_in_dim3A_235 : vector<256x2048xi1>, vector<256x2048xi32>
    %reduce_min3A_237 = arith.constant dense<2147483647> : vector<256xi32>
    %reduce_min3A_238 = vector.multi_reduction <minsi>, %select_n3A_236, %reduce_min3A_237 [1] : vector<256x2048xi32> to vector<256xi32>
    %add3A_239 = vector.broadcast %mul3A_28 : i32 to vector<256xi32>
    %add3A_240 = arith.addi %reduce_min3A_238, %add3A_239 : vector<256xi32>
    %swap3A_241 = arith.constant 7 : index
    %swap3A_242 = arith.constant 0 : index
    %swap3A_243 = vector.load %arg3[%swap3A_241, %swap3A_242] : memref<20x256xi32, #tpu.memory_space<vmem>>, vector<1x256xi32>
    %swap3A_244 = vector.shape_cast %swap3A_243 : vector<1x256xi32> to vector<256xi32>
    %swap3A_245 = vector.shape_cast %add3A_240 : vector<256xi32> to vector<1x256xi32>
    tpu.vector_store %arg3[%swap3A_241, %swap3A_242], %swap3A_245 {strides = array<i32>} : memref<20x256xi32, #tpu.memory_space<vmem>>, vector<1x256xi32>,
    %broadcast_in_dim3A_246 = vector.shape_cast %reduce_min3A_238 : vector<256xi32> to vector<256x1xi32>
    %eq3A_247 = vector.broadcast %broadcast_in_dim3A_246 : vector<256x1xi32> to vector<256x2048xi32>
    %eq3A_248 = arith.cmpi eq, %iota3A, %eq3A_247 : vector<256x2048xi32>
    %jit3A_249 = arith.constant 0xFF800000 : f32
    %broadcast_in_dim3A_250 = vector.broadcast %jit3A_249 : f32 to vector<256x2048xf32>
    %select_n3A_251 = arith.select %eq3A_248, %broadcast_in_dim3A_250, %get3A_228 : vector<256x2048xi1>, vector<256x2048xf32>
    %swap3A_252 = arith.constant 0 : index
    %swap3A_253 = arith.constant 0 : index
    %swap3A_254 = vector.load %arg4[%swap3A_252, %swap3A_253] : memref<256x2048xf32, #tpu.memory_space<vmem>>, vector<256x2048xf32>
    tpu.vector_store %arg4[%swap3A_252, %swap3A_253], %select_n3A_251 {strides = array<i32>} : memref<256x2048xf32, #tpu.memory_space<vmem>>, vector<256x2048xf32>,
    %get3A_255 = arith.constant 0 : index
    %get3A_256 = arith.constant 0 : index
    %get3A_257 = vector.load %arg4[%get3A_255, %get3A_256] : memref<256x2048xf32, #tpu.memory_space<vmem>>, vector<256x2048xf32>
    %reduce_max3A_258 = arith.constant dense<0xFF800000> : vector<256xf32>
    %reduce_max3A_259 = vector.multi_reduction <maximumf>, %get3A_257, %reduce_max3A_258 [1] : vector<256x2048xf32> to vector<256xf32>
    %broadcast_in_dim3A_260 = vector.shape_cast %reduce_max3A_259 : vector<256xf32> to vector<256x1xf32>
    %eq3A_261 = vector.broadcast %broadcast_in_dim3A_260 : vector<256x1xf32> to vector<256x2048xf32>
    %eq3A_262 = arith.cmpf oeq, %get3A_257, %eq3A_261 : vector<256x2048xf32>
    %jit3A_263 = arith.constant 2048 : i32
    %broadcast_in_dim3A_264 = vector.broadcast %jit3A_263 : i32 to vector<256x2048xi32>
    %select_n3A_265 = arith.select %eq3A_262, %iota3A, %broadcast_in_dim3A_264 : vector<256x2048xi1>, vector<256x2048xi32>
    %reduce_min3A_266 = arith.constant dense<2147483647> : vector<256xi32>
    %reduce_min3A_267 = vector.multi_reduction <minsi>, %select_n3A_265, %reduce_min3A_266 [1] : vector<256x2048xi32> to vector<256xi32>
    %add3A_268 = vector.broadcast %mul3A_28 : i32 to vector<256xi32>
    %add3A_269 = arith.addi %reduce_min3A_267, %add3A_268 : vector<256xi32>
    %swap3A_270 = arith.constant 8 : index
    %swap3A_271 = arith.constant 0 : index
    %swap3A_272 = vector.load %arg3[%swap3A_270, %swap3A_271] : memref<20x256xi32, #tpu.memory_space<vmem>>, vector<1x256xi32>
    %swap3A_273 = vector.shape_cast %swap3A_272 : vector<1x256xi32> to vector<256xi32>
    %swap3A_274 = vector.shape_cast %add3A_269 : vector<256xi32> to vector<1x256xi32>
    tpu.vector_store %arg3[%swap3A_270, %swap3A_271], %swap3A_274 {strides = array<i32>} : memref<20x256xi32, #tpu.memory_space<vmem>>, vector<1x256xi32>,
    %broadcast_in_dim3A_275 = vector.shape_cast %reduce_min3A_267 : vector<256xi32> to vector<256x1xi32>
    %eq3A_276 = vector.broadcast %broadcast_in_dim3A_275 : vector<256x1xi32> to vector<256x2048xi32>
    %eq3A_277 = arith.cmpi eq, %iota3A, %eq3A_276 : vector<256x2048xi32>
    %jit3A_278 = arith.constant 0xFF800000 : f32
    %broadcast_in_dim3A_279 = vector.broadcast %jit3A_278 : f32 to vector<256x2048xf32>
    %select_n3A_280 = arith.select %eq3A_277, %broadcast_in_dim3A_279, %get3A_257 : vector<256x2048xi1>, vector<256x2048xf32>
    %swap3A_281 = arith.constant 0 : index
    %swap3A_282 = arith.constant 0 : index
    %swap3A_283 = vector.load %arg4[%swap3A_281, %swap3A_282] : memref<256x2048xf32, #tpu.memory_space<vmem>>, vector<256x2048xf32>
    tpu.vector_store %arg4[%swap3A_281, %swap3A_282], %select_n3A_280 {strides = array<i32>} : memref<256x2048xf32, #tpu.memory_space<vmem>>, vector<256x2048xf32>,
    %get3A_284 = arith.constant 0 : index
    %get3A_285 = arith.constant 0 : index
    %get3A_286 = vector.load %arg4[%get3A_284, %get3A_285] : memref<256x2048xf32, #tpu.memory_space<vmem>>, vector<256x2048xf32>
    %reduce_max3A_287 = arith.constant dense<0xFF800000> : vector<256xf32>
    %reduce_max3A_288 = vector.multi_reduction <maximumf>, %get3A_286, %reduce_max3A_287 [1] : vector<256x2048xf32> to vector<256xf32>
    %broadcast_in_dim3A_289 = vector.shape_cast %reduce_max3A_288 : vector<256xf32> to vector<256x1xf32>
    %eq3A_290 = vector.broadcast %broadcast_in_dim3A_289 : vector<256x1xf32> to vector<256x2048xf32>
    %eq3A_291 = arith.cmpf oeq, %get3A_286, %eq3A_290 : vector<256x2048xf32>
    %jit3A_292 = arith.constant 2048 : i32
    %broadcast_in_dim3A_293 = vector.broadcast %jit3A_292 : i32 to vector<256x2048xi32>
    %select_n3A_294 = arith.select %eq3A_291, %iota3A, %broadcast_in_dim3A_293 : vector<256x2048xi1>, vector<256x2048xi32>
    %reduce_min3A_295 = arith.constant dense<2147483647> : vector<256xi32>
    %reduce_min3A_296 = vector.multi_reduction <minsi>, %select_n3A_294, %reduce_min3A_295 [1] : vector<256x2048xi32> to vector<256xi32>
    %add3A_297 = vector.broadcast %mul3A_28 : i32 to vector<256xi32>
    %add3A_298 = arith.addi %reduce_min3A_296, %add3A_297 : vector<256xi32>
    %swap3A_299 = arith.constant 9 : index
    %swap3A_300 = arith.constant 0 : index
    %swap3A_301 = vector.load %arg3[%swap3A_299, %swap3A_300] : memref<20x256xi32, #tpu.memory_space<vmem>>, vector<1x256xi32>
    %swap3A_302 = vector.shape_cast %swap3A_301 : vector<1x256xi32> to vector<256xi32>
    %swap3A_303 = vector.shape_cast %add3A_298 : vector<256xi32> to vector<1x256xi32>
    tpu.vector_store %arg3[%swap3A_299, %swap3A_300], %swap3A_303 {strides = array<i32>} : memref<20x256xi32, #tpu.memory_space<vmem>>, vector<1x256xi32>,
    %broadcast_in_dim3A_304 = vector.shape_cast %reduce_min3A_296 : vector<256xi32> to vector<256x1xi32>
    %eq3A_305 = vector.broadcast %broadcast_in_dim3A_304 : vector<256x1xi32> to vector<256x2048xi32>
    %eq3A_306 = arith.cmpi eq, %iota3A, %eq3A_305 : vector<256x2048xi32>
    %jit3A_307 = arith.constant 0xFF800000 : f32
    %broadcast_in_dim3A_308 = vector.broadcast %jit3A_307 : f32 to vector<256x2048xf32>
    %select_n3A_309 = arith.select %eq3A_306, %broadcast_in_dim3A_308, %get3A_286 : vector<256x2048xi1>, vector<256x2048xf32>
    %swap3A_310 = arith.constant 0 : index
    %swap3A_311 = arith.constant 0 : index
    %swap3A_312 = vector.load %arg4[%swap3A_310, %swap3A_311] : memref<256x2048xf32, #tpu.memory_space<vmem>>, vector<256x2048xf32>
    tpu.vector_store %arg4[%swap3A_310, %swap3A_311], %select_n3A_309 {strides = array<i32>} : memref<256x2048xf32, #tpu.memory_space<vmem>>, vector<256x2048xf32>,
    %get3A_313 = arith.constant 0 : index
    %get3A_314 = arith.constant 0 : index
    %get3A_315 = vector.load %arg4[%get3A_313, %get3A_314] : memref<256x2048xf32, #tpu.memory_space<vmem>>, vector<256x2048xf32>
    %reduce_max3A_316 = arith.constant dense<0xFF800000> : vector<256xf32>
    %reduce_max3A_317 = vector.multi_reduction <maximumf>, %get3A_315, %reduce_max3A_316 [1] : vector<256x2048xf32> to vector<256xf32>
    %broadcast_in_dim3A_318 = vector.shape_cast %reduce_max3A_317 : vector<256xf32> to vector<256x1xf32>
    %eq3A_319 = vector.broadcast %broadcast_in_dim3A_318 : vector<256x1xf32> to vector<256x2048xf32>
    %eq3A_320 = arith.cmpf oeq, %get3A_315, %eq3A_319 : vector<256x2048xf32>
    %jit3A_321 = arith.constant 2048 : i32
    %broadcast_in_dim3A_322 = vector.broadcast %jit3A_321 : i32 to vector<256x2048xi32>
    %select_n3A_323 = arith.select %eq3A_320, %iota3A, %broadcast_in_dim3A_322 : vector<256x2048xi1>, vector<256x2048xi32>
    %reduce_min3A_324 = arith.constant dense<2147483647> : vector<256xi32>
    %reduce_min3A_325 = vector.multi_reduction <minsi>, %select_n3A_323, %reduce_min3A_324 [1] : vector<256x2048xi32> to vector<256xi32>
    %add3A_326 = vector.broadcast %mul3A_28 : i32 to vector<256xi32>
    %add3A_327 = arith.addi %reduce_min3A_325, %add3A_326 : vector<256xi32>
    %swap3A_328 = arith.constant 10 : index
    %swap3A_329 = arith.constant 0 : index
    %swap3A_330 = vector.load %arg3[%swap3A_328, %swap3A_329] : memref<20x256xi32, #tpu.memory_space<vmem>>, vector<1x256xi32>
    %swap3A_331 = vector.shape_cast %swap3A_330 : vector<1x256xi32> to vector<256xi32>
    %swap3A_332 = vector.shape_cast %add3A_327 : vector<256xi32> to vector<1x256xi32>
    tpu.vector_store %arg3[%swap3A_328, %swap3A_329], %swap3A_332 {strides = array<i32>} : memref<20x256xi32, #tpu.memory_space<vmem>>, vector<1x256xi32>,
    %broadcast_in_dim3A_333 = vector.shape_cast %reduce_min3A_325 : vector<256xi32> to vector<256x1xi32>
    %eq3A_334 = vector.broadcast %broadcast_in_dim3A_333 : vector<256x1xi32> to vector<256x2048xi32>
    %eq3A_335 = arith.cmpi eq, %iota3A, %eq3A_334 : vector<256x2048xi32>
    %jit3A_336 = arith.constant 0xFF800000 : f32
    %broadcast_in_dim3A_337 = vector.broadcast %jit3A_336 : f32 to vector<256x2048xf32>
    %select_n3A_338 = arith.select %eq3A_335, %broadcast_in_dim3A_337, %get3A_315 : vector<256x2048xi1>, vector<256x2048xf32>
    %swap3A_339 = arith.constant 0 : index
    %swap3A_340 = arith.constant 0 : index
    %swap3A_341 = vector.load %arg4[%swap3A_339, %swap3A_340] : memref<256x2048xf32, #tpu.memory_space<vmem>>, vector<256x2048xf32>
    tpu.vector_store %arg4[%swap3A_339, %swap3A_340], %select_n3A_338 {strides = array<i32>} : memref<256x2048xf32, #tpu.memory_space<vmem>>, vector<256x2048xf32>,
    %get3A_342 = arith.constant 0 : index
    %get3A_343 = arith.constant 0 : index
    %get3A_344 = vector.load %arg4[%get3A_342, %get3A_343] : memref<256x2048xf32, #tpu.memory_space<vmem>>, vector<256x2048xf32>
    %reduce_max3A_345 = arith.constant dense<0xFF800000> : vector<256xf32>
    %reduce_max3A_346 = vector.multi_reduction <maximumf>, %get3A_344, %reduce_max3A_345 [1] : vector<256x2048xf32> to vector<256xf32>
    %broadcast_in_dim3A_347 = vector.shape_cast %reduce_max3A_346 : vector<256xf32> to vector<256x1xf32>
    %eq3A_348 = vector.broadcast %broadcast_in_dim3A_347 : vector<256x1xf32> to vector<256x2048xf32>
    %eq3A_349 = arith.cmpf oeq, %get3A_344, %eq3A_348 : vector<256x2048xf32>
    %jit3A_350 = arith.constant 2048 : i32
    %broadcast_in_dim3A_351 = vector.broadcast %jit3A_350 : i32 to vector<256x2048xi32>
    %select_n3A_352 = arith.select %eq3A_349, %iota3A, %broadcast_in_dim3A_351 : vector<256x2048xi1>, vector<256x2048xi32>
    %reduce_min3A_353 = arith.constant dense<2147483647> : vector<256xi32>
    %reduce_min3A_354 = vector.multi_reduction <minsi>, %select_n3A_352, %reduce_min3A_353 [1] : vector<256x2048xi32> to vector<256xi32>
    %add3A_355 = vector.broadcast %mul3A_28 : i32 to vector<256xi32>
    %add3A_356 = arith.addi %reduce_min3A_354, %add3A_355 : vector<256xi32>
    %swap3A_357 = arith.constant 11 : index
    %swap3A_358 = arith.constant 0 : index
    %swap3A_359 = vector.load %arg3[%swap3A_357, %swap3A_358] : memref<20x256xi32, #tpu.memory_space<vmem>>, vector<1x256xi32>
    %swap3A_360 = vector.shape_cast %swap3A_359 : vector<1x256xi32> to vector<256xi32>
    %swap3A_361 = vector.shape_cast %add3A_356 : vector<256xi32> to vector<1x256xi32>
    tpu.vector_store %arg3[%swap3A_357, %swap3A_358], %swap3A_361 {strides = array<i32>} : memref<20x256xi32, #tpu.memory_space<vmem>>, vector<1x256xi32>,
    %broadcast_in_dim3A_362 = vector.shape_cast %reduce_min3A_354 : vector<256xi32> to vector<256x1xi32>
    %eq3A_363 = vector.broadcast %broadcast_in_dim3A_362 : vector<256x1xi32> to vector<256x2048xi32>
    %eq3A_364 = arith.cmpi eq, %iota3A, %eq3A_363 : vector<256x2048xi32>
    %jit3A_365 = arith.constant 0xFF800000 : f32
    %broadcast_in_dim3A_366 = vector.broadcast %jit3A_365 : f32 to vector<256x2048xf32>
    %select_n3A_367 = arith.select %eq3A_364, %broadcast_in_dim3A_366, %get3A_344 : vector<256x2048xi1>, vector<256x2048xf32>
    %swap3A_368 = arith.constant 0 : index
    %swap3A_369 = arith.constant 0 : index
    %swap3A_370 = vector.load %arg4[%swap3A_368, %swap3A_369] : memref<256x2048xf32, #tpu.memory_space<vmem>>, vector<256x2048xf32>
    tpu.vector_store %arg4[%swap3A_368, %swap3A_369], %select_n3A_367 {strides = array<i32>} : memref<256x2048xf32, #tpu.memory_space<vmem>>, vector<256x2048xf32>,
    %get3A_371 = arith.constant 0 : index
    %get3A_372 = arith.constant 0 : index
    %get3A_373 = vector.load %arg4[%get3A_371, %get3A_372] : memref<256x2048xf32, #tpu.memory_space<vmem>>, vector<256x2048xf32>
    %reduce_max3A_374 = arith.constant dense<0xFF800000> : vector<256xf32>
    %reduce_max3A_375 = vector.multi_reduction <maximumf>, %get3A_373, %reduce_max3A_374 [1] : vector<256x2048xf32> to vector<256xf32>
    %broadcast_in_dim3A_376 = vector.shape_cast %reduce_max3A_375 : vector<256xf32> to vector<256x1xf32>
    %eq3A_377 = vector.broadcast %broadcast_in_dim3A_376 : vector<256x1xf32> to vector<256x2048xf32>
    %eq3A_378 = arith.cmpf oeq, %get3A_373, %eq3A_377 : vector<256x2048xf32>
    %jit3A_379 = arith.constant 2048 : i32
    %broadcast_in_dim3A_380 = vector.broadcast %jit3A_379 : i32 to vector<256x2048xi32>
    %select_n3A_381 = arith.select %eq3A_378, %iota3A, %broadcast_in_dim3A_380 : vector<256x2048xi1>, vector<256x2048xi32>
    %reduce_min3A_382 = arith.constant dense<2147483647> : vector<256xi32>
    %reduce_min3A_383 = vector.multi_reduction <minsi>, %select_n3A_381, %reduce_min3A_382 [1] : vector<256x2048xi32> to vector<256xi32>
    %add3A_384 = vector.broadcast %mul3A_28 : i32 to vector<256xi32>
    %add3A_385 = arith.addi %reduce_min3A_383, %add3A_384 : vector<256xi32>
    %swap3A_386 = arith.constant 12 : index
    %swap3A_387 = arith.constant 0 : index
    %swap3A_388 = vector.load %arg3[%swap3A_386, %swap3A_387] : memref<20x256xi32, #tpu.memory_space<vmem>>, vector<1x256xi32>
    %swap3A_389 = vector.shape_cast %swap3A_388 : vector<1x256xi32> to vector<256xi32>
    %swap3A_390 = vector.shape_cast %add3A_385 : vector<256xi32> to vector<1x256xi32>
    tpu.vector_store %arg3[%swap3A_386, %swap3A_387], %swap3A_390 {strides = array<i32>} : memref<20x256xi32, #tpu.memory_space<vmem>>, vector<1x256xi32>,
    %broadcast_in_dim3A_391 = vector.shape_cast %reduce_min3A_383 : vector<256xi32> to vector<256x1xi32>
    %eq3A_392 = vector.broadcast %broadcast_in_dim3A_391 : vector<256x1xi32> to vector<256x2048xi32>
    %eq3A_393 = arith.cmpi eq, %iota3A, %eq3A_392 : vector<256x2048xi32>
    %jit3A_394 = arith.constant 0xFF800000 : f32
    %broadcast_in_dim3A_395 = vector.broadcast %jit3A_394 : f32 to vector<256x2048xf32>
    %select_n3A_396 = arith.select %eq3A_393, %broadcast_in_dim3A_395, %get3A_373 : vector<256x2048xi1>, vector<256x2048xf32>
    %swap3A_397 = arith.constant 0 : index
    %swap3A_398 = arith.constant 0 : index
    %swap3A_399 = vector.load %arg4[%swap3A_397, %swap3A_398] : memref<256x2048xf32, #tpu.memory_space<vmem>>, vector<256x2048xf32>
    tpu.vector_store %arg4[%swap3A_397, %swap3A_398], %select_n3A_396 {strides = array<i32>} : memref<256x2048xf32, #tpu.memory_space<vmem>>, vector<256x2048xf32>,
    %get3A_400 = arith.constant 0 : index
    %get3A_401 = arith.constant 0 : index
    %get3A_402 = vector.load %arg4[%get3A_400, %get3A_401] : memref<256x2048xf32, #tpu.memory_space<vmem>>, vector<256x2048xf32>
    %reduce_max3A_403 = arith.constant dense<0xFF800000> : vector<256xf32>
    %reduce_max3A_404 = vector.multi_reduction <maximumf>, %get3A_402, %reduce_max3A_403 [1] : vector<256x2048xf32> to vector<256xf32>
    %broadcast_in_dim3A_405 = vector.shape_cast %reduce_max3A_404 : vector<256xf32> to vector<256x1xf32>
    %eq3A_406 = vector.broadcast %broadcast_in_dim3A_405 : vector<256x1xf32> to vector<256x2048xf32>
    %eq3A_407 = arith.cmpf oeq, %get3A_402, %eq3A_406 : vector<256x2048xf32>
    %jit3A_408 = arith.constant 2048 : i32
    %broadcast_in_dim3A_409 = vector.broadcast %jit3A_408 : i32 to vector<256x2048xi32>
    %select_n3A_410 = arith.select %eq3A_407, %iota3A, %broadcast_in_dim3A_409 : vector<256x2048xi1>, vector<256x2048xi32>
    %reduce_min3A_411 = arith.constant dense<2147483647> : vector<256xi32>
    %reduce_min3A_412 = vector.multi_reduction <minsi>, %select_n3A_410, %reduce_min3A_411 [1] : vector<256x2048xi32> to vector<256xi32>
    %add3A_413 = vector.broadcast %mul3A_28 : i32 to vector<256xi32>
    %add3A_414 = arith.addi %reduce_min3A_412, %add3A_413 : vector<256xi32>
    %swap3A_415 = arith.constant 13 : index
    %swap3A_416 = arith.constant 0 : index
    %swap3A_417 = vector.load %arg3[%swap3A_415, %swap3A_416] : memref<20x256xi32, #tpu.memory_space<vmem>>, vector<1x256xi32>
    %swap3A_418 = vector.shape_cast %swap3A_417 : vector<1x256xi32> to vector<256xi32>
    %swap3A_419 = vector.shape_cast %add3A_414 : vector<256xi32> to vector<1x256xi32>
    tpu.vector_store %arg3[%swap3A_415, %swap3A_416], %swap3A_419 {strides = array<i32>} : memref<20x256xi32, #tpu.memory_space<vmem>>, vector<1x256xi32>,
    %broadcast_in_dim3A_420 = vector.shape_cast %reduce_min3A_412 : vector<256xi32> to vector<256x1xi32>
    %eq3A_421 = vector.broadcast %broadcast_in_dim3A_420 : vector<256x1xi32> to vector<256x2048xi32>
    %eq3A_422 = arith.cmpi eq, %iota3A, %eq3A_421 : vector<256x2048xi32>
    %jit3A_423 = arith.constant 0xFF800000 : f32
    %broadcast_in_dim3A_424 = vector.broadcast %jit3A_423 : f32 to vector<256x2048xf32>
    %select_n3A_425 = arith.select %eq3A_422, %broadcast_in_dim3A_424, %get3A_402 : vector<256x2048xi1>, vector<256x2048xf32>
    %swap3A_426 = arith.constant 0 : index
    %swap3A_427 = arith.constant 0 : index
    %swap3A_428 = vector.load %arg4[%swap3A_426, %swap3A_427] : memref<256x2048xf32, #tpu.memory_space<vmem>>, vector<256x2048xf32>
    tpu.vector_store %arg4[%swap3A_426, %swap3A_427], %select_n3A_425 {strides = array<i32>} : memref<256x2048xf32, #tpu.memory_space<vmem>>, vector<256x2048xf32>,
    %get3A_429 = arith.constant 0 : index
    %get3A_430 = arith.constant 0 : index
    %get3A_431 = vector.load %arg4[%get3A_429, %get3A_430] : memref<256x2048xf32, #tpu.memory_space<vmem>>, vector<256x2048xf32>
    %reduce_max3A_432 = arith.constant dense<0xFF800000> : vector<256xf32>
    %reduce_max3A_433 = vector.multi_reduction <maximumf>, %get3A_431, %reduce_max3A_432 [1] : vector<256x2048xf32> to vector<256xf32>
    %broadcast_in_dim3A_434 = vector.shape_cast %reduce_max3A_433 : vector<256xf32> to vector<256x1xf32>
    %eq3A_435 = vector.broadcast %broadcast_in_dim3A_434 : vector<256x1xf32> to vector<256x2048xf32>
    %eq3A_436 = arith.cmpf oeq, %get3A_431, %eq3A_435 : vector<256x2048xf32>
    %jit3A_437 = arith.constant 2048 : i32
    %broadcast_in_dim3A_438 = vector.broadcast %jit3A_437 : i32 to vector<256x2048xi32>
    %select_n3A_439 = arith.select %eq3A_436, %iota3A, %broadcast_in_dim3A_438 : vector<256x2048xi1>, vector<256x2048xi32>
    %reduce_min3A_440 = arith.constant dense<2147483647> : vector<256xi32>
    %reduce_min3A_441 = vector.multi_reduction <minsi>, %select_n3A_439, %reduce_min3A_440 [1] : vector<256x2048xi32> to vector<256xi32>
    %add3A_442 = vector.broadcast %mul3A_28 : i32 to vector<256xi32>
    %add3A_443 = arith.addi %reduce_min3A_441, %add3A_442 : vector<256xi32>
    %swap3A_444 = arith.constant 14 : index
    %swap3A_445 = arith.constant 0 : index
    %swap3A_446 = vector.load %arg3[%swap3A_444, %swap3A_445] : memref<20x256xi32, #tpu.memory_space<vmem>>, vector<1x256xi32>
    %swap3A_447 = vector.shape_cast %swap3A_446 : vector<1x256xi32> to vector<256xi32>
    %swap3A_448 = vector.shape_cast %add3A_443 : vector<256xi32> to vector<1x256xi32>
    tpu.vector_store %arg3[%swap3A_444, %swap3A_445], %swap3A_448 {strides = array<i32>} : memref<20x256xi32, #tpu.memory_space<vmem>>, vector<1x256xi32>,
    %broadcast_in_dim3A_449 = vector.shape_cast %reduce_min3A_441 : vector<256xi32> to vector<256x1xi32>
    %eq3A_450 = vector.broadcast %broadcast_in_dim3A_449 : vector<256x1xi32> to vector<256x2048xi32>
    %eq3A_451 = arith.cmpi eq, %iota3A, %eq3A_450 : vector<256x2048xi32>
    %jit3A_452 = arith.constant 0xFF800000 : f32
    %broadcast_in_dim3A_453 = vector.broadcast %jit3A_452 : f32 to vector<256x2048xf32>
    %select_n3A_454 = arith.select %eq3A_451, %broadcast_in_dim3A_453, %get3A_431 : vector<256x2048xi1>, vector<256x2048xf32>
    %swap3A_455 = arith.constant 0 : index
    %swap3A_456 = arith.constant 0 : index
    %swap3A_457 = vector.load %arg4[%swap3A_455, %swap3A_456] : memref<256x2048xf32, #tpu.memory_space<vmem>>, vector<256x2048xf32>
    tpu.vector_store %arg4[%swap3A_455, %swap3A_456], %select_n3A_454 {strides = array<i32>} : memref<256x2048xf32, #tpu.memory_space<vmem>>, vector<256x2048xf32>,
    %get3A_458 = arith.constant 0 : index
    %get3A_459 = arith.constant 0 : index
    %get3A_460 = vector.load %arg4[%get3A_458, %get3A_459] : memref<256x2048xf32, #tpu.memory_space<vmem>>, vector<256x2048xf32>
    %reduce_max3A_461 = arith.constant dense<0xFF800000> : vector<256xf32>
    %reduce_max3A_462 = vector.multi_reduction <maximumf>, %get3A_460, %reduce_max3A_461 [1] : vector<256x2048xf32> to vector<256xf32>
    %broadcast_in_dim3A_463 = vector.shape_cast %reduce_max3A_462 : vector<256xf32> to vector<256x1xf32>
    %eq3A_464 = vector.broadcast %broadcast_in_dim3A_463 : vector<256x1xf32> to vector<256x2048xf32>
    %eq3A_465 = arith.cmpf oeq, %get3A_460, %eq3A_464 : vector<256x2048xf32>
    %jit3A_466 = arith.constant 2048 : i32
    %broadcast_in_dim3A_467 = vector.broadcast %jit3A_466 : i32 to vector<256x2048xi32>
    %select_n3A_468 = arith.select %eq3A_465, %iota3A, %broadcast_in_dim3A_467 : vector<256x2048xi1>, vector<256x2048xi32>
    %reduce_min3A_469 = arith.constant dense<2147483647> : vector<256xi32>
    %reduce_min3A_470 = vector.multi_reduction <minsi>, %select_n3A_468, %reduce_min3A_469 [1] : vector<256x2048xi32> to vector<256xi32>
    %add3A_471 = vector.broadcast %mul3A_28 : i32 to vector<256xi32>
    %add3A_472 = arith.addi %reduce_min3A_470, %add3A_471 : vector<256xi32>
    %swap3A_473 = arith.constant 15 : index
    %swap3A_474 = arith.constant 0 : index
    %swap3A_475 = vector.load %arg3[%swap3A_473, %swap3A_474] : memref<20x256xi32, #tpu.memory_space<vmem>>, vector<1x256xi32>
    %swap3A_476 = vector.shape_cast %swap3A_475 : vector<1x256xi32> to vector<256xi32>
    %swap3A_477 = vector.shape_cast %add3A_472 : vector<256xi32> to vector<1x256xi32>
    tpu.vector_store %arg3[%swap3A_473, %swap3A_474], %swap3A_477 {strides = array<i32>} : memref<20x256xi32, #tpu.memory_space<vmem>>, vector<1x256xi32>,
    %broadcast_in_dim3A_478 = vector.shape_cast %reduce_min3A_470 : vector<256xi32> to vector<256x1xi32>
    %eq3A_479 = vector.broadcast %broadcast_in_dim3A_478 : vector<256x1xi32> to vector<256x2048xi32>
    %eq3A_480 = arith.cmpi eq, %iota3A, %eq3A_479 : vector<256x2048xi32>
    %jit3A_481 = arith.constant 0xFF800000 : f32
    %broadcast_in_dim3A_482 = vector.broadcast %jit3A_481 : f32 to vector<256x2048xf32>
    %select_n3A_483 = arith.select %eq3A_480, %broadcast_in_dim3A_482, %get3A_460 : vector<256x2048xi1>, vector<256x2048xf32>
    %swap3A_484 = arith.constant 0 : index
    %swap3A_485 = arith.constant 0 : index
    %swap3A_486 = vector.load %arg4[%swap3A_484, %swap3A_485] : memref<256x2048xf32, #tpu.memory_space<vmem>>, vector<256x2048xf32>
    tpu.vector_store %arg4[%swap3A_484, %swap3A_485], %select_n3A_483 {strides = array<i32>} : memref<256x2048xf32, #tpu.memory_space<vmem>>, vector<256x2048xf32>,
    %get3A_487 = arith.constant 0 : index
    %get3A_488 = arith.constant 0 : index
    %get3A_489 = vector.load %arg4[%get3A_487, %get3A_488] : memref<256x2048xf32, #tpu.memory_space<vmem>>, vector<256x2048xf32>
    %reduce_max3A_490 = arith.constant dense<0xFF800000> : vector<256xf32>
    %reduce_max3A_491 = vector.multi_reduction <maximumf>, %get3A_489, %reduce_max3A_490 [1] : vector<256x2048xf32> to vector<256xf32>
    %broadcast_in_dim3A_492 = vector.shape_cast %reduce_max3A_491 : vector<256xf32> to vector<256x1xf32>
    %eq3A_493 = vector.broadcast %broadcast_in_dim3A_492 : vector<256x1xf32> to vector<256x2048xf32>
    %eq3A_494 = arith.cmpf oeq, %get3A_489, %eq3A_493 : vector<256x2048xf32>
    %jit3A_495 = arith.constant 2048 : i32
    %broadcast_in_dim3A_496 = vector.broadcast %jit3A_495 : i32 to vector<256x2048xi32>
    %select_n3A_497 = arith.select %eq3A_494, %iota3A, %broadcast_in_dim3A_496 : vector<256x2048xi1>, vector<256x2048xi32>
    %reduce_min3A_498 = arith.constant dense<2147483647> : vector<256xi32>
    %reduce_min3A_499 = vector.multi_reduction <minsi>, %select_n3A_497, %reduce_min3A_498 [1] : vector<256x2048xi32> to vector<256xi32>
    %add3A_500 = vector.broadcast %mul3A_28 : i32 to vector<256xi32>
    %add3A_501 = arith.addi %reduce_min3A_499, %add3A_500 : vector<256xi32>
    %swap3A_502 = arith.constant 16 : index
    %swap3A_503 = arith.constant 0 : index
    %swap3A_504 = vector.load %arg3[%swap3A_502, %swap3A_503] : memref<20x256xi32, #tpu.memory_space<vmem>>, vector<1x256xi32>
    %swap3A_505 = vector.shape_cast %swap3A_504 : vector<1x256xi32> to vector<256xi32>
    %swap3A_506 = vector.shape_cast %add3A_501 : vector<256xi32> to vector<1x256xi32>
    tpu.vector_store %arg3[%swap3A_502, %swap3A_503], %swap3A_506 {strides = array<i32>} : memref<20x256xi32, #tpu.memory_space<vmem>>, vector<1x256xi32>,
    %broadcast_in_dim3A_507 = vector.shape_cast %reduce_min3A_499 : vector<256xi32> to vector<256x1xi32>
    %eq3A_508 = vector.broadcast %broadcast_in_dim3A_507 : vector<256x1xi32> to vector<256x2048xi32>
    %eq3A_509 = arith.cmpi eq, %iota3A, %eq3A_508 : vector<256x2048xi32>
    %jit3A_510 = arith.constant 0xFF800000 : f32
    %broadcast_in_dim3A_511 = vector.broadcast %jit3A_510 : f32 to vector<256x2048xf32>
    %select_n3A_512 = arith.select %eq3A_509, %broadcast_in_dim3A_511, %get3A_489 : vector<256x2048xi1>, vector<256x2048xf32>
    %swap3A_513 = arith.constant 0 : index
    %swap3A_514 = arith.constant 0 : index
    %swap3A_515 = vector.load %arg4[%swap3A_513, %swap3A_514] : memref<256x2048xf32, #tpu.memory_space<vmem>>, vector<256x2048xf32>
    tpu.vector_store %arg4[%swap3A_513, %swap3A_514], %select_n3A_512 {strides = array<i32>} : memref<256x2048xf32, #tpu.memory_space<vmem>>, vector<256x2048xf32>,
    %get3A_516 = arith.constant 0 : index
    %get3A_517 = arith.constant 0 : index
    %get3A_518 = vector.load %arg4[%get3A_516, %get3A_517] : memref<256x2048xf32, #tpu.memory_space<vmem>>, vector<256x2048xf32>
    %reduce_max3A_519 = arith.constant dense<0xFF800000> : vector<256xf32>
    %reduce_max3A_520 = vector.multi_reduction <maximumf>, %get3A_518, %reduce_max3A_519 [1] : vector<256x2048xf32> to vector<256xf32>
    %broadcast_in_dim3A_521 = vector.shape_cast %reduce_max3A_520 : vector<256xf32> to vector<256x1xf32>
    %eq3A_522 = vector.broadcast %broadcast_in_dim3A_521 : vector<256x1xf32> to vector<256x2048xf32>
    %eq3A_523 = arith.cmpf oeq, %get3A_518, %eq3A_522 : vector<256x2048xf32>
    %jit3A_524 = arith.constant 2048 : i32
    %broadcast_in_dim3A_525 = vector.broadcast %jit3A_524 : i32 to vector<256x2048xi32>
    %select_n3A_526 = arith.select %eq3A_523, %iota3A, %broadcast_in_dim3A_525 : vector<256x2048xi1>, vector<256x2048xi32>
    %reduce_min3A_527 = arith.constant dense<2147483647> : vector<256xi32>
    %reduce_min3A_528 = vector.multi_reduction <minsi>, %select_n3A_526, %reduce_min3A_527 [1] : vector<256x2048xi32> to vector<256xi32>
    %add3A_529 = vector.broadcast %mul3A_28 : i32 to vector<256xi32>
    %add3A_530 = arith.addi %reduce_min3A_528, %add3A_529 : vector<256xi32>
    %swap3A_531 = arith.constant 17 : index
    %swap3A_532 = arith.constant 0 : index
    %swap3A_533 = vector.load %arg3[%swap3A_531, %swap3A_532] : memref<20x256xi32, #tpu.memory_space<vmem>>, vector<1x256xi32>
    %swap3A_534 = vector.shape_cast %swap3A_533 : vector<1x256xi32> to vector<256xi32>
    %swap3A_535 = vector.shape_cast %add3A_530 : vector<256xi32> to vector<1x256xi32>
    tpu.vector_store %arg3[%swap3A_531, %swap3A_532], %swap3A_535 {strides = array<i32>} : memref<20x256xi32, #tpu.memory_space<vmem>>, vector<1x256xi32>,
    %broadcast_in_dim3A_536 = vector.shape_cast %reduce_min3A_528 : vector<256xi32> to vector<256x1xi32>
    %eq3A_537 = vector.broadcast %broadcast_in_dim3A_536 : vector<256x1xi32> to vector<256x2048xi32>
    %eq3A_538 = arith.cmpi eq, %iota3A, %eq3A_537 : vector<256x2048xi32>
    %jit3A_539 = arith.constant 0xFF800000 : f32
    %broadcast_in_dim3A_540 = vector.broadcast %jit3A_539 : f32 to vector<256x2048xf32>
    %select_n3A_541 = arith.select %eq3A_538, %broadcast_in_dim3A_540, %get3A_518 : vector<256x2048xi1>, vector<256x2048xf32>
    %swap3A_542 = arith.constant 0 : index
    %swap3A_543 = arith.constant 0 : index
    %swap3A_544 = vector.load %arg4[%swap3A_542, %swap3A_543] : memref<256x2048xf32, #tpu.memory_space<vmem>>, vector<256x2048xf32>
    tpu.vector_store %arg4[%swap3A_542, %swap3A_543], %select_n3A_541 {strides = array<i32>} : memref<256x2048xf32, #tpu.memory_space<vmem>>, vector<256x2048xf32>,
    %get3A_545 = arith.constant 0 : index
    %get3A_546 = arith.constant 0 : index
    %get3A_547 = vector.load %arg4[%get3A_545, %get3A_546] : memref<256x2048xf32, #tpu.memory_space<vmem>>, vector<256x2048xf32>
    %reduce_max3A_548 = arith.constant dense<0xFF800000> : vector<256xf32>
    %reduce_max3A_549 = vector.multi_reduction <maximumf>, %get3A_547, %reduce_max3A_548 [1] : vector<256x2048xf32> to vector<256xf32>
    %broadcast_in_dim3A_550 = vector.shape_cast %reduce_max3A_549 : vector<256xf32> to vector<256x1xf32>
    %eq3A_551 = vector.broadcast %broadcast_in_dim3A_550 : vector<256x1xf32> to vector<256x2048xf32>
    %eq3A_552 = arith.cmpf oeq, %get3A_547, %eq3A_551 : vector<256x2048xf32>
    %jit3A_553 = arith.constant 2048 : i32
    %broadcast_in_dim3A_554 = vector.broadcast %jit3A_553 : i32 to vector<256x2048xi32>
    %select_n3A_555 = arith.select %eq3A_552, %iota3A, %broadcast_in_dim3A_554 : vector<256x2048xi1>, vector<256x2048xi32>
    %reduce_min3A_556 = arith.constant dense<2147483647> : vector<256xi32>
    %reduce_min3A_557 = vector.multi_reduction <minsi>, %select_n3A_555, %reduce_min3A_556 [1] : vector<256x2048xi32> to vector<256xi32>
    %add3A_558 = vector.broadcast %mul3A_28 : i32 to vector<256xi32>
    %add3A_559 = arith.addi %reduce_min3A_557, %add3A_558 : vector<256xi32>
    %swap3A_560 = arith.constant 18 : index
    %swap3A_561 = arith.constant 0 : index
    %swap3A_562 = vector.load %arg3[%swap3A_560, %swap3A_561] : memref<20x256xi32, #tpu.memory_space<vmem>>, vector<1x256xi32>
    %swap3A_563 = vector.shape_cast %swap3A_562 : vector<1x256xi32> to vector<256xi32>
    %swap3A_564 = vector.shape_cast %add3A_559 : vector<256xi32> to vector<1x256xi32>
    tpu.vector_store %arg3[%swap3A_560, %swap3A_561], %swap3A_564 {strides = array<i32>} : memref<20x256xi32, #tpu.memory_space<vmem>>, vector<1x256xi32>,
    %broadcast_in_dim3A_565 = vector.shape_cast %reduce_min3A_557 : vector<256xi32> to vector<256x1xi32>
    %eq3A_566 = vector.broadcast %broadcast_in_dim3A_565 : vector<256x1xi32> to vector<256x2048xi32>
    %eq3A_567 = arith.cmpi eq, %iota3A, %eq3A_566 : vector<256x2048xi32>
    %jit3A_568 = arith.constant 0xFF800000 : f32
    %broadcast_in_dim3A_569 = vector.broadcast %jit3A_568 : f32 to vector<256x2048xf32>
    %select_n3A_570 = arith.select %eq3A_567, %broadcast_in_dim3A_569, %get3A_547 : vector<256x2048xi1>, vector<256x2048xf32>
    %swap3A_571 = arith.constant 0 : index
    %swap3A_572 = arith.constant 0 : index
    %swap3A_573 = vector.load %arg4[%swap3A_571, %swap3A_572] : memref<256x2048xf32, #tpu.memory_space<vmem>>, vector<256x2048xf32>
    tpu.vector_store %arg4[%swap3A_571, %swap3A_572], %select_n3A_570 {strides = array<i32>} : memref<256x2048xf32, #tpu.memory_space<vmem>>, vector<256x2048xf32>,
    %get3A_574 = arith.constant 0 : index
    %get3A_575 = arith.constant 0 : index
    %get3A_576 = vector.load %arg4[%get3A_574, %get3A_575] : memref<256x2048xf32, #tpu.memory_space<vmem>>, vector<256x2048xf32>
    %reduce_max3A_577 = arith.constant dense<0xFF800000> : vector<256xf32>
    %reduce_max3A_578 = vector.multi_reduction <maximumf>, %get3A_576, %reduce_max3A_577 [1] : vector<256x2048xf32> to vector<256xf32>
    %broadcast_in_dim3A_579 = vector.shape_cast %reduce_max3A_578 : vector<256xf32> to vector<256x1xf32>
    %eq3A_580 = vector.broadcast %broadcast_in_dim3A_579 : vector<256x1xf32> to vector<256x2048xf32>
    %eq3A_581 = arith.cmpf oeq, %get3A_576, %eq3A_580 : vector<256x2048xf32>
    %jit3A_582 = arith.constant 2048 : i32
    %broadcast_in_dim3A_583 = vector.broadcast %jit3A_582 : i32 to vector<256x2048xi32>
    %select_n3A_584 = arith.select %eq3A_581, %iota3A, %broadcast_in_dim3A_583 : vector<256x2048xi1>, vector<256x2048xi32>
    %reduce_min3A_585 = arith.constant dense<2147483647> : vector<256xi32>
    %reduce_min3A_586 = vector.multi_reduction <minsi>, %select_n3A_584, %reduce_min3A_585 [1] : vector<256x2048xi32> to vector<256xi32>
    %add3A_587 = vector.broadcast %mul3A_28 : i32 to vector<256xi32>
    %add3A_588 = arith.addi %reduce_min3A_586, %add3A_587 : vector<256xi32>
    %swap3A_589 = arith.constant 19 : index
    %swap3A_590 = arith.constant 0 : index
    %swap3A_591 = vector.load %arg3[%swap3A_589, %swap3A_590] : memref<20x256xi32, #tpu.memory_space<vmem>>, vector<1x256xi32>
    %swap3A_592 = vector.shape_cast %swap3A_591 : vector<1x256xi32> to vector<256xi32>
    %swap3A_593 = vector.shape_cast %add3A_588 : vector<256xi32> to vector<1x256xi32>
    tpu.vector_store %arg3[%swap3A_589, %swap3A_590], %swap3A_593 {strides = array<i32>} : memref<20x256xi32, #tpu.memory_space<vmem>>, vector<1x256xi32>,
    %broadcast_in_dim3A_594 = vector.shape_cast %reduce_min3A_586 : vector<256xi32> to vector<256x1xi32>
    %eq3A_595 = vector.broadcast %broadcast_in_dim3A_594 : vector<256x1xi32> to vector<256x2048xi32>
    %eq3A_596 = arith.cmpi eq, %iota3A, %eq3A_595 : vector<256x2048xi32>
    %jit3A_597 = arith.constant 0xFF800000 : f32
    %broadcast_in_dim3A_598 = vector.broadcast %jit3A_597 : f32 to vector<256x2048xf32>
    %select_n3A_599 = arith.select %eq3A_596, %broadcast_in_dim3A_598, %get3A_576 : vector<256x2048xi1>, vector<256x2048xf32>
    %swap3A_600 = arith.constant 0 : index
    %swap3A_601 = arith.constant 0 : index
    %swap3A_602 = vector.load %arg4[%swap3A_600, %swap3A_601] : memref<256x2048xf32, #tpu.memory_space<vmem>>, vector<256x2048xf32>
    tpu.vector_store %arg4[%swap3A_600, %swap3A_601], %select_n3A_599 {strides = array<i32>} : memref<256x2048xf32, #tpu.memory_space<vmem>>, vector<256x2048xf32>,
    return
  }
  func.func @transform_0(%arg0: i32, %arg1: i32) -> (i32, i32, i32) {
    %c0_i32 = arith.constant 0 : i32
    %c0_i32_0 = arith.constant 0 : i32
    %c0_i32_1 = arith.constant 0 : i32
    return %arg0, %c0_i32, %c0_i32_0 : i32, i32, i32
  }
  func.func @transform_1(%arg0: i32, %arg1: i32) -> (i32, i32) {
    %mul3A = arith.constant 8 : i32
    %mul3A_0 = arith.muli %arg0, %mul3A : i32
    %add3A = arith.addi %mul3A_0, %arg1 : i32
    %c0_i32 = arith.constant 0 : i32
    %c0_i32_1 = arith.constant 0 : i32
    return %c0_i32, %add3A : i32, i32
  }
}

module attributes {stable_mosaic.version = 14 : i64} {
  func.func @_conv_body(%arg0: i32, %arg1: i32, %arg2: memref<512x8xf32, #tpu.memory_space<vmem>>, %arg3: memref<512x8xf32, #tpu.memory_space<vmem>>, %arg4: memref<16x64xf32, #tpu.memory_space<vmem>>, %arg5: memref<512x64xf32, #tpu.memory_space<vmem>>, %arg6: memref<512x64xf32, #tpu.memory_space<vmem>>) attributes {dimension_semantics = [#tpu.dimension_semantics<arbitrary>, #tpu.dimension_semantics<arbitrary>], iteration_bounds = array<i64: 32, 20>, scalar_prefetch = 0 : i64, scratch_operands = 0 : i64, tpu.core_type = #tpu.core_type<tc>, window_params = [{transform_indices = @transform_0, window_bounds = array<i64: 512, 8>}, {transform_indices = @transform_1, window_bounds = array<i64: 512, 8>}, {pipeline_mode = #tpu.pipeline_mode<synchronous>, transform_indices = @transform_2, window_bounds = array<i64: 16, 64>}, {transform_indices = @transform_3, window_bounds = array<i64: 512, 64>}, {transform_indices = @transform_4, window_bounds = array<i64: 512, 64>}]} {
    %get3A = arith.constant 0 : index
    %get3A_0 = arith.constant 0 : index
    %get3A_1 = vector.load %arg3[%get3A, %get3A_0] : memref<512x8xf32, #tpu.memory_space<vmem>>, vector<512x8xf32>
    %get3A_2 = arith.constant 0 : index
    %get3A_3 = arith.constant 0 : index
    %get3A_4 = vector.load %arg2[%get3A_2, %get3A_3] : memref<512x8xf32, #tpu.memory_space<vmem>>, vector<512x8xf32>
    %sub3A = arith.subf %get3A_4, %get3A_1 : vector<512x8xf32>
    %concatenate3A = tpu.concatenate %sub3A, %get3A_1 in 1 : vector<512x8xf32>, vector<512x8xf32> -> vector<512x16xf32>
    %get3A_5 = arith.constant 0 : index
    %get3A_6 = arith.constant 0 : index
    %get3A_7 = vector.load %arg4[%get3A_5, %get3A_6] : memref<16x64xf32, #tpu.memory_space<vmem>>, vector<16x64xf32>
    %dot_general3A = arith.constant dense<0.000000e+00> : vector<512x64xf32>
    %dot_general3A_8 = tpu.matmul %concatenate3A, %get3A_7, %dot_general3A {dimension_numbers = #tpu.dot_dimension_numbers<[1], [0], [0], [1], [0, 0, 1, 1], [], []>, transpose_lhs_hint = false} : vector<512x16xf32>, vector<16x64xf32>, vector<512x64xf32> -> vector<512x64xf32>
    %swap3A = arith.constant 0 : index
    %swap3A_9 = arith.constant 0 : index
    %swap3A_10 = vector.load %arg6[%swap3A, %swap3A_9] : memref<512x64xf32, #tpu.memory_space<vmem>>, vector<512x64xf32>
    tpu.vector_store %arg6[%swap3A, %swap3A_9], %dot_general3A_8 {strides = array<i32>} : memref<512x64xf32, #tpu.memory_space<vmem>>, vector<512x64xf32>,
    %eq3A = arith.constant 0 : i32
    %eq3A_11 = arith.cmpi eq, %arg1, %eq3A : i32
    %convert_element_type3A = arith.extui %eq3A_11 : i1 to i32
    %cond3A = arith.constant 0 : i32
    %cond3A_12 = arith.cmpi ne, %convert_element_type3A, %cond3A : i32
    scf.if %cond3A_12 {
      %swap3A_17 = arith.constant 0 : index
      %swap3A_18 = arith.constant 0 : index
      %swap3A_19 = vector.load %arg5[%swap3A_17, %swap3A_18] : memref<512x64xf32, #tpu.memory_space<vmem>>, vector<512x64xf32>
      tpu.vector_store %arg5[%swap3A_17, %swap3A_18], %dot_general3A_8 {strides = array<i32>} : memref<512x64xf32, #tpu.memory_space<vmem>>, vector<512x64xf32>,
    } else {
    }
    %gt3A = arith.constant 0 : i32
    %gt3A_13 = arith.cmpi sgt, %arg1, %gt3A : i32
    %convert_element_type3A_14 = arith.extui %gt3A_13 : i1 to i32
    %cond3A_15 = arith.constant 0 : i32
    %cond3A_16 = arith.cmpi ne, %convert_element_type3A_14, %cond3A_15 : i32
    scf.if %cond3A_16 {
      %get3A_17 = arith.constant 0 : index
      %get3A_18 = arith.constant 0 : index
      %get3A_19 = vector.load %arg5[%get3A_17, %get3A_18] : memref<512x64xf32, #tpu.memory_space<vmem>>, vector<512x64xf32>
      %max3A = arith.maximumf %get3A_19, %dot_general3A_8 : vector<512x64xf32>
      %swap3A_20 = arith.constant 0 : index
      %swap3A_21 = arith.constant 0 : index
      %swap3A_22 = vector.load %arg5[%swap3A_20, %swap3A_21] : memref<512x64xf32, #tpu.memory_space<vmem>>, vector<512x64xf32>
      tpu.vector_store %arg5[%swap3A_20, %swap3A_21], %max3A {strides = array<i32>} : memref<512x64xf32, #tpu.memory_space<vmem>>, vector<512x64xf32>,
    } else {
    }
    return
  }
  func.func @transform_0(%arg0: i32, %arg1: i32) -> (i32, i32) {
    %mul3A = arith.constant 32 : i32
    %mul3A_0 = arith.muli %arg1, %mul3A : i32
    %add3A = arith.addi %mul3A_0, %arg0 : i32
    %c0_i32 = arith.constant 0 : i32
    %c0_i32_1 = arith.constant 0 : i32
    return %add3A, %c0_i32 : i32, i32
  }
  func.func @transform_1(%arg0: i32, %arg1: i32) -> (i32, i32) {
    %c0_i32 = arith.constant 0 : i32
    %c0_i32_0 = arith.constant 0 : i32
    return %arg0, %c0_i32 : i32, i32
  }
  func.func @transform_2(%arg0: i32, %arg1: i32) -> (i32, i32) {
    %c0_i32 = arith.constant 0 : i32
    %c0_i32_0 = arith.constant 0 : i32
    %c0_i32_1 = arith.constant 0 : i32
    return %c0_i32, %c0_i32_0 : i32, i32
  }
  func.func @transform_3(%arg0: i32, %arg1: i32) -> (i32, i32) {
    %c0_i32 = arith.constant 0 : i32
    %c0_i32_0 = arith.constant 0 : i32
    return %arg0, %c0_i32 : i32, i32
  }
  func.func @transform_4(%arg0: i32, %arg1: i32) -> (i32, i32) {
    %mul3A = arith.constant 32 : i32
    %mul3A_0 = arith.muli %arg1, %mul3A : i32
    %add3A = arith.addi %mul3A_0, %arg0 : i32
    %c0_i32 = arith.constant 0 : i32
    %c0_i32_1 = arith.constant 0 : i32
    return %add3A, %c0_i32 : i32, i32
  }
}

module attributes {stable_mosaic.version = 14 : i64} {
  func.func @_bn_body(%arg0: i32, %arg1: memref<512x64xf32, #tpu.memory_space<vmem>>, %arg2: memref<1x64xf32, #tpu.memory_space<vmem>>, %arg3: memref<1x64xf32, #tpu.memory_space<vmem>>, %arg4: memref<1x64xf32, #tpu.memory_space<vmem>>, %arg5: memref<1x64xf32, #tpu.memory_space<vmem>>, %arg6: memref<512x64xf32, #tpu.memory_space<vmem>>) attributes {dimension_semantics = [#tpu.dimension_semantics<arbitrary>], iteration_bounds = array<i64: 32>, scalar_prefetch = 0 : i64, scratch_operands = 0 : i64, tpu.core_type = #tpu.core_type<tc>, window_params = [{transform_indices = @transform_0, window_bounds = array<i64: 512, 64>}, {pipeline_mode = #tpu.pipeline_mode<synchronous>, transform_indices = @transform_1, window_bounds = array<i64: 1, 64>}, {pipeline_mode = #tpu.pipeline_mode<synchronous>, transform_indices = @transform_2, window_bounds = array<i64: 1, 64>}, {pipeline_mode = #tpu.pipeline_mode<synchronous>, transform_indices = @transform_3, window_bounds = array<i64: 1, 64>}, {pipeline_mode = #tpu.pipeline_mode<synchronous>, transform_indices = @transform_4, window_bounds = array<i64: 1, 64>}, {transform_indices = @transform_5, window_bounds = array<i64: 512, 64>}]} {
    %get3A = arith.constant 0 : index
    %get3A_0 = arith.constant 0 : index
    %get3A_1 = vector.load %arg3[%get3A, %get3A_0] : memref<1x64xf32, #tpu.memory_space<vmem>>, vector<1x64xf32>
    %add3A = arith.constant 9.99999974E-6 : f32
    %add3A_2 = vector.broadcast %add3A : f32 to vector<1x64xf32>
    %add3A_3 = arith.addf %get3A_1, %add3A_2 : vector<1x64xf32>
    %sqrt3A = math.sqrt %add3A_3 : vector<1x64xf32>
    %get3A_4 = arith.constant 0 : index
    %get3A_5 = arith.constant 0 : index
    %get3A_6 = vector.load %arg1[%get3A_4, %get3A_5] : memref<512x64xf32, #tpu.memory_space<vmem>>, vector<512x64xf32>
    %get3A_7 = arith.constant 0 : index
    %get3A_8 = arith.constant 0 : index
    %get3A_9 = vector.load %arg2[%get3A_7, %get3A_8] : memref<1x64xf32, #tpu.memory_space<vmem>>, vector<1x64xf32>
    %sub3A = vector.broadcast %get3A_9 : vector<1x64xf32> to vector<512x64xf32>
    %sub3A_10 = arith.subf %get3A_6, %sub3A : vector<512x64xf32>
    %div3A = vector.broadcast %sqrt3A : vector<1x64xf32> to vector<512x64xf32>
    %div3A_11 = arith.divf %sub3A_10, %div3A : vector<512x64xf32>
    %get3A_12 = arith.constant 0 : index
    %get3A_13 = arith.constant 0 : index
    %get3A_14 = vector.load %arg4[%get3A_12, %get3A_13] : memref<1x64xf32, #tpu.memory_space<vmem>>, vector<1x64xf32>
    %mul3A = vector.broadcast %get3A_14 : vector<1x64xf32> to vector<512x64xf32>
    %mul3A_15 = arith.mulf %div3A_11, %mul3A : vector<512x64xf32>
    %get3A_16 = arith.constant 0 : index
    %get3A_17 = arith.constant 0 : index
    %get3A_18 = vector.load %arg5[%get3A_16, %get3A_17] : memref<1x64xf32, #tpu.memory_space<vmem>>, vector<1x64xf32>
    %add3A_19 = vector.broadcast %get3A_18 : vector<1x64xf32> to vector<512x64xf32>
    %add3A_20 = arith.addf %mul3A_15, %add3A_19 : vector<512x64xf32>
    %gt3A = arith.constant 0.000000e+00 : f32
    %gt3A_21 = vector.broadcast %gt3A : f32 to vector<512x64xf32>
    %gt3A_22 = arith.cmpf ogt, %add3A_20, %gt3A_21 : vector<512x64xf32>
    %mul3A_23 = arith.constant 2.000000e-01 : f32
    %mul3A_24 = vector.broadcast %mul3A_23 : f32 to vector<512x64xf32>
    %mul3A_25 = arith.mulf %mul3A_24, %add3A_20 : vector<512x64xf32>
    %select_n3A = arith.select %gt3A_22, %add3A_20, %mul3A_25 : vector<512x64xi1>, vector<512x64xf32>
    %swap3A = arith.constant 0 : index
    %swap3A_26 = arith.constant 0 : index
    %swap3A_27 = vector.load %arg6[%swap3A, %swap3A_26] : memref<512x64xf32, #tpu.memory_space<vmem>>, vector<512x64xf32>
    tpu.vector_store %arg6[%swap3A, %swap3A_26], %select_n3A {strides = array<i32>} : memref<512x64xf32, #tpu.memory_space<vmem>>, vector<512x64xf32>,
    return
  }
  func.func @transform_0(%arg0: i32) -> (i32, i32) {
    %c0_i32 = arith.constant 0 : i32
    %c0_i32_0 = arith.constant 0 : i32
    return %arg0, %c0_i32 : i32, i32
  }
  func.func @transform_1(%arg0: i32) -> (i32, i32) {
    %c0_i32 = arith.constant 0 : i32
    %c0_i32_0 = arith.constant 0 : i32
    %c0_i32_1 = arith.constant 0 : i32
    return %c0_i32, %c0_i32_0 : i32, i32
  }
  func.func @transform_2(%arg0: i32) -> (i32, i32) {
    %c0_i32 = arith.constant 0 : i32
    %c0_i32_0 = arith.constant 0 : i32
    %c0_i32_1 = arith.constant 0 : i32
    return %c0_i32, %c0_i32_0 : i32, i32
  }
  func.func @transform_3(%arg0: i32) -> (i32, i32) {
    %c0_i32 = arith.constant 0 : i32
    %c0_i32_0 = arith.constant 0 : i32
    %c0_i32_1 = arith.constant 0 : i32
    return %c0_i32, %c0_i32_0 : i32, i32
  }
  func.func @transform_4(%arg0: i32) -> (i32, i32) {
    %c0_i32 = arith.constant 0 : i32
    %c0_i32_0 = arith.constant 0 : i32
    %c0_i32_1 = arith.constant 0 : i32
    return %c0_i32, %c0_i32_0 : i32, i32
  }
  func.func @transform_5(%arg0: i32) -> (i32, i32) {
    %c0_i32 = arith.constant 0 : i32
    %c0_i32_0 = arith.constant 0 : i32
    return %arg0, %c0_i32 : i32, i32
  }
}

module attributes {stable_mosaic.version = 14 : i64} {
  func.func @_topk_body(%arg0: i32, %arg1: i32, %arg2: memref<1x64x2048xf32, #tpu.memory_space<vmem>>, %arg3: memref<20x256xi32, #tpu.memory_space<vmem>>, %arg4: memref<256x2048xf32, #tpu.memory_space<vmem>>) attributes {dimension_semantics = [#tpu.dimension_semantics<arbitrary>, #tpu.dimension_semantics<arbitrary>], iteration_bounds = array<i64: 8, 8>, scalar_prefetch = 0 : i64, scratch_operands = 1 : i64, tpu.core_type = #tpu.core_type<tc>, window_params = [{transform_indices = @transform_0, window_bounds = array<i64: 1, 64, 2048>}, {transform_indices = @transform_1, window_bounds = array<i64: 20, 256>}]} {
    %get3A = arith.constant 0 : index
    %get3A_0 = arith.constant 0 : index
    %get3A_1 = arith.constant 0 : index
    %get3A_2 = vector.load %arg2[%get3A, %get3A_0, %get3A_1] : memref<1x64x2048xf32, #tpu.memory_space<vmem>>, vector<1x64x2048xf32>
    %get3A_3 = vector.shape_cast %get3A_2 : vector<1x64x2048xf32> to vector<64x2048xf32>
    %mul3A = arith.mulf %get3A_3, %get3A_3 : vector<64x2048xf32>
    %reduce_sum3A = arith.constant dense<0.000000e+00> : vector<2048xf32>
    %reduce_sum3A_4 = vector.multi_reduction <add>, %mul3A, %reduce_sum3A [0] : vector<64x2048xf32> to vector<2048xf32>
    %mul3A_5 = arith.constant 256 : i32
    %mul3A_6 = arith.muli %arg1, %mul3A_5 : i32
    %get3A_7 = arith.constant 0 : index
    %get3A_8 = arith.constant 0 : index
    %get3A_9 = arith.index_cast %mul3A_6 : i32 to index
    %get3A_10 = vector.load %arg2[%get3A_7, %get3A_8, %get3A_9] : memref<1x64x2048xf32, #tpu.memory_space<vmem>>, vector<1x64x256xf32>
    %get3A_11 = vector.shape_cast %get3A_10 : vector<1x64x256xf32> to vector<64x256xf32>
    %mul3A_12 = arith.mulf %get3A_11, %get3A_11 : vector<64x256xf32>
    %reduce_sum3A_13 = arith.constant dense<0.000000e+00> : vector<256xf32>
    %reduce_sum3A_14 = vector.multi_reduction <add>, %mul3A_12, %reduce_sum3A_13 [0] : vector<64x256xf32> to vector<256xf32>
    %dot_general3A = arith.constant dense<0.000000e+00> : vector<256x2048xf32>
    %dot_general3A_15 = tpu.matmul %get3A_11, %get3A_3, %dot_general3A {dimension_numbers = #tpu.dot_dimension_numbers<[0], [0], [1], [1], [0, 1, 1, 1], [], []>, transpose_lhs_hint = false} : vector<64x256xf32>, vector<64x2048xf32>, vector<256x2048xf32> -> vector<256x2048xf32>
    %mul3A_16 = arith.constant -2.000000e+00 : f32
    %mul3A_17 = vector.broadcast %mul3A_16 : f32 to vector<256x2048xf32>
    %mul3A_18 = arith.mulf %mul3A_17, %dot_general3A_15 : vector<256x2048xf32>
    %neg3A = arith.constant 0.000000e+00 : f32
    %neg3A_19 = vector.broadcast %neg3A : f32 to vector<256xf32>
    %neg3A_20 = arith.subf %neg3A_19, %reduce_sum3A_14 : vector<256xf32>
    %broadcast_in_dim3A = vector.shape_cast %neg3A_20 : vector<256xf32> to vector<256x1xf32>
    %sub3A = vector.broadcast %broadcast_in_dim3A : vector<256x1xf32> to vector<256x2048xf32>
    %sub3A_21 = arith.subf %sub3A, %mul3A_18 : vector<256x2048xf32>
    %broadcast_in_dim3A_22 = vector.shape_cast %reduce_sum3A_4 : vector<2048xf32> to vector<1x2048xf32>
    %sub3A_23 = vector.broadcast %broadcast_in_dim3A_22 : vector<1x2048xf32> to vector<256x2048xf32>
    %sub3A_24 = arith.subf %sub3A_21, %sub3A_23 : vector<256x2048xf32>
    %swap3A = arith.constant 0 : index
    %swap3A_25 = arith.constant 0 : index
    %swap3A_26 = vector.load %arg4[%swap3A, %swap3A_25] : memref<256x2048xf32, #tpu.memory_space<vmem>>, vector<256x2048xf32>
    tpu.vector_store %arg4[%swap3A, %swap3A_25], %sub3A_24 {strides = array<i32>} : memref<256x2048xf32, #tpu.memory_space<vmem>>, vector<256x2048xf32>,
    %iota3A = tpu.iota {dimensions = array<i32: 1>} : vector<256x2048xi32>
    %mul3A_27 = arith.constant 2048 : i32
    %mul3A_28 = arith.muli %arg0, %mul3A_27 : i32
    %get3A_29 = arith.constant 0 : index
    %get3A_30 = arith.constant 0 : index
    %get3A_31 = vector.load %arg4[%get3A_29, %get3A_30] : memref<256x2048xf32, #tpu.memory_space<vmem>>, vector<256x2048xf32>
    %reduce_max3A = arith.constant dense<0xFF800000> : vector<256xf32>
    %reduce_max3A_32 = vector.multi_reduction <maximumf>, %get3A_31, %reduce_max3A [1] : vector<256x2048xf32> to vector<256xf32>
    %broadcast_in_dim3A_33 = vector.shape_cast %reduce_max3A_32 : vector<256xf32> to vector<256x1xf32>
    %eq3A = vector.broadcast %broadcast_in_dim3A_33 : vector<256x1xf32> to vector<256x2048xf32>
    %eq3A_34 = arith.cmpf oeq, %get3A_31, %eq3A : vector<256x2048xf32>
    %jit3A = arith.constant 2048 : i32
    %broadcast_in_dim3A_35 = vector.broadcast %jit3A : i32 to vector<256x2048xi32>
    %select_n3A = arith.select %eq3A_34, %iota3A, %broadcast_in_dim3A_35 : vector<256x2048xi1>, vector<256x2048xi32>
    %reduce_min3A = arith.constant dense<2147483647> : vector<256xi32>
    %reduce_min3A_36 = vector.multi_reduction <minsi>, %select_n3A, %reduce_min3A [1] : vector<256x2048xi32> to vector<256xi32>
    %add3A = vector.broadcast %mul3A_28 : i32 to vector<256xi32>
    %add3A_37 = arith.addi %reduce_min3A_36, %add3A : vector<256xi32>
    %swap3A_38 = arith.constant 0 : index
    %swap3A_39 = arith.constant 0 : index
    %swap3A_40 = vector.load %arg3[%swap3A_38, %swap3A_39] : memref<20x256xi32, #tpu.memory_space<vmem>>, vector<1x256xi32>
    %swap3A_41 = vector.shape_cast %swap3A_40 : vector<1x256xi32> to vector<256xi32>
    %swap3A_42 = vector.shape_cast %add3A_37 : vector<256xi32> to vector<1x256xi32>
    tpu.vector_store %arg3[%swap3A_38, %swap3A_39], %swap3A_42 {strides = array<i32>} : memref<20x256xi32, #tpu.memory_space<vmem>>, vector<1x256xi32>,
    %broadcast_in_dim3A_43 = vector.shape_cast %reduce_min3A_36 : vector<256xi32> to vector<256x1xi32>
    %eq3A_44 = vector.broadcast %broadcast_in_dim3A_43 : vector<256x1xi32> to vector<256x2048xi32>
    %eq3A_45 = arith.cmpi eq, %iota3A, %eq3A_44 : vector<256x2048xi32>
    %jit3A_46 = arith.constant 0xFF800000 : f32
    %broadcast_in_dim3A_47 = vector.broadcast %jit3A_46 : f32 to vector<256x2048xf32>
    %select_n3A_48 = arith.select %eq3A_45, %broadcast_in_dim3A_47, %get3A_31 : vector<256x2048xi1>, vector<256x2048xf32>
    %swap3A_49 = arith.constant 0 : index
    %swap3A_50 = arith.constant 0 : index
    %swap3A_51 = vector.load %arg4[%swap3A_49, %swap3A_50] : memref<256x2048xf32, #tpu.memory_space<vmem>>, vector<256x2048xf32>
    tpu.vector_store %arg4[%swap3A_49, %swap3A_50], %select_n3A_48 {strides = array<i32>} : memref<256x2048xf32, #tpu.memory_space<vmem>>, vector<256x2048xf32>,
    %get3A_52 = arith.constant 0 : index
    %get3A_53 = arith.constant 0 : index
    %get3A_54 = vector.load %arg4[%get3A_52, %get3A_53] : memref<256x2048xf32, #tpu.memory_space<vmem>>, vector<256x2048xf32>
    %reduce_max3A_55 = arith.constant dense<0xFF800000> : vector<256xf32>
    %reduce_max3A_56 = vector.multi_reduction <maximumf>, %get3A_54, %reduce_max3A_55 [1] : vector<256x2048xf32> to vector<256xf32>
    %broadcast_in_dim3A_57 = vector.shape_cast %reduce_max3A_56 : vector<256xf32> to vector<256x1xf32>
    %eq3A_58 = vector.broadcast %broadcast_in_dim3A_57 : vector<256x1xf32> to vector<256x2048xf32>
    %eq3A_59 = arith.cmpf oeq, %get3A_54, %eq3A_58 : vector<256x2048xf32>
    %jit3A_60 = arith.constant 2048 : i32
    %broadcast_in_dim3A_61 = vector.broadcast %jit3A_60 : i32 to vector<256x2048xi32>
    %select_n3A_62 = arith.select %eq3A_59, %iota3A, %broadcast_in_dim3A_61 : vector<256x2048xi1>, vector<256x2048xi32>
    %reduce_min3A_63 = arith.constant dense<2147483647> : vector<256xi32>
    %reduce_min3A_64 = vector.multi_reduction <minsi>, %select_n3A_62, %reduce_min3A_63 [1] : vector<256x2048xi32> to vector<256xi32>
    %add3A_65 = vector.broadcast %mul3A_28 : i32 to vector<256xi32>
    %add3A_66 = arith.addi %reduce_min3A_64, %add3A_65 : vector<256xi32>
    %swap3A_67 = arith.constant 1 : index
    %swap3A_68 = arith.constant 0 : index
    %swap3A_69 = vector.load %arg3[%swap3A_67, %swap3A_68] : memref<20x256xi32, #tpu.memory_space<vmem>>, vector<1x256xi32>
    %swap3A_70 = vector.shape_cast %swap3A_69 : vector<1x256xi32> to vector<256xi32>
    %swap3A_71 = vector.shape_cast %add3A_66 : vector<256xi32> to vector<1x256xi32>
    tpu.vector_store %arg3[%swap3A_67, %swap3A_68], %swap3A_71 {strides = array<i32>} : memref<20x256xi32, #tpu.memory_space<vmem>>, vector<1x256xi32>,
    %broadcast_in_dim3A_72 = vector.shape_cast %reduce_min3A_64 : vector<256xi32> to vector<256x1xi32>
    %eq3A_73 = vector.broadcast %broadcast_in_dim3A_72 : vector<256x1xi32> to vector<256x2048xi32>
    %eq3A_74 = arith.cmpi eq, %iota3A, %eq3A_73 : vector<256x2048xi32>
    %jit3A_75 = arith.constant 0xFF800000 : f32
    %broadcast_in_dim3A_76 = vector.broadcast %jit3A_75 : f32 to vector<256x2048xf32>
    %select_n3A_77 = arith.select %eq3A_74, %broadcast_in_dim3A_76, %get3A_54 : vector<256x2048xi1>, vector<256x2048xf32>
    %swap3A_78 = arith.constant 0 : index
    %swap3A_79 = arith.constant 0 : index
    %swap3A_80 = vector.load %arg4[%swap3A_78, %swap3A_79] : memref<256x2048xf32, #tpu.memory_space<vmem>>, vector<256x2048xf32>
    tpu.vector_store %arg4[%swap3A_78, %swap3A_79], %select_n3A_77 {strides = array<i32>} : memref<256x2048xf32, #tpu.memory_space<vmem>>, vector<256x2048xf32>,
    %get3A_81 = arith.constant 0 : index
    %get3A_82 = arith.constant 0 : index
    %get3A_83 = vector.load %arg4[%get3A_81, %get3A_82] : memref<256x2048xf32, #tpu.memory_space<vmem>>, vector<256x2048xf32>
    %reduce_max3A_84 = arith.constant dense<0xFF800000> : vector<256xf32>
    %reduce_max3A_85 = vector.multi_reduction <maximumf>, %get3A_83, %reduce_max3A_84 [1] : vector<256x2048xf32> to vector<256xf32>
    %broadcast_in_dim3A_86 = vector.shape_cast %reduce_max3A_85 : vector<256xf32> to vector<256x1xf32>
    %eq3A_87 = vector.broadcast %broadcast_in_dim3A_86 : vector<256x1xf32> to vector<256x2048xf32>
    %eq3A_88 = arith.cmpf oeq, %get3A_83, %eq3A_87 : vector<256x2048xf32>
    %jit3A_89 = arith.constant 2048 : i32
    %broadcast_in_dim3A_90 = vector.broadcast %jit3A_89 : i32 to vector<256x2048xi32>
    %select_n3A_91 = arith.select %eq3A_88, %iota3A, %broadcast_in_dim3A_90 : vector<256x2048xi1>, vector<256x2048xi32>
    %reduce_min3A_92 = arith.constant dense<2147483647> : vector<256xi32>
    %reduce_min3A_93 = vector.multi_reduction <minsi>, %select_n3A_91, %reduce_min3A_92 [1] : vector<256x2048xi32> to vector<256xi32>
    %add3A_94 = vector.broadcast %mul3A_28 : i32 to vector<256xi32>
    %add3A_95 = arith.addi %reduce_min3A_93, %add3A_94 : vector<256xi32>
    %swap3A_96 = arith.constant 2 : index
    %swap3A_97 = arith.constant 0 : index
    %swap3A_98 = vector.load %arg3[%swap3A_96, %swap3A_97] : memref<20x256xi32, #tpu.memory_space<vmem>>, vector<1x256xi32>
    %swap3A_99 = vector.shape_cast %swap3A_98 : vector<1x256xi32> to vector<256xi32>
    %swap3A_100 = vector.shape_cast %add3A_95 : vector<256xi32> to vector<1x256xi32>
    tpu.vector_store %arg3[%swap3A_96, %swap3A_97], %swap3A_100 {strides = array<i32>} : memref<20x256xi32, #tpu.memory_space<vmem>>, vector<1x256xi32>,
    %broadcast_in_dim3A_101 = vector.shape_cast %reduce_min3A_93 : vector<256xi32> to vector<256x1xi32>
    %eq3A_102 = vector.broadcast %broadcast_in_dim3A_101 : vector<256x1xi32> to vector<256x2048xi32>
    %eq3A_103 = arith.cmpi eq, %iota3A, %eq3A_102 : vector<256x2048xi32>
    %jit3A_104 = arith.constant 0xFF800000 : f32
    %broadcast_in_dim3A_105 = vector.broadcast %jit3A_104 : f32 to vector<256x2048xf32>
    %select_n3A_106 = arith.select %eq3A_103, %broadcast_in_dim3A_105, %get3A_83 : vector<256x2048xi1>, vector<256x2048xf32>
    %swap3A_107 = arith.constant 0 : index
    %swap3A_108 = arith.constant 0 : index
    %swap3A_109 = vector.load %arg4[%swap3A_107, %swap3A_108] : memref<256x2048xf32, #tpu.memory_space<vmem>>, vector<256x2048xf32>
    tpu.vector_store %arg4[%swap3A_107, %swap3A_108], %select_n3A_106 {strides = array<i32>} : memref<256x2048xf32, #tpu.memory_space<vmem>>, vector<256x2048xf32>,
    %get3A_110 = arith.constant 0 : index
    %get3A_111 = arith.constant 0 : index
    %get3A_112 = vector.load %arg4[%get3A_110, %get3A_111] : memref<256x2048xf32, #tpu.memory_space<vmem>>, vector<256x2048xf32>
    %reduce_max3A_113 = arith.constant dense<0xFF800000> : vector<256xf32>
    %reduce_max3A_114 = vector.multi_reduction <maximumf>, %get3A_112, %reduce_max3A_113 [1] : vector<256x2048xf32> to vector<256xf32>
    %broadcast_in_dim3A_115 = vector.shape_cast %reduce_max3A_114 : vector<256xf32> to vector<256x1xf32>
    %eq3A_116 = vector.broadcast %broadcast_in_dim3A_115 : vector<256x1xf32> to vector<256x2048xf32>
    %eq3A_117 = arith.cmpf oeq, %get3A_112, %eq3A_116 : vector<256x2048xf32>
    %jit3A_118 = arith.constant 2048 : i32
    %broadcast_in_dim3A_119 = vector.broadcast %jit3A_118 : i32 to vector<256x2048xi32>
    %select_n3A_120 = arith.select %eq3A_117, %iota3A, %broadcast_in_dim3A_119 : vector<256x2048xi1>, vector<256x2048xi32>
    %reduce_min3A_121 = arith.constant dense<2147483647> : vector<256xi32>
    %reduce_min3A_122 = vector.multi_reduction <minsi>, %select_n3A_120, %reduce_min3A_121 [1] : vector<256x2048xi32> to vector<256xi32>
    %add3A_123 = vector.broadcast %mul3A_28 : i32 to vector<256xi32>
    %add3A_124 = arith.addi %reduce_min3A_122, %add3A_123 : vector<256xi32>
    %swap3A_125 = arith.constant 3 : index
    %swap3A_126 = arith.constant 0 : index
    %swap3A_127 = vector.load %arg3[%swap3A_125, %swap3A_126] : memref<20x256xi32, #tpu.memory_space<vmem>>, vector<1x256xi32>
    %swap3A_128 = vector.shape_cast %swap3A_127 : vector<1x256xi32> to vector<256xi32>
    %swap3A_129 = vector.shape_cast %add3A_124 : vector<256xi32> to vector<1x256xi32>
    tpu.vector_store %arg3[%swap3A_125, %swap3A_126], %swap3A_129 {strides = array<i32>} : memref<20x256xi32, #tpu.memory_space<vmem>>, vector<1x256xi32>,
    %broadcast_in_dim3A_130 = vector.shape_cast %reduce_min3A_122 : vector<256xi32> to vector<256x1xi32>
    %eq3A_131 = vector.broadcast %broadcast_in_dim3A_130 : vector<256x1xi32> to vector<256x2048xi32>
    %eq3A_132 = arith.cmpi eq, %iota3A, %eq3A_131 : vector<256x2048xi32>
    %jit3A_133 = arith.constant 0xFF800000 : f32
    %broadcast_in_dim3A_134 = vector.broadcast %jit3A_133 : f32 to vector<256x2048xf32>
    %select_n3A_135 = arith.select %eq3A_132, %broadcast_in_dim3A_134, %get3A_112 : vector<256x2048xi1>, vector<256x2048xf32>
    %swap3A_136 = arith.constant 0 : index
    %swap3A_137 = arith.constant 0 : index
    %swap3A_138 = vector.load %arg4[%swap3A_136, %swap3A_137] : memref<256x2048xf32, #tpu.memory_space<vmem>>, vector<256x2048xf32>
    tpu.vector_store %arg4[%swap3A_136, %swap3A_137], %select_n3A_135 {strides = array<i32>} : memref<256x2048xf32, #tpu.memory_space<vmem>>, vector<256x2048xf32>,
    %get3A_139 = arith.constant 0 : index
    %get3A_140 = arith.constant 0 : index
    %get3A_141 = vector.load %arg4[%get3A_139, %get3A_140] : memref<256x2048xf32, #tpu.memory_space<vmem>>, vector<256x2048xf32>
    %reduce_max3A_142 = arith.constant dense<0xFF800000> : vector<256xf32>
    %reduce_max3A_143 = vector.multi_reduction <maximumf>, %get3A_141, %reduce_max3A_142 [1] : vector<256x2048xf32> to vector<256xf32>
    %broadcast_in_dim3A_144 = vector.shape_cast %reduce_max3A_143 : vector<256xf32> to vector<256x1xf32>
    %eq3A_145 = vector.broadcast %broadcast_in_dim3A_144 : vector<256x1xf32> to vector<256x2048xf32>
    %eq3A_146 = arith.cmpf oeq, %get3A_141, %eq3A_145 : vector<256x2048xf32>
    %jit3A_147 = arith.constant 2048 : i32
    %broadcast_in_dim3A_148 = vector.broadcast %jit3A_147 : i32 to vector<256x2048xi32>
    %select_n3A_149 = arith.select %eq3A_146, %iota3A, %broadcast_in_dim3A_148 : vector<256x2048xi1>, vector<256x2048xi32>
    %reduce_min3A_150 = arith.constant dense<2147483647> : vector<256xi32>
    %reduce_min3A_151 = vector.multi_reduction <minsi>, %select_n3A_149, %reduce_min3A_150 [1] : vector<256x2048xi32> to vector<256xi32>
    %add3A_152 = vector.broadcast %mul3A_28 : i32 to vector<256xi32>
    %add3A_153 = arith.addi %reduce_min3A_151, %add3A_152 : vector<256xi32>
    %swap3A_154 = arith.constant 4 : index
    %swap3A_155 = arith.constant 0 : index
    %swap3A_156 = vector.load %arg3[%swap3A_154, %swap3A_155] : memref<20x256xi32, #tpu.memory_space<vmem>>, vector<1x256xi32>
    %swap3A_157 = vector.shape_cast %swap3A_156 : vector<1x256xi32> to vector<256xi32>
    %swap3A_158 = vector.shape_cast %add3A_153 : vector<256xi32> to vector<1x256xi32>
    tpu.vector_store %arg3[%swap3A_154, %swap3A_155], %swap3A_158 {strides = array<i32>} : memref<20x256xi32, #tpu.memory_space<vmem>>, vector<1x256xi32>,
    %broadcast_in_dim3A_159 = vector.shape_cast %reduce_min3A_151 : vector<256xi32> to vector<256x1xi32>
    %eq3A_160 = vector.broadcast %broadcast_in_dim3A_159 : vector<256x1xi32> to vector<256x2048xi32>
    %eq3A_161 = arith.cmpi eq, %iota3A, %eq3A_160 : vector<256x2048xi32>
    %jit3A_162 = arith.constant 0xFF800000 : f32
    %broadcast_in_dim3A_163 = vector.broadcast %jit3A_162 : f32 to vector<256x2048xf32>
    %select_n3A_164 = arith.select %eq3A_161, %broadcast_in_dim3A_163, %get3A_141 : vector<256x2048xi1>, vector<256x2048xf32>
    %swap3A_165 = arith.constant 0 : index
    %swap3A_166 = arith.constant 0 : index
    %swap3A_167 = vector.load %arg4[%swap3A_165, %swap3A_166] : memref<256x2048xf32, #tpu.memory_space<vmem>>, vector<256x2048xf32>
    tpu.vector_store %arg4[%swap3A_165, %swap3A_166], %select_n3A_164 {strides = array<i32>} : memref<256x2048xf32, #tpu.memory_space<vmem>>, vector<256x2048xf32>,
    %get3A_168 = arith.constant 0 : index
    %get3A_169 = arith.constant 0 : index
    %get3A_170 = vector.load %arg4[%get3A_168, %get3A_169] : memref<256x2048xf32, #tpu.memory_space<vmem>>, vector<256x2048xf32>
    %reduce_max3A_171 = arith.constant dense<0xFF800000> : vector<256xf32>
    %reduce_max3A_172 = vector.multi_reduction <maximumf>, %get3A_170, %reduce_max3A_171 [1] : vector<256x2048xf32> to vector<256xf32>
    %broadcast_in_dim3A_173 = vector.shape_cast %reduce_max3A_172 : vector<256xf32> to vector<256x1xf32>
    %eq3A_174 = vector.broadcast %broadcast_in_dim3A_173 : vector<256x1xf32> to vector<256x2048xf32>
    %eq3A_175 = arith.cmpf oeq, %get3A_170, %eq3A_174 : vector<256x2048xf32>
    %jit3A_176 = arith.constant 2048 : i32
    %broadcast_in_dim3A_177 = vector.broadcast %jit3A_176 : i32 to vector<256x2048xi32>
    %select_n3A_178 = arith.select %eq3A_175, %iota3A, %broadcast_in_dim3A_177 : vector<256x2048xi1>, vector<256x2048xi32>
    %reduce_min3A_179 = arith.constant dense<2147483647> : vector<256xi32>
    %reduce_min3A_180 = vector.multi_reduction <minsi>, %select_n3A_178, %reduce_min3A_179 [1] : vector<256x2048xi32> to vector<256xi32>
    %add3A_181 = vector.broadcast %mul3A_28 : i32 to vector<256xi32>
    %add3A_182 = arith.addi %reduce_min3A_180, %add3A_181 : vector<256xi32>
    %swap3A_183 = arith.constant 5 : index
    %swap3A_184 = arith.constant 0 : index
    %swap3A_185 = vector.load %arg3[%swap3A_183, %swap3A_184] : memref<20x256xi32, #tpu.memory_space<vmem>>, vector<1x256xi32>
    %swap3A_186 = vector.shape_cast %swap3A_185 : vector<1x256xi32> to vector<256xi32>
    %swap3A_187 = vector.shape_cast %add3A_182 : vector<256xi32> to vector<1x256xi32>
    tpu.vector_store %arg3[%swap3A_183, %swap3A_184], %swap3A_187 {strides = array<i32>} : memref<20x256xi32, #tpu.memory_space<vmem>>, vector<1x256xi32>,
    %broadcast_in_dim3A_188 = vector.shape_cast %reduce_min3A_180 : vector<256xi32> to vector<256x1xi32>
    %eq3A_189 = vector.broadcast %broadcast_in_dim3A_188 : vector<256x1xi32> to vector<256x2048xi32>
    %eq3A_190 = arith.cmpi eq, %iota3A, %eq3A_189 : vector<256x2048xi32>
    %jit3A_191 = arith.constant 0xFF800000 : f32
    %broadcast_in_dim3A_192 = vector.broadcast %jit3A_191 : f32 to vector<256x2048xf32>
    %select_n3A_193 = arith.select %eq3A_190, %broadcast_in_dim3A_192, %get3A_170 : vector<256x2048xi1>, vector<256x2048xf32>
    %swap3A_194 = arith.constant 0 : index
    %swap3A_195 = arith.constant 0 : index
    %swap3A_196 = vector.load %arg4[%swap3A_194, %swap3A_195] : memref<256x2048xf32, #tpu.memory_space<vmem>>, vector<256x2048xf32>
    tpu.vector_store %arg4[%swap3A_194, %swap3A_195], %select_n3A_193 {strides = array<i32>} : memref<256x2048xf32, #tpu.memory_space<vmem>>, vector<256x2048xf32>,
    %get3A_197 = arith.constant 0 : index
    %get3A_198 = arith.constant 0 : index
    %get3A_199 = vector.load %arg4[%get3A_197, %get3A_198] : memref<256x2048xf32, #tpu.memory_space<vmem>>, vector<256x2048xf32>
    %reduce_max3A_200 = arith.constant dense<0xFF800000> : vector<256xf32>
    %reduce_max3A_201 = vector.multi_reduction <maximumf>, %get3A_199, %reduce_max3A_200 [1] : vector<256x2048xf32> to vector<256xf32>
    %broadcast_in_dim3A_202 = vector.shape_cast %reduce_max3A_201 : vector<256xf32> to vector<256x1xf32>
    %eq3A_203 = vector.broadcast %broadcast_in_dim3A_202 : vector<256x1xf32> to vector<256x2048xf32>
    %eq3A_204 = arith.cmpf oeq, %get3A_199, %eq3A_203 : vector<256x2048xf32>
    %jit3A_205 = arith.constant 2048 : i32
    %broadcast_in_dim3A_206 = vector.broadcast %jit3A_205 : i32 to vector<256x2048xi32>
    %select_n3A_207 = arith.select %eq3A_204, %iota3A, %broadcast_in_dim3A_206 : vector<256x2048xi1>, vector<256x2048xi32>
    %reduce_min3A_208 = arith.constant dense<2147483647> : vector<256xi32>
    %reduce_min3A_209 = vector.multi_reduction <minsi>, %select_n3A_207, %reduce_min3A_208 [1] : vector<256x2048xi32> to vector<256xi32>
    %add3A_210 = vector.broadcast %mul3A_28 : i32 to vector<256xi32>
    %add3A_211 = arith.addi %reduce_min3A_209, %add3A_210 : vector<256xi32>
    %swap3A_212 = arith.constant 6 : index
    %swap3A_213 = arith.constant 0 : index
    %swap3A_214 = vector.load %arg3[%swap3A_212, %swap3A_213] : memref<20x256xi32, #tpu.memory_space<vmem>>, vector<1x256xi32>
    %swap3A_215 = vector.shape_cast %swap3A_214 : vector<1x256xi32> to vector<256xi32>
    %swap3A_216 = vector.shape_cast %add3A_211 : vector<256xi32> to vector<1x256xi32>
    tpu.vector_store %arg3[%swap3A_212, %swap3A_213], %swap3A_216 {strides = array<i32>} : memref<20x256xi32, #tpu.memory_space<vmem>>, vector<1x256xi32>,
    %broadcast_in_dim3A_217 = vector.shape_cast %reduce_min3A_209 : vector<256xi32> to vector<256x1xi32>
    %eq3A_218 = vector.broadcast %broadcast_in_dim3A_217 : vector<256x1xi32> to vector<256x2048xi32>
    %eq3A_219 = arith.cmpi eq, %iota3A, %eq3A_218 : vector<256x2048xi32>
    %jit3A_220 = arith.constant 0xFF800000 : f32
    %broadcast_in_dim3A_221 = vector.broadcast %jit3A_220 : f32 to vector<256x2048xf32>
    %select_n3A_222 = arith.select %eq3A_219, %broadcast_in_dim3A_221, %get3A_199 : vector<256x2048xi1>, vector<256x2048xf32>
    %swap3A_223 = arith.constant 0 : index
    %swap3A_224 = arith.constant 0 : index
    %swap3A_225 = vector.load %arg4[%swap3A_223, %swap3A_224] : memref<256x2048xf32, #tpu.memory_space<vmem>>, vector<256x2048xf32>
    tpu.vector_store %arg4[%swap3A_223, %swap3A_224], %select_n3A_222 {strides = array<i32>} : memref<256x2048xf32, #tpu.memory_space<vmem>>, vector<256x2048xf32>,
    %get3A_226 = arith.constant 0 : index
    %get3A_227 = arith.constant 0 : index
    %get3A_228 = vector.load %arg4[%get3A_226, %get3A_227] : memref<256x2048xf32, #tpu.memory_space<vmem>>, vector<256x2048xf32>
    %reduce_max3A_229 = arith.constant dense<0xFF800000> : vector<256xf32>
    %reduce_max3A_230 = vector.multi_reduction <maximumf>, %get3A_228, %reduce_max3A_229 [1] : vector<256x2048xf32> to vector<256xf32>
    %broadcast_in_dim3A_231 = vector.shape_cast %reduce_max3A_230 : vector<256xf32> to vector<256x1xf32>
    %eq3A_232 = vector.broadcast %broadcast_in_dim3A_231 : vector<256x1xf32> to vector<256x2048xf32>
    %eq3A_233 = arith.cmpf oeq, %get3A_228, %eq3A_232 : vector<256x2048xf32>
    %jit3A_234 = arith.constant 2048 : i32
    %broadcast_in_dim3A_235 = vector.broadcast %jit3A_234 : i32 to vector<256x2048xi32>
    %select_n3A_236 = arith.select %eq3A_233, %iota3A, %broadcast_in_dim3A_235 : vector<256x2048xi1>, vector<256x2048xi32>
    %reduce_min3A_237 = arith.constant dense<2147483647> : vector<256xi32>
    %reduce_min3A_238 = vector.multi_reduction <minsi>, %select_n3A_236, %reduce_min3A_237 [1] : vector<256x2048xi32> to vector<256xi32>
    %add3A_239 = vector.broadcast %mul3A_28 : i32 to vector<256xi32>
    %add3A_240 = arith.addi %reduce_min3A_238, %add3A_239 : vector<256xi32>
    %swap3A_241 = arith.constant 7 : index
    %swap3A_242 = arith.constant 0 : index
    %swap3A_243 = vector.load %arg3[%swap3A_241, %swap3A_242] : memref<20x256xi32, #tpu.memory_space<vmem>>, vector<1x256xi32>
    %swap3A_244 = vector.shape_cast %swap3A_243 : vector<1x256xi32> to vector<256xi32>
    %swap3A_245 = vector.shape_cast %add3A_240 : vector<256xi32> to vector<1x256xi32>
    tpu.vector_store %arg3[%swap3A_241, %swap3A_242], %swap3A_245 {strides = array<i32>} : memref<20x256xi32, #tpu.memory_space<vmem>>, vector<1x256xi32>,
    %broadcast_in_dim3A_246 = vector.shape_cast %reduce_min3A_238 : vector<256xi32> to vector<256x1xi32>
    %eq3A_247 = vector.broadcast %broadcast_in_dim3A_246 : vector<256x1xi32> to vector<256x2048xi32>
    %eq3A_248 = arith.cmpi eq, %iota3A, %eq3A_247 : vector<256x2048xi32>
    %jit3A_249 = arith.constant 0xFF800000 : f32
    %broadcast_in_dim3A_250 = vector.broadcast %jit3A_249 : f32 to vector<256x2048xf32>
    %select_n3A_251 = arith.select %eq3A_248, %broadcast_in_dim3A_250, %get3A_228 : vector<256x2048xi1>, vector<256x2048xf32>
    %swap3A_252 = arith.constant 0 : index
    %swap3A_253 = arith.constant 0 : index
    %swap3A_254 = vector.load %arg4[%swap3A_252, %swap3A_253] : memref<256x2048xf32, #tpu.memory_space<vmem>>, vector<256x2048xf32>
    tpu.vector_store %arg4[%swap3A_252, %swap3A_253], %select_n3A_251 {strides = array<i32>} : memref<256x2048xf32, #tpu.memory_space<vmem>>, vector<256x2048xf32>,
    %get3A_255 = arith.constant 0 : index
    %get3A_256 = arith.constant 0 : index
    %get3A_257 = vector.load %arg4[%get3A_255, %get3A_256] : memref<256x2048xf32, #tpu.memory_space<vmem>>, vector<256x2048xf32>
    %reduce_max3A_258 = arith.constant dense<0xFF800000> : vector<256xf32>
    %reduce_max3A_259 = vector.multi_reduction <maximumf>, %get3A_257, %reduce_max3A_258 [1] : vector<256x2048xf32> to vector<256xf32>
    %broadcast_in_dim3A_260 = vector.shape_cast %reduce_max3A_259 : vector<256xf32> to vector<256x1xf32>
    %eq3A_261 = vector.broadcast %broadcast_in_dim3A_260 : vector<256x1xf32> to vector<256x2048xf32>
    %eq3A_262 = arith.cmpf oeq, %get3A_257, %eq3A_261 : vector<256x2048xf32>
    %jit3A_263 = arith.constant 2048 : i32
    %broadcast_in_dim3A_264 = vector.broadcast %jit3A_263 : i32 to vector<256x2048xi32>
    %select_n3A_265 = arith.select %eq3A_262, %iota3A, %broadcast_in_dim3A_264 : vector<256x2048xi1>, vector<256x2048xi32>
    %reduce_min3A_266 = arith.constant dense<2147483647> : vector<256xi32>
    %reduce_min3A_267 = vector.multi_reduction <minsi>, %select_n3A_265, %reduce_min3A_266 [1] : vector<256x2048xi32> to vector<256xi32>
    %add3A_268 = vector.broadcast %mul3A_28 : i32 to vector<256xi32>
    %add3A_269 = arith.addi %reduce_min3A_267, %add3A_268 : vector<256xi32>
    %swap3A_270 = arith.constant 8 : index
    %swap3A_271 = arith.constant 0 : index
    %swap3A_272 = vector.load %arg3[%swap3A_270, %swap3A_271] : memref<20x256xi32, #tpu.memory_space<vmem>>, vector<1x256xi32>
    %swap3A_273 = vector.shape_cast %swap3A_272 : vector<1x256xi32> to vector<256xi32>
    %swap3A_274 = vector.shape_cast %add3A_269 : vector<256xi32> to vector<1x256xi32>
    tpu.vector_store %arg3[%swap3A_270, %swap3A_271], %swap3A_274 {strides = array<i32>} : memref<20x256xi32, #tpu.memory_space<vmem>>, vector<1x256xi32>,
    %broadcast_in_dim3A_275 = vector.shape_cast %reduce_min3A_267 : vector<256xi32> to vector<256x1xi32>
    %eq3A_276 = vector.broadcast %broadcast_in_dim3A_275 : vector<256x1xi32> to vector<256x2048xi32>
    %eq3A_277 = arith.cmpi eq, %iota3A, %eq3A_276 : vector<256x2048xi32>
    %jit3A_278 = arith.constant 0xFF800000 : f32
    %broadcast_in_dim3A_279 = vector.broadcast %jit3A_278 : f32 to vector<256x2048xf32>
    %select_n3A_280 = arith.select %eq3A_277, %broadcast_in_dim3A_279, %get3A_257 : vector<256x2048xi1>, vector<256x2048xf32>
    %swap3A_281 = arith.constant 0 : index
    %swap3A_282 = arith.constant 0 : index
    %swap3A_283 = vector.load %arg4[%swap3A_281, %swap3A_282] : memref<256x2048xf32, #tpu.memory_space<vmem>>, vector<256x2048xf32>
    tpu.vector_store %arg4[%swap3A_281, %swap3A_282], %select_n3A_280 {strides = array<i32>} : memref<256x2048xf32, #tpu.memory_space<vmem>>, vector<256x2048xf32>,
    %get3A_284 = arith.constant 0 : index
    %get3A_285 = arith.constant 0 : index
    %get3A_286 = vector.load %arg4[%get3A_284, %get3A_285] : memref<256x2048xf32, #tpu.memory_space<vmem>>, vector<256x2048xf32>
    %reduce_max3A_287 = arith.constant dense<0xFF800000> : vector<256xf32>
    %reduce_max3A_288 = vector.multi_reduction <maximumf>, %get3A_286, %reduce_max3A_287 [1] : vector<256x2048xf32> to vector<256xf32>
    %broadcast_in_dim3A_289 = vector.shape_cast %reduce_max3A_288 : vector<256xf32> to vector<256x1xf32>
    %eq3A_290 = vector.broadcast %broadcast_in_dim3A_289 : vector<256x1xf32> to vector<256x2048xf32>
    %eq3A_291 = arith.cmpf oeq, %get3A_286, %eq3A_290 : vector<256x2048xf32>
    %jit3A_292 = arith.constant 2048 : i32
    %broadcast_in_dim3A_293 = vector.broadcast %jit3A_292 : i32 to vector<256x2048xi32>
    %select_n3A_294 = arith.select %eq3A_291, %iota3A, %broadcast_in_dim3A_293 : vector<256x2048xi1>, vector<256x2048xi32>
    %reduce_min3A_295 = arith.constant dense<2147483647> : vector<256xi32>
    %reduce_min3A_296 = vector.multi_reduction <minsi>, %select_n3A_294, %reduce_min3A_295 [1] : vector<256x2048xi32> to vector<256xi32>
    %add3A_297 = vector.broadcast %mul3A_28 : i32 to vector<256xi32>
    %add3A_298 = arith.addi %reduce_min3A_296, %add3A_297 : vector<256xi32>
    %swap3A_299 = arith.constant 9 : index
    %swap3A_300 = arith.constant 0 : index
    %swap3A_301 = vector.load %arg3[%swap3A_299, %swap3A_300] : memref<20x256xi32, #tpu.memory_space<vmem>>, vector<1x256xi32>
    %swap3A_302 = vector.shape_cast %swap3A_301 : vector<1x256xi32> to vector<256xi32>
    %swap3A_303 = vector.shape_cast %add3A_298 : vector<256xi32> to vector<1x256xi32>
    tpu.vector_store %arg3[%swap3A_299, %swap3A_300], %swap3A_303 {strides = array<i32>} : memref<20x256xi32, #tpu.memory_space<vmem>>, vector<1x256xi32>,
    %broadcast_in_dim3A_304 = vector.shape_cast %reduce_min3A_296 : vector<256xi32> to vector<256x1xi32>
    %eq3A_305 = vector.broadcast %broadcast_in_dim3A_304 : vector<256x1xi32> to vector<256x2048xi32>
    %eq3A_306 = arith.cmpi eq, %iota3A, %eq3A_305 : vector<256x2048xi32>
    %jit3A_307 = arith.constant 0xFF800000 : f32
    %broadcast_in_dim3A_308 = vector.broadcast %jit3A_307 : f32 to vector<256x2048xf32>
    %select_n3A_309 = arith.select %eq3A_306, %broadcast_in_dim3A_308, %get3A_286 : vector<256x2048xi1>, vector<256x2048xf32>
    %swap3A_310 = arith.constant 0 : index
    %swap3A_311 = arith.constant 0 : index
    %swap3A_312 = vector.load %arg4[%swap3A_310, %swap3A_311] : memref<256x2048xf32, #tpu.memory_space<vmem>>, vector<256x2048xf32>
    tpu.vector_store %arg4[%swap3A_310, %swap3A_311], %select_n3A_309 {strides = array<i32>} : memref<256x2048xf32, #tpu.memory_space<vmem>>, vector<256x2048xf32>,
    %get3A_313 = arith.constant 0 : index
    %get3A_314 = arith.constant 0 : index
    %get3A_315 = vector.load %arg4[%get3A_313, %get3A_314] : memref<256x2048xf32, #tpu.memory_space<vmem>>, vector<256x2048xf32>
    %reduce_max3A_316 = arith.constant dense<0xFF800000> : vector<256xf32>
    %reduce_max3A_317 = vector.multi_reduction <maximumf>, %get3A_315, %reduce_max3A_316 [1] : vector<256x2048xf32> to vector<256xf32>
    %broadcast_in_dim3A_318 = vector.shape_cast %reduce_max3A_317 : vector<256xf32> to vector<256x1xf32>
    %eq3A_319 = vector.broadcast %broadcast_in_dim3A_318 : vector<256x1xf32> to vector<256x2048xf32>
    %eq3A_320 = arith.cmpf oeq, %get3A_315, %eq3A_319 : vector<256x2048xf32>
    %jit3A_321 = arith.constant 2048 : i32
    %broadcast_in_dim3A_322 = vector.broadcast %jit3A_321 : i32 to vector<256x2048xi32>
    %select_n3A_323 = arith.select %eq3A_320, %iota3A, %broadcast_in_dim3A_322 : vector<256x2048xi1>, vector<256x2048xi32>
    %reduce_min3A_324 = arith.constant dense<2147483647> : vector<256xi32>
    %reduce_min3A_325 = vector.multi_reduction <minsi>, %select_n3A_323, %reduce_min3A_324 [1] : vector<256x2048xi32> to vector<256xi32>
    %add3A_326 = vector.broadcast %mul3A_28 : i32 to vector<256xi32>
    %add3A_327 = arith.addi %reduce_min3A_325, %add3A_326 : vector<256xi32>
    %swap3A_328 = arith.constant 10 : index
    %swap3A_329 = arith.constant 0 : index
    %swap3A_330 = vector.load %arg3[%swap3A_328, %swap3A_329] : memref<20x256xi32, #tpu.memory_space<vmem>>, vector<1x256xi32>
    %swap3A_331 = vector.shape_cast %swap3A_330 : vector<1x256xi32> to vector<256xi32>
    %swap3A_332 = vector.shape_cast %add3A_327 : vector<256xi32> to vector<1x256xi32>
    tpu.vector_store %arg3[%swap3A_328, %swap3A_329], %swap3A_332 {strides = array<i32>} : memref<20x256xi32, #tpu.memory_space<vmem>>, vector<1x256xi32>,
    %broadcast_in_dim3A_333 = vector.shape_cast %reduce_min3A_325 : vector<256xi32> to vector<256x1xi32>
    %eq3A_334 = vector.broadcast %broadcast_in_dim3A_333 : vector<256x1xi32> to vector<256x2048xi32>
    %eq3A_335 = arith.cmpi eq, %iota3A, %eq3A_334 : vector<256x2048xi32>
    %jit3A_336 = arith.constant 0xFF800000 : f32
    %broadcast_in_dim3A_337 = vector.broadcast %jit3A_336 : f32 to vector<256x2048xf32>
    %select_n3A_338 = arith.select %eq3A_335, %broadcast_in_dim3A_337, %get3A_315 : vector<256x2048xi1>, vector<256x2048xf32>
    %swap3A_339 = arith.constant 0 : index
    %swap3A_340 = arith.constant 0 : index
    %swap3A_341 = vector.load %arg4[%swap3A_339, %swap3A_340] : memref<256x2048xf32, #tpu.memory_space<vmem>>, vector<256x2048xf32>
    tpu.vector_store %arg4[%swap3A_339, %swap3A_340], %select_n3A_338 {strides = array<i32>} : memref<256x2048xf32, #tpu.memory_space<vmem>>, vector<256x2048xf32>,
    %get3A_342 = arith.constant 0 : index
    %get3A_343 = arith.constant 0 : index
    %get3A_344 = vector.load %arg4[%get3A_342, %get3A_343] : memref<256x2048xf32, #tpu.memory_space<vmem>>, vector<256x2048xf32>
    %reduce_max3A_345 = arith.constant dense<0xFF800000> : vector<256xf32>
    %reduce_max3A_346 = vector.multi_reduction <maximumf>, %get3A_344, %reduce_max3A_345 [1] : vector<256x2048xf32> to vector<256xf32>
    %broadcast_in_dim3A_347 = vector.shape_cast %reduce_max3A_346 : vector<256xf32> to vector<256x1xf32>
    %eq3A_348 = vector.broadcast %broadcast_in_dim3A_347 : vector<256x1xf32> to vector<256x2048xf32>
    %eq3A_349 = arith.cmpf oeq, %get3A_344, %eq3A_348 : vector<256x2048xf32>
    %jit3A_350 = arith.constant 2048 : i32
    %broadcast_in_dim3A_351 = vector.broadcast %jit3A_350 : i32 to vector<256x2048xi32>
    %select_n3A_352 = arith.select %eq3A_349, %iota3A, %broadcast_in_dim3A_351 : vector<256x2048xi1>, vector<256x2048xi32>
    %reduce_min3A_353 = arith.constant dense<2147483647> : vector<256xi32>
    %reduce_min3A_354 = vector.multi_reduction <minsi>, %select_n3A_352, %reduce_min3A_353 [1] : vector<256x2048xi32> to vector<256xi32>
    %add3A_355 = vector.broadcast %mul3A_28 : i32 to vector<256xi32>
    %add3A_356 = arith.addi %reduce_min3A_354, %add3A_355 : vector<256xi32>
    %swap3A_357 = arith.constant 11 : index
    %swap3A_358 = arith.constant 0 : index
    %swap3A_359 = vector.load %arg3[%swap3A_357, %swap3A_358] : memref<20x256xi32, #tpu.memory_space<vmem>>, vector<1x256xi32>
    %swap3A_360 = vector.shape_cast %swap3A_359 : vector<1x256xi32> to vector<256xi32>
    %swap3A_361 = vector.shape_cast %add3A_356 : vector<256xi32> to vector<1x256xi32>
    tpu.vector_store %arg3[%swap3A_357, %swap3A_358], %swap3A_361 {strides = array<i32>} : memref<20x256xi32, #tpu.memory_space<vmem>>, vector<1x256xi32>,
    %broadcast_in_dim3A_362 = vector.shape_cast %reduce_min3A_354 : vector<256xi32> to vector<256x1xi32>
    %eq3A_363 = vector.broadcast %broadcast_in_dim3A_362 : vector<256x1xi32> to vector<256x2048xi32>
    %eq3A_364 = arith.cmpi eq, %iota3A, %eq3A_363 : vector<256x2048xi32>
    %jit3A_365 = arith.constant 0xFF800000 : f32
    %broadcast_in_dim3A_366 = vector.broadcast %jit3A_365 : f32 to vector<256x2048xf32>
    %select_n3A_367 = arith.select %eq3A_364, %broadcast_in_dim3A_366, %get3A_344 : vector<256x2048xi1>, vector<256x2048xf32>
    %swap3A_368 = arith.constant 0 : index
    %swap3A_369 = arith.constant 0 : index
    %swap3A_370 = vector.load %arg4[%swap3A_368, %swap3A_369] : memref<256x2048xf32, #tpu.memory_space<vmem>>, vector<256x2048xf32>
    tpu.vector_store %arg4[%swap3A_368, %swap3A_369], %select_n3A_367 {strides = array<i32>} : memref<256x2048xf32, #tpu.memory_space<vmem>>, vector<256x2048xf32>,
    %get3A_371 = arith.constant 0 : index
    %get3A_372 = arith.constant 0 : index
    %get3A_373 = vector.load %arg4[%get3A_371, %get3A_372] : memref<256x2048xf32, #tpu.memory_space<vmem>>, vector<256x2048xf32>
    %reduce_max3A_374 = arith.constant dense<0xFF800000> : vector<256xf32>
    %reduce_max3A_375 = vector.multi_reduction <maximumf>, %get3A_373, %reduce_max3A_374 [1] : vector<256x2048xf32> to vector<256xf32>
    %broadcast_in_dim3A_376 = vector.shape_cast %reduce_max3A_375 : vector<256xf32> to vector<256x1xf32>
    %eq3A_377 = vector.broadcast %broadcast_in_dim3A_376 : vector<256x1xf32> to vector<256x2048xf32>
    %eq3A_378 = arith.cmpf oeq, %get3A_373, %eq3A_377 : vector<256x2048xf32>
    %jit3A_379 = arith.constant 2048 : i32
    %broadcast_in_dim3A_380 = vector.broadcast %jit3A_379 : i32 to vector<256x2048xi32>
    %select_n3A_381 = arith.select %eq3A_378, %iota3A, %broadcast_in_dim3A_380 : vector<256x2048xi1>, vector<256x2048xi32>
    %reduce_min3A_382 = arith.constant dense<2147483647> : vector<256xi32>
    %reduce_min3A_383 = vector.multi_reduction <minsi>, %select_n3A_381, %reduce_min3A_382 [1] : vector<256x2048xi32> to vector<256xi32>
    %add3A_384 = vector.broadcast %mul3A_28 : i32 to vector<256xi32>
    %add3A_385 = arith.addi %reduce_min3A_383, %add3A_384 : vector<256xi32>
    %swap3A_386 = arith.constant 12 : index
    %swap3A_387 = arith.constant 0 : index
    %swap3A_388 = vector.load %arg3[%swap3A_386, %swap3A_387] : memref<20x256xi32, #tpu.memory_space<vmem>>, vector<1x256xi32>
    %swap3A_389 = vector.shape_cast %swap3A_388 : vector<1x256xi32> to vector<256xi32>
    %swap3A_390 = vector.shape_cast %add3A_385 : vector<256xi32> to vector<1x256xi32>
    tpu.vector_store %arg3[%swap3A_386, %swap3A_387], %swap3A_390 {strides = array<i32>} : memref<20x256xi32, #tpu.memory_space<vmem>>, vector<1x256xi32>,
    %broadcast_in_dim3A_391 = vector.shape_cast %reduce_min3A_383 : vector<256xi32> to vector<256x1xi32>
    %eq3A_392 = vector.broadcast %broadcast_in_dim3A_391 : vector<256x1xi32> to vector<256x2048xi32>
    %eq3A_393 = arith.cmpi eq, %iota3A, %eq3A_392 : vector<256x2048xi32>
    %jit3A_394 = arith.constant 0xFF800000 : f32
    %broadcast_in_dim3A_395 = vector.broadcast %jit3A_394 : f32 to vector<256x2048xf32>
    %select_n3A_396 = arith.select %eq3A_393, %broadcast_in_dim3A_395, %get3A_373 : vector<256x2048xi1>, vector<256x2048xf32>
    %swap3A_397 = arith.constant 0 : index
    %swap3A_398 = arith.constant 0 : index
    %swap3A_399 = vector.load %arg4[%swap3A_397, %swap3A_398] : memref<256x2048xf32, #tpu.memory_space<vmem>>, vector<256x2048xf32>
    tpu.vector_store %arg4[%swap3A_397, %swap3A_398], %select_n3A_396 {strides = array<i32>} : memref<256x2048xf32, #tpu.memory_space<vmem>>, vector<256x2048xf32>,
    %get3A_400 = arith.constant 0 : index
    %get3A_401 = arith.constant 0 : index
    %get3A_402 = vector.load %arg4[%get3A_400, %get3A_401] : memref<256x2048xf32, #tpu.memory_space<vmem>>, vector<256x2048xf32>
    %reduce_max3A_403 = arith.constant dense<0xFF800000> : vector<256xf32>
    %reduce_max3A_404 = vector.multi_reduction <maximumf>, %get3A_402, %reduce_max3A_403 [1] : vector<256x2048xf32> to vector<256xf32>
    %broadcast_in_dim3A_405 = vector.shape_cast %reduce_max3A_404 : vector<256xf32> to vector<256x1xf32>
    %eq3A_406 = vector.broadcast %broadcast_in_dim3A_405 : vector<256x1xf32> to vector<256x2048xf32>
    %eq3A_407 = arith.cmpf oeq, %get3A_402, %eq3A_406 : vector<256x2048xf32>
    %jit3A_408 = arith.constant 2048 : i32
    %broadcast_in_dim3A_409 = vector.broadcast %jit3A_408 : i32 to vector<256x2048xi32>
    %select_n3A_410 = arith.select %eq3A_407, %iota3A, %broadcast_in_dim3A_409 : vector<256x2048xi1>, vector<256x2048xi32>
    %reduce_min3A_411 = arith.constant dense<2147483647> : vector<256xi32>
    %reduce_min3A_412 = vector.multi_reduction <minsi>, %select_n3A_410, %reduce_min3A_411 [1] : vector<256x2048xi32> to vector<256xi32>
    %add3A_413 = vector.broadcast %mul3A_28 : i32 to vector<256xi32>
    %add3A_414 = arith.addi %reduce_min3A_412, %add3A_413 : vector<256xi32>
    %swap3A_415 = arith.constant 13 : index
    %swap3A_416 = arith.constant 0 : index
    %swap3A_417 = vector.load %arg3[%swap3A_415, %swap3A_416] : memref<20x256xi32, #tpu.memory_space<vmem>>, vector<1x256xi32>
    %swap3A_418 = vector.shape_cast %swap3A_417 : vector<1x256xi32> to vector<256xi32>
    %swap3A_419 = vector.shape_cast %add3A_414 : vector<256xi32> to vector<1x256xi32>
    tpu.vector_store %arg3[%swap3A_415, %swap3A_416], %swap3A_419 {strides = array<i32>} : memref<20x256xi32, #tpu.memory_space<vmem>>, vector<1x256xi32>,
    %broadcast_in_dim3A_420 = vector.shape_cast %reduce_min3A_412 : vector<256xi32> to vector<256x1xi32>
    %eq3A_421 = vector.broadcast %broadcast_in_dim3A_420 : vector<256x1xi32> to vector<256x2048xi32>
    %eq3A_422 = arith.cmpi eq, %iota3A, %eq3A_421 : vector<256x2048xi32>
    %jit3A_423 = arith.constant 0xFF800000 : f32
    %broadcast_in_dim3A_424 = vector.broadcast %jit3A_423 : f32 to vector<256x2048xf32>
    %select_n3A_425 = arith.select %eq3A_422, %broadcast_in_dim3A_424, %get3A_402 : vector<256x2048xi1>, vector<256x2048xf32>
    %swap3A_426 = arith.constant 0 : index
    %swap3A_427 = arith.constant 0 : index
    %swap3A_428 = vector.load %arg4[%swap3A_426, %swap3A_427] : memref<256x2048xf32, #tpu.memory_space<vmem>>, vector<256x2048xf32>
    tpu.vector_store %arg4[%swap3A_426, %swap3A_427], %select_n3A_425 {strides = array<i32>} : memref<256x2048xf32, #tpu.memory_space<vmem>>, vector<256x2048xf32>,
    %get3A_429 = arith.constant 0 : index
    %get3A_430 = arith.constant 0 : index
    %get3A_431 = vector.load %arg4[%get3A_429, %get3A_430] : memref<256x2048xf32, #tpu.memory_space<vmem>>, vector<256x2048xf32>
    %reduce_max3A_432 = arith.constant dense<0xFF800000> : vector<256xf32>
    %reduce_max3A_433 = vector.multi_reduction <maximumf>, %get3A_431, %reduce_max3A_432 [1] : vector<256x2048xf32> to vector<256xf32>
    %broadcast_in_dim3A_434 = vector.shape_cast %reduce_max3A_433 : vector<256xf32> to vector<256x1xf32>
    %eq3A_435 = vector.broadcast %broadcast_in_dim3A_434 : vector<256x1xf32> to vector<256x2048xf32>
    %eq3A_436 = arith.cmpf oeq, %get3A_431, %eq3A_435 : vector<256x2048xf32>
    %jit3A_437 = arith.constant 2048 : i32
    %broadcast_in_dim3A_438 = vector.broadcast %jit3A_437 : i32 to vector<256x2048xi32>
    %select_n3A_439 = arith.select %eq3A_436, %iota3A, %broadcast_in_dim3A_438 : vector<256x2048xi1>, vector<256x2048xi32>
    %reduce_min3A_440 = arith.constant dense<2147483647> : vector<256xi32>
    %reduce_min3A_441 = vector.multi_reduction <minsi>, %select_n3A_439, %reduce_min3A_440 [1] : vector<256x2048xi32> to vector<256xi32>
    %add3A_442 = vector.broadcast %mul3A_28 : i32 to vector<256xi32>
    %add3A_443 = arith.addi %reduce_min3A_441, %add3A_442 : vector<256xi32>
    %swap3A_444 = arith.constant 14 : index
    %swap3A_445 = arith.constant 0 : index
    %swap3A_446 = vector.load %arg3[%swap3A_444, %swap3A_445] : memref<20x256xi32, #tpu.memory_space<vmem>>, vector<1x256xi32>
    %swap3A_447 = vector.shape_cast %swap3A_446 : vector<1x256xi32> to vector<256xi32>
    %swap3A_448 = vector.shape_cast %add3A_443 : vector<256xi32> to vector<1x256xi32>
    tpu.vector_store %arg3[%swap3A_444, %swap3A_445], %swap3A_448 {strides = array<i32>} : memref<20x256xi32, #tpu.memory_space<vmem>>, vector<1x256xi32>,
    %broadcast_in_dim3A_449 = vector.shape_cast %reduce_min3A_441 : vector<256xi32> to vector<256x1xi32>
    %eq3A_450 = vector.broadcast %broadcast_in_dim3A_449 : vector<256x1xi32> to vector<256x2048xi32>
    %eq3A_451 = arith.cmpi eq, %iota3A, %eq3A_450 : vector<256x2048xi32>
    %jit3A_452 = arith.constant 0xFF800000 : f32
    %broadcast_in_dim3A_453 = vector.broadcast %jit3A_452 : f32 to vector<256x2048xf32>
    %select_n3A_454 = arith.select %eq3A_451, %broadcast_in_dim3A_453, %get3A_431 : vector<256x2048xi1>, vector<256x2048xf32>
    %swap3A_455 = arith.constant 0 : index
    %swap3A_456 = arith.constant 0 : index
    %swap3A_457 = vector.load %arg4[%swap3A_455, %swap3A_456] : memref<256x2048xf32, #tpu.memory_space<vmem>>, vector<256x2048xf32>
    tpu.vector_store %arg4[%swap3A_455, %swap3A_456], %select_n3A_454 {strides = array<i32>} : memref<256x2048xf32, #tpu.memory_space<vmem>>, vector<256x2048xf32>,
    %get3A_458 = arith.constant 0 : index
    %get3A_459 = arith.constant 0 : index
    %get3A_460 = vector.load %arg4[%get3A_458, %get3A_459] : memref<256x2048xf32, #tpu.memory_space<vmem>>, vector<256x2048xf32>
    %reduce_max3A_461 = arith.constant dense<0xFF800000> : vector<256xf32>
    %reduce_max3A_462 = vector.multi_reduction <maximumf>, %get3A_460, %reduce_max3A_461 [1] : vector<256x2048xf32> to vector<256xf32>
    %broadcast_in_dim3A_463 = vector.shape_cast %reduce_max3A_462 : vector<256xf32> to vector<256x1xf32>
    %eq3A_464 = vector.broadcast %broadcast_in_dim3A_463 : vector<256x1xf32> to vector<256x2048xf32>
    %eq3A_465 = arith.cmpf oeq, %get3A_460, %eq3A_464 : vector<256x2048xf32>
    %jit3A_466 = arith.constant 2048 : i32
    %broadcast_in_dim3A_467 = vector.broadcast %jit3A_466 : i32 to vector<256x2048xi32>
    %select_n3A_468 = arith.select %eq3A_465, %iota3A, %broadcast_in_dim3A_467 : vector<256x2048xi1>, vector<256x2048xi32>
    %reduce_min3A_469 = arith.constant dense<2147483647> : vector<256xi32>
    %reduce_min3A_470 = vector.multi_reduction <minsi>, %select_n3A_468, %reduce_min3A_469 [1] : vector<256x2048xi32> to vector<256xi32>
    %add3A_471 = vector.broadcast %mul3A_28 : i32 to vector<256xi32>
    %add3A_472 = arith.addi %reduce_min3A_470, %add3A_471 : vector<256xi32>
    %swap3A_473 = arith.constant 15 : index
    %swap3A_474 = arith.constant 0 : index
    %swap3A_475 = vector.load %arg3[%swap3A_473, %swap3A_474] : memref<20x256xi32, #tpu.memory_space<vmem>>, vector<1x256xi32>
    %swap3A_476 = vector.shape_cast %swap3A_475 : vector<1x256xi32> to vector<256xi32>
    %swap3A_477 = vector.shape_cast %add3A_472 : vector<256xi32> to vector<1x256xi32>
    tpu.vector_store %arg3[%swap3A_473, %swap3A_474], %swap3A_477 {strides = array<i32>} : memref<20x256xi32, #tpu.memory_space<vmem>>, vector<1x256xi32>,
    %broadcast_in_dim3A_478 = vector.shape_cast %reduce_min3A_470 : vector<256xi32> to vector<256x1xi32>
    %eq3A_479 = vector.broadcast %broadcast_in_dim3A_478 : vector<256x1xi32> to vector<256x2048xi32>
    %eq3A_480 = arith.cmpi eq, %iota3A, %eq3A_479 : vector<256x2048xi32>
    %jit3A_481 = arith.constant 0xFF800000 : f32
    %broadcast_in_dim3A_482 = vector.broadcast %jit3A_481 : f32 to vector<256x2048xf32>
    %select_n3A_483 = arith.select %eq3A_480, %broadcast_in_dim3A_482, %get3A_460 : vector<256x2048xi1>, vector<256x2048xf32>
    %swap3A_484 = arith.constant 0 : index
    %swap3A_485 = arith.constant 0 : index
    %swap3A_486 = vector.load %arg4[%swap3A_484, %swap3A_485] : memref<256x2048xf32, #tpu.memory_space<vmem>>, vector<256x2048xf32>
    tpu.vector_store %arg4[%swap3A_484, %swap3A_485], %select_n3A_483 {strides = array<i32>} : memref<256x2048xf32, #tpu.memory_space<vmem>>, vector<256x2048xf32>,
    %get3A_487 = arith.constant 0 : index
    %get3A_488 = arith.constant 0 : index
    %get3A_489 = vector.load %arg4[%get3A_487, %get3A_488] : memref<256x2048xf32, #tpu.memory_space<vmem>>, vector<256x2048xf32>
    %reduce_max3A_490 = arith.constant dense<0xFF800000> : vector<256xf32>
    %reduce_max3A_491 = vector.multi_reduction <maximumf>, %get3A_489, %reduce_max3A_490 [1] : vector<256x2048xf32> to vector<256xf32>
    %broadcast_in_dim3A_492 = vector.shape_cast %reduce_max3A_491 : vector<256xf32> to vector<256x1xf32>
    %eq3A_493 = vector.broadcast %broadcast_in_dim3A_492 : vector<256x1xf32> to vector<256x2048xf32>
    %eq3A_494 = arith.cmpf oeq, %get3A_489, %eq3A_493 : vector<256x2048xf32>
    %jit3A_495 = arith.constant 2048 : i32
    %broadcast_in_dim3A_496 = vector.broadcast %jit3A_495 : i32 to vector<256x2048xi32>
    %select_n3A_497 = arith.select %eq3A_494, %iota3A, %broadcast_in_dim3A_496 : vector<256x2048xi1>, vector<256x2048xi32>
    %reduce_min3A_498 = arith.constant dense<2147483647> : vector<256xi32>
    %reduce_min3A_499 = vector.multi_reduction <minsi>, %select_n3A_497, %reduce_min3A_498 [1] : vector<256x2048xi32> to vector<256xi32>
    %add3A_500 = vector.broadcast %mul3A_28 : i32 to vector<256xi32>
    %add3A_501 = arith.addi %reduce_min3A_499, %add3A_500 : vector<256xi32>
    %swap3A_502 = arith.constant 16 : index
    %swap3A_503 = arith.constant 0 : index
    %swap3A_504 = vector.load %arg3[%swap3A_502, %swap3A_503] : memref<20x256xi32, #tpu.memory_space<vmem>>, vector<1x256xi32>
    %swap3A_505 = vector.shape_cast %swap3A_504 : vector<1x256xi32> to vector<256xi32>
    %swap3A_506 = vector.shape_cast %add3A_501 : vector<256xi32> to vector<1x256xi32>
    tpu.vector_store %arg3[%swap3A_502, %swap3A_503], %swap3A_506 {strides = array<i32>} : memref<20x256xi32, #tpu.memory_space<vmem>>, vector<1x256xi32>,
    %broadcast_in_dim3A_507 = vector.shape_cast %reduce_min3A_499 : vector<256xi32> to vector<256x1xi32>
    %eq3A_508 = vector.broadcast %broadcast_in_dim3A_507 : vector<256x1xi32> to vector<256x2048xi32>
    %eq3A_509 = arith.cmpi eq, %iota3A, %eq3A_508 : vector<256x2048xi32>
    %jit3A_510 = arith.constant 0xFF800000 : f32
    %broadcast_in_dim3A_511 = vector.broadcast %jit3A_510 : f32 to vector<256x2048xf32>
    %select_n3A_512 = arith.select %eq3A_509, %broadcast_in_dim3A_511, %get3A_489 : vector<256x2048xi1>, vector<256x2048xf32>
    %swap3A_513 = arith.constant 0 : index
    %swap3A_514 = arith.constant 0 : index
    %swap3A_515 = vector.load %arg4[%swap3A_513, %swap3A_514] : memref<256x2048xf32, #tpu.memory_space<vmem>>, vector<256x2048xf32>
    tpu.vector_store %arg4[%swap3A_513, %swap3A_514], %select_n3A_512 {strides = array<i32>} : memref<256x2048xf32, #tpu.memory_space<vmem>>, vector<256x2048xf32>,
    %get3A_516 = arith.constant 0 : index
    %get3A_517 = arith.constant 0 : index
    %get3A_518 = vector.load %arg4[%get3A_516, %get3A_517] : memref<256x2048xf32, #tpu.memory_space<vmem>>, vector<256x2048xf32>
    %reduce_max3A_519 = arith.constant dense<0xFF800000> : vector<256xf32>
    %reduce_max3A_520 = vector.multi_reduction <maximumf>, %get3A_518, %reduce_max3A_519 [1] : vector<256x2048xf32> to vector<256xf32>
    %broadcast_in_dim3A_521 = vector.shape_cast %reduce_max3A_520 : vector<256xf32> to vector<256x1xf32>
    %eq3A_522 = vector.broadcast %broadcast_in_dim3A_521 : vector<256x1xf32> to vector<256x2048xf32>
    %eq3A_523 = arith.cmpf oeq, %get3A_518, %eq3A_522 : vector<256x2048xf32>
    %jit3A_524 = arith.constant 2048 : i32
    %broadcast_in_dim3A_525 = vector.broadcast %jit3A_524 : i32 to vector<256x2048xi32>
    %select_n3A_526 = arith.select %eq3A_523, %iota3A, %broadcast_in_dim3A_525 : vector<256x2048xi1>, vector<256x2048xi32>
    %reduce_min3A_527 = arith.constant dense<2147483647> : vector<256xi32>
    %reduce_min3A_528 = vector.multi_reduction <minsi>, %select_n3A_526, %reduce_min3A_527 [1] : vector<256x2048xi32> to vector<256xi32>
    %add3A_529 = vector.broadcast %mul3A_28 : i32 to vector<256xi32>
    %add3A_530 = arith.addi %reduce_min3A_528, %add3A_529 : vector<256xi32>
    %swap3A_531 = arith.constant 17 : index
    %swap3A_532 = arith.constant 0 : index
    %swap3A_533 = vector.load %arg3[%swap3A_531, %swap3A_532] : memref<20x256xi32, #tpu.memory_space<vmem>>, vector<1x256xi32>
    %swap3A_534 = vector.shape_cast %swap3A_533 : vector<1x256xi32> to vector<256xi32>
    %swap3A_535 = vector.shape_cast %add3A_530 : vector<256xi32> to vector<1x256xi32>
    tpu.vector_store %arg3[%swap3A_531, %swap3A_532], %swap3A_535 {strides = array<i32>} : memref<20x256xi32, #tpu.memory_space<vmem>>, vector<1x256xi32>,
    %broadcast_in_dim3A_536 = vector.shape_cast %reduce_min3A_528 : vector<256xi32> to vector<256x1xi32>
    %eq3A_537 = vector.broadcast %broadcast_in_dim3A_536 : vector<256x1xi32> to vector<256x2048xi32>
    %eq3A_538 = arith.cmpi eq, %iota3A, %eq3A_537 : vector<256x2048xi32>
    %jit3A_539 = arith.constant 0xFF800000 : f32
    %broadcast_in_dim3A_540 = vector.broadcast %jit3A_539 : f32 to vector<256x2048xf32>
    %select_n3A_541 = arith.select %eq3A_538, %broadcast_in_dim3A_540, %get3A_518 : vector<256x2048xi1>, vector<256x2048xf32>
    %swap3A_542 = arith.constant 0 : index
    %swap3A_543 = arith.constant 0 : index
    %swap3A_544 = vector.load %arg4[%swap3A_542, %swap3A_543] : memref<256x2048xf32, #tpu.memory_space<vmem>>, vector<256x2048xf32>
    tpu.vector_store %arg4[%swap3A_542, %swap3A_543], %select_n3A_541 {strides = array<i32>} : memref<256x2048xf32, #tpu.memory_space<vmem>>, vector<256x2048xf32>,
    %get3A_545 = arith.constant 0 : index
    %get3A_546 = arith.constant 0 : index
    %get3A_547 = vector.load %arg4[%get3A_545, %get3A_546] : memref<256x2048xf32, #tpu.memory_space<vmem>>, vector<256x2048xf32>
    %reduce_max3A_548 = arith.constant dense<0xFF800000> : vector<256xf32>
    %reduce_max3A_549 = vector.multi_reduction <maximumf>, %get3A_547, %reduce_max3A_548 [1] : vector<256x2048xf32> to vector<256xf32>
    %broadcast_in_dim3A_550 = vector.shape_cast %reduce_max3A_549 : vector<256xf32> to vector<256x1xf32>
    %eq3A_551 = vector.broadcast %broadcast_in_dim3A_550 : vector<256x1xf32> to vector<256x2048xf32>
    %eq3A_552 = arith.cmpf oeq, %get3A_547, %eq3A_551 : vector<256x2048xf32>
    %jit3A_553 = arith.constant 2048 : i32
    %broadcast_in_dim3A_554 = vector.broadcast %jit3A_553 : i32 to vector<256x2048xi32>
    %select_n3A_555 = arith.select %eq3A_552, %iota3A, %broadcast_in_dim3A_554 : vector<256x2048xi1>, vector<256x2048xi32>
    %reduce_min3A_556 = arith.constant dense<2147483647> : vector<256xi32>
    %reduce_min3A_557 = vector.multi_reduction <minsi>, %select_n3A_555, %reduce_min3A_556 [1] : vector<256x2048xi32> to vector<256xi32>
    %add3A_558 = vector.broadcast %mul3A_28 : i32 to vector<256xi32>
    %add3A_559 = arith.addi %reduce_min3A_557, %add3A_558 : vector<256xi32>
    %swap3A_560 = arith.constant 18 : index
    %swap3A_561 = arith.constant 0 : index
    %swap3A_562 = vector.load %arg3[%swap3A_560, %swap3A_561] : memref<20x256xi32, #tpu.memory_space<vmem>>, vector<1x256xi32>
    %swap3A_563 = vector.shape_cast %swap3A_562 : vector<1x256xi32> to vector<256xi32>
    %swap3A_564 = vector.shape_cast %add3A_559 : vector<256xi32> to vector<1x256xi32>
    tpu.vector_store %arg3[%swap3A_560, %swap3A_561], %swap3A_564 {strides = array<i32>} : memref<20x256xi32, #tpu.memory_space<vmem>>, vector<1x256xi32>,
    %broadcast_in_dim3A_565 = vector.shape_cast %reduce_min3A_557 : vector<256xi32> to vector<256x1xi32>
    %eq3A_566 = vector.broadcast %broadcast_in_dim3A_565 : vector<256x1xi32> to vector<256x2048xi32>
    %eq3A_567 = arith.cmpi eq, %iota3A, %eq3A_566 : vector<256x2048xi32>
    %jit3A_568 = arith.constant 0xFF800000 : f32
    %broadcast_in_dim3A_569 = vector.broadcast %jit3A_568 : f32 to vector<256x2048xf32>
    %select_n3A_570 = arith.select %eq3A_567, %broadcast_in_dim3A_569, %get3A_547 : vector<256x2048xi1>, vector<256x2048xf32>
    %swap3A_571 = arith.constant 0 : index
    %swap3A_572 = arith.constant 0 : index
    %swap3A_573 = vector.load %arg4[%swap3A_571, %swap3A_572] : memref<256x2048xf32, #tpu.memory_space<vmem>>, vector<256x2048xf32>
    tpu.vector_store %arg4[%swap3A_571, %swap3A_572], %select_n3A_570 {strides = array<i32>} : memref<256x2048xf32, #tpu.memory_space<vmem>>, vector<256x2048xf32>,
    %get3A_574 = arith.constant 0 : index
    %get3A_575 = arith.constant 0 : index
    %get3A_576 = vector.load %arg4[%get3A_574, %get3A_575] : memref<256x2048xf32, #tpu.memory_space<vmem>>, vector<256x2048xf32>
    %reduce_max3A_577 = arith.constant dense<0xFF800000> : vector<256xf32>
    %reduce_max3A_578 = vector.multi_reduction <maximumf>, %get3A_576, %reduce_max3A_577 [1] : vector<256x2048xf32> to vector<256xf32>
    %broadcast_in_dim3A_579 = vector.shape_cast %reduce_max3A_578 : vector<256xf32> to vector<256x1xf32>
    %eq3A_580 = vector.broadcast %broadcast_in_dim3A_579 : vector<256x1xf32> to vector<256x2048xf32>
    %eq3A_581 = arith.cmpf oeq, %get3A_576, %eq3A_580 : vector<256x2048xf32>
    %jit3A_582 = arith.constant 2048 : i32
    %broadcast_in_dim3A_583 = vector.broadcast %jit3A_582 : i32 to vector<256x2048xi32>
    %select_n3A_584 = arith.select %eq3A_581, %iota3A, %broadcast_in_dim3A_583 : vector<256x2048xi1>, vector<256x2048xi32>
    %reduce_min3A_585 = arith.constant dense<2147483647> : vector<256xi32>
    %reduce_min3A_586 = vector.multi_reduction <minsi>, %select_n3A_584, %reduce_min3A_585 [1] : vector<256x2048xi32> to vector<256xi32>
    %add3A_587 = vector.broadcast %mul3A_28 : i32 to vector<256xi32>
    %add3A_588 = arith.addi %reduce_min3A_586, %add3A_587 : vector<256xi32>
    %swap3A_589 = arith.constant 19 : index
    %swap3A_590 = arith.constant 0 : index
    %swap3A_591 = vector.load %arg3[%swap3A_589, %swap3A_590] : memref<20x256xi32, #tpu.memory_space<vmem>>, vector<1x256xi32>
    %swap3A_592 = vector.shape_cast %swap3A_591 : vector<1x256xi32> to vector<256xi32>
    %swap3A_593 = vector.shape_cast %add3A_588 : vector<256xi32> to vector<1x256xi32>
    tpu.vector_store %arg3[%swap3A_589, %swap3A_590], %swap3A_593 {strides = array<i32>} : memref<20x256xi32, #tpu.memory_space<vmem>>, vector<1x256xi32>,
    %broadcast_in_dim3A_594 = vector.shape_cast %reduce_min3A_586 : vector<256xi32> to vector<256x1xi32>
    %eq3A_595 = vector.broadcast %broadcast_in_dim3A_594 : vector<256x1xi32> to vector<256x2048xi32>
    %eq3A_596 = arith.cmpi eq, %iota3A, %eq3A_595 : vector<256x2048xi32>
    %jit3A_597 = arith.constant 0xFF800000 : f32
    %broadcast_in_dim3A_598 = vector.broadcast %jit3A_597 : f32 to vector<256x2048xf32>
    %select_n3A_599 = arith.select %eq3A_596, %broadcast_in_dim3A_598, %get3A_576 : vector<256x2048xi1>, vector<256x2048xf32>
    %swap3A_600 = arith.constant 0 : index
    %swap3A_601 = arith.constant 0 : index
    %swap3A_602 = vector.load %arg4[%swap3A_600, %swap3A_601] : memref<256x2048xf32, #tpu.memory_space<vmem>>, vector<256x2048xf32>
    tpu.vector_store %arg4[%swap3A_600, %swap3A_601], %select_n3A_599 {strides = array<i32>} : memref<256x2048xf32, #tpu.memory_space<vmem>>, vector<256x2048xf32>,
    return
  }
  func.func @transform_0(%arg0: i32, %arg1: i32) -> (i32, i32, i32) {
    %c0_i32 = arith.constant 0 : i32
    %c0_i32_0 = arith.constant 0 : i32
    %c0_i32_1 = arith.constant 0 : i32
    return %arg0, %c0_i32, %c0_i32_0 : i32, i32, i32
  }
  func.func @transform_1(%arg0: i32, %arg1: i32) -> (i32, i32) {
    %mul3A = arith.constant 8 : i32
    %mul3A_0 = arith.muli %arg0, %mul3A : i32
    %add3A = arith.addi %mul3A_0, %arg1 : i32
    %c0_i32 = arith.constant 0 : i32
    %c0_i32_1 = arith.constant 0 : i32
    return %c0_i32, %add3A : i32, i32
  }
}

module attributes {stable_mosaic.version = 14 : i64} {
  func.func @_conv_body(%arg0: i32, %arg1: i32, %arg2: memref<512x64xf32, #tpu.memory_space<vmem>>, %arg3: memref<512x64xf32, #tpu.memory_space<vmem>>, %arg4: memref<128x64xf32, #tpu.memory_space<vmem>>, %arg5: memref<512x64xf32, #tpu.memory_space<vmem>>, %arg6: memref<512x64xf32, #tpu.memory_space<vmem>>) attributes {dimension_semantics = [#tpu.dimension_semantics<arbitrary>, #tpu.dimension_semantics<arbitrary>], iteration_bounds = array<i64: 32, 20>, scalar_prefetch = 0 : i64, scratch_operands = 0 : i64, tpu.core_type = #tpu.core_type<tc>, window_params = [{transform_indices = @transform_0, window_bounds = array<i64: 512, 64>}, {transform_indices = @transform_1, window_bounds = array<i64: 512, 64>}, {pipeline_mode = #tpu.pipeline_mode<synchronous>, transform_indices = @transform_2, window_bounds = array<i64: 128, 64>}, {transform_indices = @transform_3, window_bounds = array<i64: 512, 64>}, {transform_indices = @transform_4, window_bounds = array<i64: 512, 64>}]} {
    %get3A = arith.constant 0 : index
    %get3A_0 = arith.constant 0 : index
    %get3A_1 = vector.load %arg3[%get3A, %get3A_0] : memref<512x64xf32, #tpu.memory_space<vmem>>, vector<512x64xf32>
    %get3A_2 = arith.constant 0 : index
    %get3A_3 = arith.constant 0 : index
    %get3A_4 = vector.load %arg2[%get3A_2, %get3A_3] : memref<512x64xf32, #tpu.memory_space<vmem>>, vector<512x64xf32>
    %sub3A = arith.subf %get3A_4, %get3A_1 : vector<512x64xf32>
    %concatenate3A = tpu.concatenate %sub3A, %get3A_1 in 1 : vector<512x64xf32>, vector<512x64xf32> -> vector<512x128xf32>
    %get3A_5 = arith.constant 0 : index
    %get3A_6 = arith.constant 0 : index
    %get3A_7 = vector.load %arg4[%get3A_5, %get3A_6] : memref<128x64xf32, #tpu.memory_space<vmem>>, vector<128x64xf32>
    %dot_general3A = arith.constant dense<0.000000e+00> : vector<512x64xf32>
    %dot_general3A_8 = tpu.matmul %concatenate3A, %get3A_7, %dot_general3A {dimension_numbers = #tpu.dot_dimension_numbers<[1], [0], [0], [1], [0, 0, 1, 1], [], []>, transpose_lhs_hint = false} : vector<512x128xf32>, vector<128x64xf32>, vector<512x64xf32> -> vector<512x64xf32>
    %swap3A = arith.constant 0 : index
    %swap3A_9 = arith.constant 0 : index
    %swap3A_10 = vector.load %arg6[%swap3A, %swap3A_9] : memref<512x64xf32, #tpu.memory_space<vmem>>, vector<512x64xf32>
    tpu.vector_store %arg6[%swap3A, %swap3A_9], %dot_general3A_8 {strides = array<i32>} : memref<512x64xf32, #tpu.memory_space<vmem>>, vector<512x64xf32>,
    %eq3A = arith.constant 0 : i32
    %eq3A_11 = arith.cmpi eq, %arg1, %eq3A : i32
    %convert_element_type3A = arith.extui %eq3A_11 : i1 to i32
    %cond3A = arith.constant 0 : i32
    %cond3A_12 = arith.cmpi ne, %convert_element_type3A, %cond3A : i32
    scf.if %cond3A_12 {
      %swap3A_17 = arith.constant 0 : index
      %swap3A_18 = arith.constant 0 : index
      %swap3A_19 = vector.load %arg5[%swap3A_17, %swap3A_18] : memref<512x64xf32, #tpu.memory_space<vmem>>, vector<512x64xf32>
      tpu.vector_store %arg5[%swap3A_17, %swap3A_18], %dot_general3A_8 {strides = array<i32>} : memref<512x64xf32, #tpu.memory_space<vmem>>, vector<512x64xf32>,
    } else {
    }
    %gt3A = arith.constant 0 : i32
    %gt3A_13 = arith.cmpi sgt, %arg1, %gt3A : i32
    %convert_element_type3A_14 = arith.extui %gt3A_13 : i1 to i32
    %cond3A_15 = arith.constant 0 : i32
    %cond3A_16 = arith.cmpi ne, %convert_element_type3A_14, %cond3A_15 : i32
    scf.if %cond3A_16 {
      %get3A_17 = arith.constant 0 : index
      %get3A_18 = arith.constant 0 : index
      %get3A_19 = vector.load %arg5[%get3A_17, %get3A_18] : memref<512x64xf32, #tpu.memory_space<vmem>>, vector<512x64xf32>
      %max3A = arith.maximumf %get3A_19, %dot_general3A_8 : vector<512x64xf32>
      %swap3A_20 = arith.constant 0 : index
      %swap3A_21 = arith.constant 0 : index
      %swap3A_22 = vector.load %arg5[%swap3A_20, %swap3A_21] : memref<512x64xf32, #tpu.memory_space<vmem>>, vector<512x64xf32>
      tpu.vector_store %arg5[%swap3A_20, %swap3A_21], %max3A {strides = array<i32>} : memref<512x64xf32, #tpu.memory_space<vmem>>, vector<512x64xf32>,
    } else {
    }
    return
  }
  func.func @transform_0(%arg0: i32, %arg1: i32) -> (i32, i32) {
    %mul3A = arith.constant 32 : i32
    %mul3A_0 = arith.muli %arg1, %mul3A : i32
    %add3A = arith.addi %mul3A_0, %arg0 : i32
    %c0_i32 = arith.constant 0 : i32
    %c0_i32_1 = arith.constant 0 : i32
    return %add3A, %c0_i32 : i32, i32
  }
  func.func @transform_1(%arg0: i32, %arg1: i32) -> (i32, i32) {
    %c0_i32 = arith.constant 0 : i32
    %c0_i32_0 = arith.constant 0 : i32
    return %arg0, %c0_i32 : i32, i32
  }
  func.func @transform_2(%arg0: i32, %arg1: i32) -> (i32, i32) {
    %c0_i32 = arith.constant 0 : i32
    %c0_i32_0 = arith.constant 0 : i32
    %c0_i32_1 = arith.constant 0 : i32
    return %c0_i32, %c0_i32_0 : i32, i32
  }
  func.func @transform_3(%arg0: i32, %arg1: i32) -> (i32, i32) {
    %c0_i32 = arith.constant 0 : i32
    %c0_i32_0 = arith.constant 0 : i32
    return %arg0, %c0_i32 : i32, i32
  }
  func.func @transform_4(%arg0: i32, %arg1: i32) -> (i32, i32) {
    %mul3A = arith.constant 32 : i32
    %mul3A_0 = arith.muli %arg1, %mul3A : i32
    %add3A = arith.addi %mul3A_0, %arg0 : i32
    %c0_i32 = arith.constant 0 : i32
    %c0_i32_1 = arith.constant 0 : i32
    return %add3A, %c0_i32 : i32, i32
  }
}

module attributes {stable_mosaic.version = 14 : i64} {
  func.func @_conv_body(%arg0: i32, %arg1: i32, %arg2: memref<512x64xf32, #tpu.memory_space<vmem>>, %arg3: memref<512x64xf32, #tpu.memory_space<vmem>>, %arg4: memref<128x128xf32, #tpu.memory_space<vmem>>, %arg5: memref<512x128xf32, #tpu.memory_space<vmem>>, %arg6: memref<512x128xf32, #tpu.memory_space<vmem>>) attributes {dimension_semantics = [#tpu.dimension_semantics<arbitrary>, #tpu.dimension_semantics<arbitrary>], iteration_bounds = array<i64: 32, 20>, scalar_prefetch = 0 : i64, scratch_operands = 0 : i64, tpu.core_type = #tpu.core_type<tc>, window_params = [{transform_indices = @transform_0, window_bounds = array<i64: 512, 64>}, {transform_indices = @transform_1, window_bounds = array<i64: 512, 64>}, {pipeline_mode = #tpu.pipeline_mode<synchronous>, transform_indices = @transform_2, window_bounds = array<i64: 128, 128>}, {transform_indices = @transform_3, window_bounds = array<i64: 512, 128>}, {transform_indices = @transform_4, window_bounds = array<i64: 512, 128>}]} {
    %get3A = arith.constant 0 : index
    %get3A_0 = arith.constant 0 : index
    %get3A_1 = vector.load %arg3[%get3A, %get3A_0] : memref<512x64xf32, #tpu.memory_space<vmem>>, vector<512x64xf32>
    %get3A_2 = arith.constant 0 : index
    %get3A_3 = arith.constant 0 : index
    %get3A_4 = vector.load %arg2[%get3A_2, %get3A_3] : memref<512x64xf32, #tpu.memory_space<vmem>>, vector<512x64xf32>
    %sub3A = arith.subf %get3A_4, %get3A_1 : vector<512x64xf32>
    %concatenate3A = tpu.concatenate %sub3A, %get3A_1 in 1 : vector<512x64xf32>, vector<512x64xf32> -> vector<512x128xf32>
    %get3A_5 = arith.constant 0 : index
    %get3A_6 = arith.constant 0 : index
    %get3A_7 = vector.load %arg4[%get3A_5, %get3A_6] : memref<128x128xf32, #tpu.memory_space<vmem>>, vector<128x128xf32>
    %dot_general3A = arith.constant dense<0.000000e+00> : vector<512x128xf32>
    %dot_general3A_8 = tpu.matmul %concatenate3A, %get3A_7, %dot_general3A {dimension_numbers = #tpu.dot_dimension_numbers<[1], [0], [0], [1], [0, 0, 1, 1], [], []>, transpose_lhs_hint = false} : vector<512x128xf32>, vector<128x128xf32>, vector<512x128xf32> -> vector<512x128xf32>
    %swap3A = arith.constant 0 : index
    %swap3A_9 = arith.constant 0 : index
    %swap3A_10 = vector.load %arg6[%swap3A, %swap3A_9] : memref<512x128xf32, #tpu.memory_space<vmem>>, vector<512x128xf32>
    tpu.vector_store %arg6[%swap3A, %swap3A_9], %dot_general3A_8 {strides = array<i32>} : memref<512x128xf32, #tpu.memory_space<vmem>>, vector<512x128xf32>,
    %eq3A = arith.constant 0 : i32
    %eq3A_11 = arith.cmpi eq, %arg1, %eq3A : i32
    %convert_element_type3A = arith.extui %eq3A_11 : i1 to i32
    %cond3A = arith.constant 0 : i32
    %cond3A_12 = arith.cmpi ne, %convert_element_type3A, %cond3A : i32
    scf.if %cond3A_12 {
      %swap3A_17 = arith.constant 0 : index
      %swap3A_18 = arith.constant 0 : index
      %swap3A_19 = vector.load %arg5[%swap3A_17, %swap3A_18] : memref<512x128xf32, #tpu.memory_space<vmem>>, vector<512x128xf32>
      tpu.vector_store %arg5[%swap3A_17, %swap3A_18], %dot_general3A_8 {strides = array<i32>} : memref<512x128xf32, #tpu.memory_space<vmem>>, vector<512x128xf32>,
    } else {
    }
    %gt3A = arith.constant 0 : i32
    %gt3A_13 = arith.cmpi sgt, %arg1, %gt3A : i32
    %convert_element_type3A_14 = arith.extui %gt3A_13 : i1 to i32
    %cond3A_15 = arith.constant 0 : i32
    %cond3A_16 = arith.cmpi ne, %convert_element_type3A_14, %cond3A_15 : i32
    scf.if %cond3A_16 {
      %get3A_17 = arith.constant 0 : index
      %get3A_18 = arith.constant 0 : index
      %get3A_19 = vector.load %arg5[%get3A_17, %get3A_18] : memref<512x128xf32, #tpu.memory_space<vmem>>, vector<512x128xf32>
      %max3A = arith.maximumf %get3A_19, %dot_general3A_8 : vector<512x128xf32>
      %swap3A_20 = arith.constant 0 : index
      %swap3A_21 = arith.constant 0 : index
      %swap3A_22 = vector.load %arg5[%swap3A_20, %swap3A_21] : memref<512x128xf32, #tpu.memory_space<vmem>>, vector<512x128xf32>
      tpu.vector_store %arg5[%swap3A_20, %swap3A_21], %max3A {strides = array<i32>} : memref<512x128xf32, #tpu.memory_space<vmem>>, vector<512x128xf32>,
    } else {
    }
    return
  }
  func.func @transform_0(%arg0: i32, %arg1: i32) -> (i32, i32) {
    %mul3A = arith.constant 32 : i32
    %mul3A_0 = arith.muli %arg1, %mul3A : i32
    %add3A = arith.addi %mul3A_0, %arg0 : i32
    %c0_i32 = arith.constant 0 : i32
    %c0_i32_1 = arith.constant 0 : i32
    return %add3A, %c0_i32 : i32, i32
  }
  func.func @transform_1(%arg0: i32, %arg1: i32) -> (i32, i32) {
    %c0_i32 = arith.constant 0 : i32
    %c0_i32_0 = arith.constant 0 : i32
    return %arg0, %c0_i32 : i32, i32
  }
  func.func @transform_2(%arg0: i32, %arg1: i32) -> (i32, i32) {
    %c0_i32 = arith.constant 0 : i32
    %c0_i32_0 = arith.constant 0 : i32
    %c0_i32_1 = arith.constant 0 : i32
    return %c0_i32, %c0_i32_0 : i32, i32
  }
  func.func @transform_3(%arg0: i32, %arg1: i32) -> (i32, i32) {
    %c0_i32 = arith.constant 0 : i32
    %c0_i32_0 = arith.constant 0 : i32
    return %arg0, %c0_i32 : i32, i32
  }
  func.func @transform_4(%arg0: i32, %arg1: i32) -> (i32, i32) {
    %mul3A = arith.constant 32 : i32
    %mul3A_0 = arith.muli %arg1, %mul3A : i32
    %add3A = arith.addi %mul3A_0, %arg0 : i32
    %c0_i32 = arith.constant 0 : i32
    %c0_i32_1 = arith.constant 0 : i32
    return %add3A, %c0_i32 : i32, i32
  }
}

module attributes {stable_mosaic.version = 14 : i64} {
  func.func @_bn_body(%arg0: i32, %arg1: memref<512x128xf32, #tpu.memory_space<vmem>>, %arg2: memref<1x128xf32, #tpu.memory_space<vmem>>, %arg3: memref<1x128xf32, #tpu.memory_space<vmem>>, %arg4: memref<1x128xf32, #tpu.memory_space<vmem>>, %arg5: memref<1x128xf32, #tpu.memory_space<vmem>>, %arg6: memref<512x128xf32, #tpu.memory_space<vmem>>) attributes {dimension_semantics = [#tpu.dimension_semantics<arbitrary>], iteration_bounds = array<i64: 32>, scalar_prefetch = 0 : i64, scratch_operands = 0 : i64, tpu.core_type = #tpu.core_type<tc>, window_params = [{transform_indices = @transform_0, window_bounds = array<i64: 512, 128>}, {pipeline_mode = #tpu.pipeline_mode<synchronous>, transform_indices = @transform_1, window_bounds = array<i64: 1, 128>}, {pipeline_mode = #tpu.pipeline_mode<synchronous>, transform_indices = @transform_2, window_bounds = array<i64: 1, 128>}, {pipeline_mode = #tpu.pipeline_mode<synchronous>, transform_indices = @transform_3, window_bounds = array<i64: 1, 128>}, {pipeline_mode = #tpu.pipeline_mode<synchronous>, transform_indices = @transform_4, window_bounds = array<i64: 1, 128>}, {transform_indices = @transform_5, window_bounds = array<i64: 512, 128>}]} {
    %get3A = arith.constant 0 : index
    %get3A_0 = arith.constant 0 : index
    %get3A_1 = vector.load %arg3[%get3A, %get3A_0] : memref<1x128xf32, #tpu.memory_space<vmem>>, vector<1x128xf32>
    %add3A = arith.constant 9.99999974E-6 : f32
    %add3A_2 = vector.broadcast %add3A : f32 to vector<1x128xf32>
    %add3A_3 = arith.addf %get3A_1, %add3A_2 : vector<1x128xf32>
    %sqrt3A = math.sqrt %add3A_3 : vector<1x128xf32>
    %get3A_4 = arith.constant 0 : index
    %get3A_5 = arith.constant 0 : index
    %get3A_6 = vector.load %arg1[%get3A_4, %get3A_5] : memref<512x128xf32, #tpu.memory_space<vmem>>, vector<512x128xf32>
    %get3A_7 = arith.constant 0 : index
    %get3A_8 = arith.constant 0 : index
    %get3A_9 = vector.load %arg2[%get3A_7, %get3A_8] : memref<1x128xf32, #tpu.memory_space<vmem>>, vector<1x128xf32>
    %sub3A = vector.broadcast %get3A_9 : vector<1x128xf32> to vector<512x128xf32>
    %sub3A_10 = arith.subf %get3A_6, %sub3A : vector<512x128xf32>
    %div3A = vector.broadcast %sqrt3A : vector<1x128xf32> to vector<512x128xf32>
    %div3A_11 = arith.divf %sub3A_10, %div3A : vector<512x128xf32>
    %get3A_12 = arith.constant 0 : index
    %get3A_13 = arith.constant 0 : index
    %get3A_14 = vector.load %arg4[%get3A_12, %get3A_13] : memref<1x128xf32, #tpu.memory_space<vmem>>, vector<1x128xf32>
    %mul3A = vector.broadcast %get3A_14 : vector<1x128xf32> to vector<512x128xf32>
    %mul3A_15 = arith.mulf %div3A_11, %mul3A : vector<512x128xf32>
    %get3A_16 = arith.constant 0 : index
    %get3A_17 = arith.constant 0 : index
    %get3A_18 = vector.load %arg5[%get3A_16, %get3A_17] : memref<1x128xf32, #tpu.memory_space<vmem>>, vector<1x128xf32>
    %add3A_19 = vector.broadcast %get3A_18 : vector<1x128xf32> to vector<512x128xf32>
    %add3A_20 = arith.addf %mul3A_15, %add3A_19 : vector<512x128xf32>
    %gt3A = arith.constant 0.000000e+00 : f32
    %gt3A_21 = vector.broadcast %gt3A : f32 to vector<512x128xf32>
    %gt3A_22 = arith.cmpf ogt, %add3A_20, %gt3A_21 : vector<512x128xf32>
    %mul3A_23 = arith.constant 2.000000e-01 : f32
    %mul3A_24 = vector.broadcast %mul3A_23 : f32 to vector<512x128xf32>
    %mul3A_25 = arith.mulf %mul3A_24, %add3A_20 : vector<512x128xf32>
    %select_n3A = arith.select %gt3A_22, %add3A_20, %mul3A_25 : vector<512x128xi1>, vector<512x128xf32>
    %swap3A = arith.constant 0 : index
    %swap3A_26 = arith.constant 0 : index
    %swap3A_27 = vector.load %arg6[%swap3A, %swap3A_26] : memref<512x128xf32, #tpu.memory_space<vmem>>, vector<512x128xf32>
    tpu.vector_store %arg6[%swap3A, %swap3A_26], %select_n3A {strides = array<i32>} : memref<512x128xf32, #tpu.memory_space<vmem>>, vector<512x128xf32>,
    return
  }
  func.func @transform_0(%arg0: i32) -> (i32, i32) {
    %c0_i32 = arith.constant 0 : i32
    %c0_i32_0 = arith.constant 0 : i32
    return %arg0, %c0_i32 : i32, i32
  }
  func.func @transform_1(%arg0: i32) -> (i32, i32) {
    %c0_i32 = arith.constant 0 : i32
    %c0_i32_0 = arith.constant 0 : i32
    %c0_i32_1 = arith.constant 0 : i32
    return %c0_i32, %c0_i32_0 : i32, i32
  }
  func.func @transform_2(%arg0: i32) -> (i32, i32) {
    %c0_i32 = arith.constant 0 : i32
    %c0_i32_0 = arith.constant 0 : i32
    %c0_i32_1 = arith.constant 0 : i32
    return %c0_i32, %c0_i32_0 : i32, i32
  }
  func.func @transform_3(%arg0: i32) -> (i32, i32) {
    %c0_i32 = arith.constant 0 : i32
    %c0_i32_0 = arith.constant 0 : i32
    %c0_i32_1 = arith.constant 0 : i32
    return %c0_i32, %c0_i32_0 : i32, i32
  }
  func.func @transform_4(%arg0: i32) -> (i32, i32) {
    %c0_i32 = arith.constant 0 : i32
    %c0_i32_0 = arith.constant 0 : i32
    %c0_i32_1 = arith.constant 0 : i32
    return %c0_i32, %c0_i32_0 : i32, i32
  }
  func.func @transform_5(%arg0: i32) -> (i32, i32) {
    %c0_i32 = arith.constant 0 : i32
    %c0_i32_0 = arith.constant 0 : i32
    return %arg0, %c0_i32 : i32, i32
  }
}

module attributes {stable_mosaic.version = 14 : i64} {
  func.func @_topk_body(%arg0: i32, %arg1: i32, %arg2: memref<1x128x2048xf32, #tpu.memory_space<vmem>>, %arg3: memref<20x256xi32, #tpu.memory_space<vmem>>, %arg4: memref<256x2048xf32, #tpu.memory_space<vmem>>) attributes {dimension_semantics = [#tpu.dimension_semantics<arbitrary>, #tpu.dimension_semantics<arbitrary>], iteration_bounds = array<i64: 8, 8>, scalar_prefetch = 0 : i64, scratch_operands = 1 : i64, tpu.core_type = #tpu.core_type<tc>, window_params = [{transform_indices = @transform_0, window_bounds = array<i64: 1, 128, 2048>}, {transform_indices = @transform_1, window_bounds = array<i64: 20, 256>}]} {
    %get3A = arith.constant 0 : index
    %get3A_0 = arith.constant 0 : index
    %get3A_1 = arith.constant 0 : index
    %get3A_2 = vector.load %arg2[%get3A, %get3A_0, %get3A_1] : memref<1x128x2048xf32, #tpu.memory_space<vmem>>, vector<1x128x2048xf32>
    %get3A_3 = vector.shape_cast %get3A_2 : vector<1x128x2048xf32> to vector<128x2048xf32>
    %mul3A = arith.mulf %get3A_3, %get3A_3 : vector<128x2048xf32>
    %reduce_sum3A = arith.constant dense<0.000000e+00> : vector<2048xf32>
    %reduce_sum3A_4 = vector.multi_reduction <add>, %mul3A, %reduce_sum3A [0] : vector<128x2048xf32> to vector<2048xf32>
    %mul3A_5 = arith.constant 256 : i32
    %mul3A_6 = arith.muli %arg1, %mul3A_5 : i32
    %get3A_7 = arith.constant 0 : index
    %get3A_8 = arith.constant 0 : index
    %get3A_9 = arith.index_cast %mul3A_6 : i32 to index
    %get3A_10 = vector.load %arg2[%get3A_7, %get3A_8, %get3A_9] : memref<1x128x2048xf32, #tpu.memory_space<vmem>>, vector<1x128x256xf32>
    %get3A_11 = vector.shape_cast %get3A_10 : vector<1x128x256xf32> to vector<128x256xf32>
    %mul3A_12 = arith.mulf %get3A_11, %get3A_11 : vector<128x256xf32>
    %reduce_sum3A_13 = arith.constant dense<0.000000e+00> : vector<256xf32>
    %reduce_sum3A_14 = vector.multi_reduction <add>, %mul3A_12, %reduce_sum3A_13 [0] : vector<128x256xf32> to vector<256xf32>
    %dot_general3A = arith.constant dense<0.000000e+00> : vector<256x2048xf32>
    %dot_general3A_15 = tpu.matmul %get3A_11, %get3A_3, %dot_general3A {dimension_numbers = #tpu.dot_dimension_numbers<[0], [0], [1], [1], [0, 1, 1, 1], [], []>, transpose_lhs_hint = false} : vector<128x256xf32>, vector<128x2048xf32>, vector<256x2048xf32> -> vector<256x2048xf32>
    %mul3A_16 = arith.constant -2.000000e+00 : f32
    %mul3A_17 = vector.broadcast %mul3A_16 : f32 to vector<256x2048xf32>
    %mul3A_18 = arith.mulf %mul3A_17, %dot_general3A_15 : vector<256x2048xf32>
    %neg3A = arith.constant 0.000000e+00 : f32
    %neg3A_19 = vector.broadcast %neg3A : f32 to vector<256xf32>
    %neg3A_20 = arith.subf %neg3A_19, %reduce_sum3A_14 : vector<256xf32>
    %broadcast_in_dim3A = vector.shape_cast %neg3A_20 : vector<256xf32> to vector<256x1xf32>
    %sub3A = vector.broadcast %broadcast_in_dim3A : vector<256x1xf32> to vector<256x2048xf32>
    %sub3A_21 = arith.subf %sub3A, %mul3A_18 : vector<256x2048xf32>
    %broadcast_in_dim3A_22 = vector.shape_cast %reduce_sum3A_4 : vector<2048xf32> to vector<1x2048xf32>
    %sub3A_23 = vector.broadcast %broadcast_in_dim3A_22 : vector<1x2048xf32> to vector<256x2048xf32>
    %sub3A_24 = arith.subf %sub3A_21, %sub3A_23 : vector<256x2048xf32>
    %swap3A = arith.constant 0 : index
    %swap3A_25 = arith.constant 0 : index
    %swap3A_26 = vector.load %arg4[%swap3A, %swap3A_25] : memref<256x2048xf32, #tpu.memory_space<vmem>>, vector<256x2048xf32>
    tpu.vector_store %arg4[%swap3A, %swap3A_25], %sub3A_24 {strides = array<i32>} : memref<256x2048xf32, #tpu.memory_space<vmem>>, vector<256x2048xf32>,
    %iota3A = tpu.iota {dimensions = array<i32: 1>} : vector<256x2048xi32>
    %mul3A_27 = arith.constant 2048 : i32
    %mul3A_28 = arith.muli %arg0, %mul3A_27 : i32
    %get3A_29 = arith.constant 0 : index
    %get3A_30 = arith.constant 0 : index
    %get3A_31 = vector.load %arg4[%get3A_29, %get3A_30] : memref<256x2048xf32, #tpu.memory_space<vmem>>, vector<256x2048xf32>
    %reduce_max3A = arith.constant dense<0xFF800000> : vector<256xf32>
    %reduce_max3A_32 = vector.multi_reduction <maximumf>, %get3A_31, %reduce_max3A [1] : vector<256x2048xf32> to vector<256xf32>
    %broadcast_in_dim3A_33 = vector.shape_cast %reduce_max3A_32 : vector<256xf32> to vector<256x1xf32>
    %eq3A = vector.broadcast %broadcast_in_dim3A_33 : vector<256x1xf32> to vector<256x2048xf32>
    %eq3A_34 = arith.cmpf oeq, %get3A_31, %eq3A : vector<256x2048xf32>
    %jit3A = arith.constant 2048 : i32
    %broadcast_in_dim3A_35 = vector.broadcast %jit3A : i32 to vector<256x2048xi32>
    %select_n3A = arith.select %eq3A_34, %iota3A, %broadcast_in_dim3A_35 : vector<256x2048xi1>, vector<256x2048xi32>
    %reduce_min3A = arith.constant dense<2147483647> : vector<256xi32>
    %reduce_min3A_36 = vector.multi_reduction <minsi>, %select_n3A, %reduce_min3A [1] : vector<256x2048xi32> to vector<256xi32>
    %add3A = vector.broadcast %mul3A_28 : i32 to vector<256xi32>
    %add3A_37 = arith.addi %reduce_min3A_36, %add3A : vector<256xi32>
    %swap3A_38 = arith.constant 0 : index
    %swap3A_39 = arith.constant 0 : index
    %swap3A_40 = vector.load %arg3[%swap3A_38, %swap3A_39] : memref<20x256xi32, #tpu.memory_space<vmem>>, vector<1x256xi32>
    %swap3A_41 = vector.shape_cast %swap3A_40 : vector<1x256xi32> to vector<256xi32>
    %swap3A_42 = vector.shape_cast %add3A_37 : vector<256xi32> to vector<1x256xi32>
    tpu.vector_store %arg3[%swap3A_38, %swap3A_39], %swap3A_42 {strides = array<i32>} : memref<20x256xi32, #tpu.memory_space<vmem>>, vector<1x256xi32>,
    %broadcast_in_dim3A_43 = vector.shape_cast %reduce_min3A_36 : vector<256xi32> to vector<256x1xi32>
    %eq3A_44 = vector.broadcast %broadcast_in_dim3A_43 : vector<256x1xi32> to vector<256x2048xi32>
    %eq3A_45 = arith.cmpi eq, %iota3A, %eq3A_44 : vector<256x2048xi32>
    %jit3A_46 = arith.constant 0xFF800000 : f32
    %broadcast_in_dim3A_47 = vector.broadcast %jit3A_46 : f32 to vector<256x2048xf32>
    %select_n3A_48 = arith.select %eq3A_45, %broadcast_in_dim3A_47, %get3A_31 : vector<256x2048xi1>, vector<256x2048xf32>
    %swap3A_49 = arith.constant 0 : index
    %swap3A_50 = arith.constant 0 : index
    %swap3A_51 = vector.load %arg4[%swap3A_49, %swap3A_50] : memref<256x2048xf32, #tpu.memory_space<vmem>>, vector<256x2048xf32>
    tpu.vector_store %arg4[%swap3A_49, %swap3A_50], %select_n3A_48 {strides = array<i32>} : memref<256x2048xf32, #tpu.memory_space<vmem>>, vector<256x2048xf32>,
    %get3A_52 = arith.constant 0 : index
    %get3A_53 = arith.constant 0 : index
    %get3A_54 = vector.load %arg4[%get3A_52, %get3A_53] : memref<256x2048xf32, #tpu.memory_space<vmem>>, vector<256x2048xf32>
    %reduce_max3A_55 = arith.constant dense<0xFF800000> : vector<256xf32>
    %reduce_max3A_56 = vector.multi_reduction <maximumf>, %get3A_54, %reduce_max3A_55 [1] : vector<256x2048xf32> to vector<256xf32>
    %broadcast_in_dim3A_57 = vector.shape_cast %reduce_max3A_56 : vector<256xf32> to vector<256x1xf32>
    %eq3A_58 = vector.broadcast %broadcast_in_dim3A_57 : vector<256x1xf32> to vector<256x2048xf32>
    %eq3A_59 = arith.cmpf oeq, %get3A_54, %eq3A_58 : vector<256x2048xf32>
    %jit3A_60 = arith.constant 2048 : i32
    %broadcast_in_dim3A_61 = vector.broadcast %jit3A_60 : i32 to vector<256x2048xi32>
    %select_n3A_62 = arith.select %eq3A_59, %iota3A, %broadcast_in_dim3A_61 : vector<256x2048xi1>, vector<256x2048xi32>
    %reduce_min3A_63 = arith.constant dense<2147483647> : vector<256xi32>
    %reduce_min3A_64 = vector.multi_reduction <minsi>, %select_n3A_62, %reduce_min3A_63 [1] : vector<256x2048xi32> to vector<256xi32>
    %add3A_65 = vector.broadcast %mul3A_28 : i32 to vector<256xi32>
    %add3A_66 = arith.addi %reduce_min3A_64, %add3A_65 : vector<256xi32>
    %swap3A_67 = arith.constant 1 : index
    %swap3A_68 = arith.constant 0 : index
    %swap3A_69 = vector.load %arg3[%swap3A_67, %swap3A_68] : memref<20x256xi32, #tpu.memory_space<vmem>>, vector<1x256xi32>
    %swap3A_70 = vector.shape_cast %swap3A_69 : vector<1x256xi32> to vector<256xi32>
    %swap3A_71 = vector.shape_cast %add3A_66 : vector<256xi32> to vector<1x256xi32>
    tpu.vector_store %arg3[%swap3A_67, %swap3A_68], %swap3A_71 {strides = array<i32>} : memref<20x256xi32, #tpu.memory_space<vmem>>, vector<1x256xi32>,
    %broadcast_in_dim3A_72 = vector.shape_cast %reduce_min3A_64 : vector<256xi32> to vector<256x1xi32>
    %eq3A_73 = vector.broadcast %broadcast_in_dim3A_72 : vector<256x1xi32> to vector<256x2048xi32>
    %eq3A_74 = arith.cmpi eq, %iota3A, %eq3A_73 : vector<256x2048xi32>
    %jit3A_75 = arith.constant 0xFF800000 : f32
    %broadcast_in_dim3A_76 = vector.broadcast %jit3A_75 : f32 to vector<256x2048xf32>
    %select_n3A_77 = arith.select %eq3A_74, %broadcast_in_dim3A_76, %get3A_54 : vector<256x2048xi1>, vector<256x2048xf32>
    %swap3A_78 = arith.constant 0 : index
    %swap3A_79 = arith.constant 0 : index
    %swap3A_80 = vector.load %arg4[%swap3A_78, %swap3A_79] : memref<256x2048xf32, #tpu.memory_space<vmem>>, vector<256x2048xf32>
    tpu.vector_store %arg4[%swap3A_78, %swap3A_79], %select_n3A_77 {strides = array<i32>} : memref<256x2048xf32, #tpu.memory_space<vmem>>, vector<256x2048xf32>,
    %get3A_81 = arith.constant 0 : index
    %get3A_82 = arith.constant 0 : index
    %get3A_83 = vector.load %arg4[%get3A_81, %get3A_82] : memref<256x2048xf32, #tpu.memory_space<vmem>>, vector<256x2048xf32>
    %reduce_max3A_84 = arith.constant dense<0xFF800000> : vector<256xf32>
    %reduce_max3A_85 = vector.multi_reduction <maximumf>, %get3A_83, %reduce_max3A_84 [1] : vector<256x2048xf32> to vector<256xf32>
    %broadcast_in_dim3A_86 = vector.shape_cast %reduce_max3A_85 : vector<256xf32> to vector<256x1xf32>
    %eq3A_87 = vector.broadcast %broadcast_in_dim3A_86 : vector<256x1xf32> to vector<256x2048xf32>
    %eq3A_88 = arith.cmpf oeq, %get3A_83, %eq3A_87 : vector<256x2048xf32>
    %jit3A_89 = arith.constant 2048 : i32
    %broadcast_in_dim3A_90 = vector.broadcast %jit3A_89 : i32 to vector<256x2048xi32>
    %select_n3A_91 = arith.select %eq3A_88, %iota3A, %broadcast_in_dim3A_90 : vector<256x2048xi1>, vector<256x2048xi32>
    %reduce_min3A_92 = arith.constant dense<2147483647> : vector<256xi32>
    %reduce_min3A_93 = vector.multi_reduction <minsi>, %select_n3A_91, %reduce_min3A_92 [1] : vector<256x2048xi32> to vector<256xi32>
    %add3A_94 = vector.broadcast %mul3A_28 : i32 to vector<256xi32>
    %add3A_95 = arith.addi %reduce_min3A_93, %add3A_94 : vector<256xi32>
    %swap3A_96 = arith.constant 2 : index
    %swap3A_97 = arith.constant 0 : index
    %swap3A_98 = vector.load %arg3[%swap3A_96, %swap3A_97] : memref<20x256xi32, #tpu.memory_space<vmem>>, vector<1x256xi32>
    %swap3A_99 = vector.shape_cast %swap3A_98 : vector<1x256xi32> to vector<256xi32>
    %swap3A_100 = vector.shape_cast %add3A_95 : vector<256xi32> to vector<1x256xi32>
    tpu.vector_store %arg3[%swap3A_96, %swap3A_97], %swap3A_100 {strides = array<i32>} : memref<20x256xi32, #tpu.memory_space<vmem>>, vector<1x256xi32>,
    %broadcast_in_dim3A_101 = vector.shape_cast %reduce_min3A_93 : vector<256xi32> to vector<256x1xi32>
    %eq3A_102 = vector.broadcast %broadcast_in_dim3A_101 : vector<256x1xi32> to vector<256x2048xi32>
    %eq3A_103 = arith.cmpi eq, %iota3A, %eq3A_102 : vector<256x2048xi32>
    %jit3A_104 = arith.constant 0xFF800000 : f32
    %broadcast_in_dim3A_105 = vector.broadcast %jit3A_104 : f32 to vector<256x2048xf32>
    %select_n3A_106 = arith.select %eq3A_103, %broadcast_in_dim3A_105, %get3A_83 : vector<256x2048xi1>, vector<256x2048xf32>
    %swap3A_107 = arith.constant 0 : index
    %swap3A_108 = arith.constant 0 : index
    %swap3A_109 = vector.load %arg4[%swap3A_107, %swap3A_108] : memref<256x2048xf32, #tpu.memory_space<vmem>>, vector<256x2048xf32>
    tpu.vector_store %arg4[%swap3A_107, %swap3A_108], %select_n3A_106 {strides = array<i32>} : memref<256x2048xf32, #tpu.memory_space<vmem>>, vector<256x2048xf32>,
    %get3A_110 = arith.constant 0 : index
    %get3A_111 = arith.constant 0 : index
    %get3A_112 = vector.load %arg4[%get3A_110, %get3A_111] : memref<256x2048xf32, #tpu.memory_space<vmem>>, vector<256x2048xf32>
    %reduce_max3A_113 = arith.constant dense<0xFF800000> : vector<256xf32>
    %reduce_max3A_114 = vector.multi_reduction <maximumf>, %get3A_112, %reduce_max3A_113 [1] : vector<256x2048xf32> to vector<256xf32>
    %broadcast_in_dim3A_115 = vector.shape_cast %reduce_max3A_114 : vector<256xf32> to vector<256x1xf32>
    %eq3A_116 = vector.broadcast %broadcast_in_dim3A_115 : vector<256x1xf32> to vector<256x2048xf32>
    %eq3A_117 = arith.cmpf oeq, %get3A_112, %eq3A_116 : vector<256x2048xf32>
    %jit3A_118 = arith.constant 2048 : i32
    %broadcast_in_dim3A_119 = vector.broadcast %jit3A_118 : i32 to vector<256x2048xi32>
    %select_n3A_120 = arith.select %eq3A_117, %iota3A, %broadcast_in_dim3A_119 : vector<256x2048xi1>, vector<256x2048xi32>
    %reduce_min3A_121 = arith.constant dense<2147483647> : vector<256xi32>
    %reduce_min3A_122 = vector.multi_reduction <minsi>, %select_n3A_120, %reduce_min3A_121 [1] : vector<256x2048xi32> to vector<256xi32>
    %add3A_123 = vector.broadcast %mul3A_28 : i32 to vector<256xi32>
    %add3A_124 = arith.addi %reduce_min3A_122, %add3A_123 : vector<256xi32>
    %swap3A_125 = arith.constant 3 : index
    %swap3A_126 = arith.constant 0 : index
    %swap3A_127 = vector.load %arg3[%swap3A_125, %swap3A_126] : memref<20x256xi32, #tpu.memory_space<vmem>>, vector<1x256xi32>
    %swap3A_128 = vector.shape_cast %swap3A_127 : vector<1x256xi32> to vector<256xi32>
    %swap3A_129 = vector.shape_cast %add3A_124 : vector<256xi32> to vector<1x256xi32>
    tpu.vector_store %arg3[%swap3A_125, %swap3A_126], %swap3A_129 {strides = array<i32>} : memref<20x256xi32, #tpu.memory_space<vmem>>, vector<1x256xi32>,
    %broadcast_in_dim3A_130 = vector.shape_cast %reduce_min3A_122 : vector<256xi32> to vector<256x1xi32>
    %eq3A_131 = vector.broadcast %broadcast_in_dim3A_130 : vector<256x1xi32> to vector<256x2048xi32>
    %eq3A_132 = arith.cmpi eq, %iota3A, %eq3A_131 : vector<256x2048xi32>
    %jit3A_133 = arith.constant 0xFF800000 : f32
    %broadcast_in_dim3A_134 = vector.broadcast %jit3A_133 : f32 to vector<256x2048xf32>
    %select_n3A_135 = arith.select %eq3A_132, %broadcast_in_dim3A_134, %get3A_112 : vector<256x2048xi1>, vector<256x2048xf32>
    %swap3A_136 = arith.constant 0 : index
    %swap3A_137 = arith.constant 0 : index
    %swap3A_138 = vector.load %arg4[%swap3A_136, %swap3A_137] : memref<256x2048xf32, #tpu.memory_space<vmem>>, vector<256x2048xf32>
    tpu.vector_store %arg4[%swap3A_136, %swap3A_137], %select_n3A_135 {strides = array<i32>} : memref<256x2048xf32, #tpu.memory_space<vmem>>, vector<256x2048xf32>,
    %get3A_139 = arith.constant 0 : index
    %get3A_140 = arith.constant 0 : index
    %get3A_141 = vector.load %arg4[%get3A_139, %get3A_140] : memref<256x2048xf32, #tpu.memory_space<vmem>>, vector<256x2048xf32>
    %reduce_max3A_142 = arith.constant dense<0xFF800000> : vector<256xf32>
    %reduce_max3A_143 = vector.multi_reduction <maximumf>, %get3A_141, %reduce_max3A_142 [1] : vector<256x2048xf32> to vector<256xf32>
    %broadcast_in_dim3A_144 = vector.shape_cast %reduce_max3A_143 : vector<256xf32> to vector<256x1xf32>
    %eq3A_145 = vector.broadcast %broadcast_in_dim3A_144 : vector<256x1xf32> to vector<256x2048xf32>
    %eq3A_146 = arith.cmpf oeq, %get3A_141, %eq3A_145 : vector<256x2048xf32>
    %jit3A_147 = arith.constant 2048 : i32
    %broadcast_in_dim3A_148 = vector.broadcast %jit3A_147 : i32 to vector<256x2048xi32>
    %select_n3A_149 = arith.select %eq3A_146, %iota3A, %broadcast_in_dim3A_148 : vector<256x2048xi1>, vector<256x2048xi32>
    %reduce_min3A_150 = arith.constant dense<2147483647> : vector<256xi32>
    %reduce_min3A_151 = vector.multi_reduction <minsi>, %select_n3A_149, %reduce_min3A_150 [1] : vector<256x2048xi32> to vector<256xi32>
    %add3A_152 = vector.broadcast %mul3A_28 : i32 to vector<256xi32>
    %add3A_153 = arith.addi %reduce_min3A_151, %add3A_152 : vector<256xi32>
    %swap3A_154 = arith.constant 4 : index
    %swap3A_155 = arith.constant 0 : index
    %swap3A_156 = vector.load %arg3[%swap3A_154, %swap3A_155] : memref<20x256xi32, #tpu.memory_space<vmem>>, vector<1x256xi32>
    %swap3A_157 = vector.shape_cast %swap3A_156 : vector<1x256xi32> to vector<256xi32>
    %swap3A_158 = vector.shape_cast %add3A_153 : vector<256xi32> to vector<1x256xi32>
    tpu.vector_store %arg3[%swap3A_154, %swap3A_155], %swap3A_158 {strides = array<i32>} : memref<20x256xi32, #tpu.memory_space<vmem>>, vector<1x256xi32>,
    %broadcast_in_dim3A_159 = vector.shape_cast %reduce_min3A_151 : vector<256xi32> to vector<256x1xi32>
    %eq3A_160 = vector.broadcast %broadcast_in_dim3A_159 : vector<256x1xi32> to vector<256x2048xi32>
    %eq3A_161 = arith.cmpi eq, %iota3A, %eq3A_160 : vector<256x2048xi32>
    %jit3A_162 = arith.constant 0xFF800000 : f32
    %broadcast_in_dim3A_163 = vector.broadcast %jit3A_162 : f32 to vector<256x2048xf32>
    %select_n3A_164 = arith.select %eq3A_161, %broadcast_in_dim3A_163, %get3A_141 : vector<256x2048xi1>, vector<256x2048xf32>
    %swap3A_165 = arith.constant 0 : index
    %swap3A_166 = arith.constant 0 : index
    %swap3A_167 = vector.load %arg4[%swap3A_165, %swap3A_166] : memref<256x2048xf32, #tpu.memory_space<vmem>>, vector<256x2048xf32>
    tpu.vector_store %arg4[%swap3A_165, %swap3A_166], %select_n3A_164 {strides = array<i32>} : memref<256x2048xf32, #tpu.memory_space<vmem>>, vector<256x2048xf32>,
    %get3A_168 = arith.constant 0 : index
    %get3A_169 = arith.constant 0 : index
    %get3A_170 = vector.load %arg4[%get3A_168, %get3A_169] : memref<256x2048xf32, #tpu.memory_space<vmem>>, vector<256x2048xf32>
    %reduce_max3A_171 = arith.constant dense<0xFF800000> : vector<256xf32>
    %reduce_max3A_172 = vector.multi_reduction <maximumf>, %get3A_170, %reduce_max3A_171 [1] : vector<256x2048xf32> to vector<256xf32>
    %broadcast_in_dim3A_173 = vector.shape_cast %reduce_max3A_172 : vector<256xf32> to vector<256x1xf32>
    %eq3A_174 = vector.broadcast %broadcast_in_dim3A_173 : vector<256x1xf32> to vector<256x2048xf32>
    %eq3A_175 = arith.cmpf oeq, %get3A_170, %eq3A_174 : vector<256x2048xf32>
    %jit3A_176 = arith.constant 2048 : i32
    %broadcast_in_dim3A_177 = vector.broadcast %jit3A_176 : i32 to vector<256x2048xi32>
    %select_n3A_178 = arith.select %eq3A_175, %iota3A, %broadcast_in_dim3A_177 : vector<256x2048xi1>, vector<256x2048xi32>
    %reduce_min3A_179 = arith.constant dense<2147483647> : vector<256xi32>
    %reduce_min3A_180 = vector.multi_reduction <minsi>, %select_n3A_178, %reduce_min3A_179 [1] : vector<256x2048xi32> to vector<256xi32>
    %add3A_181 = vector.broadcast %mul3A_28 : i32 to vector<256xi32>
    %add3A_182 = arith.addi %reduce_min3A_180, %add3A_181 : vector<256xi32>
    %swap3A_183 = arith.constant 5 : index
    %swap3A_184 = arith.constant 0 : index
    %swap3A_185 = vector.load %arg3[%swap3A_183, %swap3A_184] : memref<20x256xi32, #tpu.memory_space<vmem>>, vector<1x256xi32>
    %swap3A_186 = vector.shape_cast %swap3A_185 : vector<1x256xi32> to vector<256xi32>
    %swap3A_187 = vector.shape_cast %add3A_182 : vector<256xi32> to vector<1x256xi32>
    tpu.vector_store %arg3[%swap3A_183, %swap3A_184], %swap3A_187 {strides = array<i32>} : memref<20x256xi32, #tpu.memory_space<vmem>>, vector<1x256xi32>,
    %broadcast_in_dim3A_188 = vector.shape_cast %reduce_min3A_180 : vector<256xi32> to vector<256x1xi32>
    %eq3A_189 = vector.broadcast %broadcast_in_dim3A_188 : vector<256x1xi32> to vector<256x2048xi32>
    %eq3A_190 = arith.cmpi eq, %iota3A, %eq3A_189 : vector<256x2048xi32>
    %jit3A_191 = arith.constant 0xFF800000 : f32
    %broadcast_in_dim3A_192 = vector.broadcast %jit3A_191 : f32 to vector<256x2048xf32>
    %select_n3A_193 = arith.select %eq3A_190, %broadcast_in_dim3A_192, %get3A_170 : vector<256x2048xi1>, vector<256x2048xf32>
    %swap3A_194 = arith.constant 0 : index
    %swap3A_195 = arith.constant 0 : index
    %swap3A_196 = vector.load %arg4[%swap3A_194, %swap3A_195] : memref<256x2048xf32, #tpu.memory_space<vmem>>, vector<256x2048xf32>
    tpu.vector_store %arg4[%swap3A_194, %swap3A_195], %select_n3A_193 {strides = array<i32>} : memref<256x2048xf32, #tpu.memory_space<vmem>>, vector<256x2048xf32>,
    %get3A_197 = arith.constant 0 : index
    %get3A_198 = arith.constant 0 : index
    %get3A_199 = vector.load %arg4[%get3A_197, %get3A_198] : memref<256x2048xf32, #tpu.memory_space<vmem>>, vector<256x2048xf32>
    %reduce_max3A_200 = arith.constant dense<0xFF800000> : vector<256xf32>
    %reduce_max3A_201 = vector.multi_reduction <maximumf>, %get3A_199, %reduce_max3A_200 [1] : vector<256x2048xf32> to vector<256xf32>
    %broadcast_in_dim3A_202 = vector.shape_cast %reduce_max3A_201 : vector<256xf32> to vector<256x1xf32>
    %eq3A_203 = vector.broadcast %broadcast_in_dim3A_202 : vector<256x1xf32> to vector<256x2048xf32>
    %eq3A_204 = arith.cmpf oeq, %get3A_199, %eq3A_203 : vector<256x2048xf32>
    %jit3A_205 = arith.constant 2048 : i32
    %broadcast_in_dim3A_206 = vector.broadcast %jit3A_205 : i32 to vector<256x2048xi32>
    %select_n3A_207 = arith.select %eq3A_204, %iota3A, %broadcast_in_dim3A_206 : vector<256x2048xi1>, vector<256x2048xi32>
    %reduce_min3A_208 = arith.constant dense<2147483647> : vector<256xi32>
    %reduce_min3A_209 = vector.multi_reduction <minsi>, %select_n3A_207, %reduce_min3A_208 [1] : vector<256x2048xi32> to vector<256xi32>
    %add3A_210 = vector.broadcast %mul3A_28 : i32 to vector<256xi32>
    %add3A_211 = arith.addi %reduce_min3A_209, %add3A_210 : vector<256xi32>
    %swap3A_212 = arith.constant 6 : index
    %swap3A_213 = arith.constant 0 : index
    %swap3A_214 = vector.load %arg3[%swap3A_212, %swap3A_213] : memref<20x256xi32, #tpu.memory_space<vmem>>, vector<1x256xi32>
    %swap3A_215 = vector.shape_cast %swap3A_214 : vector<1x256xi32> to vector<256xi32>
    %swap3A_216 = vector.shape_cast %add3A_211 : vector<256xi32> to vector<1x256xi32>
    tpu.vector_store %arg3[%swap3A_212, %swap3A_213], %swap3A_216 {strides = array<i32>} : memref<20x256xi32, #tpu.memory_space<vmem>>, vector<1x256xi32>,
    %broadcast_in_dim3A_217 = vector.shape_cast %reduce_min3A_209 : vector<256xi32> to vector<256x1xi32>
    %eq3A_218 = vector.broadcast %broadcast_in_dim3A_217 : vector<256x1xi32> to vector<256x2048xi32>
    %eq3A_219 = arith.cmpi eq, %iota3A, %eq3A_218 : vector<256x2048xi32>
    %jit3A_220 = arith.constant 0xFF800000 : f32
    %broadcast_in_dim3A_221 = vector.broadcast %jit3A_220 : f32 to vector<256x2048xf32>
    %select_n3A_222 = arith.select %eq3A_219, %broadcast_in_dim3A_221, %get3A_199 : vector<256x2048xi1>, vector<256x2048xf32>
    %swap3A_223 = arith.constant 0 : index
    %swap3A_224 = arith.constant 0 : index
    %swap3A_225 = vector.load %arg4[%swap3A_223, %swap3A_224] : memref<256x2048xf32, #tpu.memory_space<vmem>>, vector<256x2048xf32>
    tpu.vector_store %arg4[%swap3A_223, %swap3A_224], %select_n3A_222 {strides = array<i32>} : memref<256x2048xf32, #tpu.memory_space<vmem>>, vector<256x2048xf32>,
    %get3A_226 = arith.constant 0 : index
    %get3A_227 = arith.constant 0 : index
    %get3A_228 = vector.load %arg4[%get3A_226, %get3A_227] : memref<256x2048xf32, #tpu.memory_space<vmem>>, vector<256x2048xf32>
    %reduce_max3A_229 = arith.constant dense<0xFF800000> : vector<256xf32>
    %reduce_max3A_230 = vector.multi_reduction <maximumf>, %get3A_228, %reduce_max3A_229 [1] : vector<256x2048xf32> to vector<256xf32>
    %broadcast_in_dim3A_231 = vector.shape_cast %reduce_max3A_230 : vector<256xf32> to vector<256x1xf32>
    %eq3A_232 = vector.broadcast %broadcast_in_dim3A_231 : vector<256x1xf32> to vector<256x2048xf32>
    %eq3A_233 = arith.cmpf oeq, %get3A_228, %eq3A_232 : vector<256x2048xf32>
    %jit3A_234 = arith.constant 2048 : i32
    %broadcast_in_dim3A_235 = vector.broadcast %jit3A_234 : i32 to vector<256x2048xi32>
    %select_n3A_236 = arith.select %eq3A_233, %iota3A, %broadcast_in_dim3A_235 : vector<256x2048xi1>, vector<256x2048xi32>
    %reduce_min3A_237 = arith.constant dense<2147483647> : vector<256xi32>
    %reduce_min3A_238 = vector.multi_reduction <minsi>, %select_n3A_236, %reduce_min3A_237 [1] : vector<256x2048xi32> to vector<256xi32>
    %add3A_239 = vector.broadcast %mul3A_28 : i32 to vector<256xi32>
    %add3A_240 = arith.addi %reduce_min3A_238, %add3A_239 : vector<256xi32>
    %swap3A_241 = arith.constant 7 : index
    %swap3A_242 = arith.constant 0 : index
    %swap3A_243 = vector.load %arg3[%swap3A_241, %swap3A_242] : memref<20x256xi32, #tpu.memory_space<vmem>>, vector<1x256xi32>
    %swap3A_244 = vector.shape_cast %swap3A_243 : vector<1x256xi32> to vector<256xi32>
    %swap3A_245 = vector.shape_cast %add3A_240 : vector<256xi32> to vector<1x256xi32>
    tpu.vector_store %arg3[%swap3A_241, %swap3A_242], %swap3A_245 {strides = array<i32>} : memref<20x256xi32, #tpu.memory_space<vmem>>, vector<1x256xi32>,
    %broadcast_in_dim3A_246 = vector.shape_cast %reduce_min3A_238 : vector<256xi32> to vector<256x1xi32>
    %eq3A_247 = vector.broadcast %broadcast_in_dim3A_246 : vector<256x1xi32> to vector<256x2048xi32>
    %eq3A_248 = arith.cmpi eq, %iota3A, %eq3A_247 : vector<256x2048xi32>
    %jit3A_249 = arith.constant 0xFF800000 : f32
    %broadcast_in_dim3A_250 = vector.broadcast %jit3A_249 : f32 to vector<256x2048xf32>
    %select_n3A_251 = arith.select %eq3A_248, %broadcast_in_dim3A_250, %get3A_228 : vector<256x2048xi1>, vector<256x2048xf32>
    %swap3A_252 = arith.constant 0 : index
    %swap3A_253 = arith.constant 0 : index
    %swap3A_254 = vector.load %arg4[%swap3A_252, %swap3A_253] : memref<256x2048xf32, #tpu.memory_space<vmem>>, vector<256x2048xf32>
    tpu.vector_store %arg4[%swap3A_252, %swap3A_253], %select_n3A_251 {strides = array<i32>} : memref<256x2048xf32, #tpu.memory_space<vmem>>, vector<256x2048xf32>,
    %get3A_255 = arith.constant 0 : index
    %get3A_256 = arith.constant 0 : index
    %get3A_257 = vector.load %arg4[%get3A_255, %get3A_256] : memref<256x2048xf32, #tpu.memory_space<vmem>>, vector<256x2048xf32>
    %reduce_max3A_258 = arith.constant dense<0xFF800000> : vector<256xf32>
    %reduce_max3A_259 = vector.multi_reduction <maximumf>, %get3A_257, %reduce_max3A_258 [1] : vector<256x2048xf32> to vector<256xf32>
    %broadcast_in_dim3A_260 = vector.shape_cast %reduce_max3A_259 : vector<256xf32> to vector<256x1xf32>
    %eq3A_261 = vector.broadcast %broadcast_in_dim3A_260 : vector<256x1xf32> to vector<256x2048xf32>
    %eq3A_262 = arith.cmpf oeq, %get3A_257, %eq3A_261 : vector<256x2048xf32>
    %jit3A_263 = arith.constant 2048 : i32
    %broadcast_in_dim3A_264 = vector.broadcast %jit3A_263 : i32 to vector<256x2048xi32>
    %select_n3A_265 = arith.select %eq3A_262, %iota3A, %broadcast_in_dim3A_264 : vector<256x2048xi1>, vector<256x2048xi32>
    %reduce_min3A_266 = arith.constant dense<2147483647> : vector<256xi32>
    %reduce_min3A_267 = vector.multi_reduction <minsi>, %select_n3A_265, %reduce_min3A_266 [1] : vector<256x2048xi32> to vector<256xi32>
    %add3A_268 = vector.broadcast %mul3A_28 : i32 to vector<256xi32>
    %add3A_269 = arith.addi %reduce_min3A_267, %add3A_268 : vector<256xi32>
    %swap3A_270 = arith.constant 8 : index
    %swap3A_271 = arith.constant 0 : index
    %swap3A_272 = vector.load %arg3[%swap3A_270, %swap3A_271] : memref<20x256xi32, #tpu.memory_space<vmem>>, vector<1x256xi32>
    %swap3A_273 = vector.shape_cast %swap3A_272 : vector<1x256xi32> to vector<256xi32>
    %swap3A_274 = vector.shape_cast %add3A_269 : vector<256xi32> to vector<1x256xi32>
    tpu.vector_store %arg3[%swap3A_270, %swap3A_271], %swap3A_274 {strides = array<i32>} : memref<20x256xi32, #tpu.memory_space<vmem>>, vector<1x256xi32>,
    %broadcast_in_dim3A_275 = vector.shape_cast %reduce_min3A_267 : vector<256xi32> to vector<256x1xi32>
    %eq3A_276 = vector.broadcast %broadcast_in_dim3A_275 : vector<256x1xi32> to vector<256x2048xi32>
    %eq3A_277 = arith.cmpi eq, %iota3A, %eq3A_276 : vector<256x2048xi32>
    %jit3A_278 = arith.constant 0xFF800000 : f32
    %broadcast_in_dim3A_279 = vector.broadcast %jit3A_278 : f32 to vector<256x2048xf32>
    %select_n3A_280 = arith.select %eq3A_277, %broadcast_in_dim3A_279, %get3A_257 : vector<256x2048xi1>, vector<256x2048xf32>
    %swap3A_281 = arith.constant 0 : index
    %swap3A_282 = arith.constant 0 : index
    %swap3A_283 = vector.load %arg4[%swap3A_281, %swap3A_282] : memref<256x2048xf32, #tpu.memory_space<vmem>>, vector<256x2048xf32>
    tpu.vector_store %arg4[%swap3A_281, %swap3A_282], %select_n3A_280 {strides = array<i32>} : memref<256x2048xf32, #tpu.memory_space<vmem>>, vector<256x2048xf32>,
    %get3A_284 = arith.constant 0 : index
    %get3A_285 = arith.constant 0 : index
    %get3A_286 = vector.load %arg4[%get3A_284, %get3A_285] : memref<256x2048xf32, #tpu.memory_space<vmem>>, vector<256x2048xf32>
    %reduce_max3A_287 = arith.constant dense<0xFF800000> : vector<256xf32>
    %reduce_max3A_288 = vector.multi_reduction <maximumf>, %get3A_286, %reduce_max3A_287 [1] : vector<256x2048xf32> to vector<256xf32>
    %broadcast_in_dim3A_289 = vector.shape_cast %reduce_max3A_288 : vector<256xf32> to vector<256x1xf32>
    %eq3A_290 = vector.broadcast %broadcast_in_dim3A_289 : vector<256x1xf32> to vector<256x2048xf32>
    %eq3A_291 = arith.cmpf oeq, %get3A_286, %eq3A_290 : vector<256x2048xf32>
    %jit3A_292 = arith.constant 2048 : i32
    %broadcast_in_dim3A_293 = vector.broadcast %jit3A_292 : i32 to vector<256x2048xi32>
    %select_n3A_294 = arith.select %eq3A_291, %iota3A, %broadcast_in_dim3A_293 : vector<256x2048xi1>, vector<256x2048xi32>
    %reduce_min3A_295 = arith.constant dense<2147483647> : vector<256xi32>
    %reduce_min3A_296 = vector.multi_reduction <minsi>, %select_n3A_294, %reduce_min3A_295 [1] : vector<256x2048xi32> to vector<256xi32>
    %add3A_297 = vector.broadcast %mul3A_28 : i32 to vector<256xi32>
    %add3A_298 = arith.addi %reduce_min3A_296, %add3A_297 : vector<256xi32>
    %swap3A_299 = arith.constant 9 : index
    %swap3A_300 = arith.constant 0 : index
    %swap3A_301 = vector.load %arg3[%swap3A_299, %swap3A_300] : memref<20x256xi32, #tpu.memory_space<vmem>>, vector<1x256xi32>
    %swap3A_302 = vector.shape_cast %swap3A_301 : vector<1x256xi32> to vector<256xi32>
    %swap3A_303 = vector.shape_cast %add3A_298 : vector<256xi32> to vector<1x256xi32>
    tpu.vector_store %arg3[%swap3A_299, %swap3A_300], %swap3A_303 {strides = array<i32>} : memref<20x256xi32, #tpu.memory_space<vmem>>, vector<1x256xi32>,
    %broadcast_in_dim3A_304 = vector.shape_cast %reduce_min3A_296 : vector<256xi32> to vector<256x1xi32>
    %eq3A_305 = vector.broadcast %broadcast_in_dim3A_304 : vector<256x1xi32> to vector<256x2048xi32>
    %eq3A_306 = arith.cmpi eq, %iota3A, %eq3A_305 : vector<256x2048xi32>
    %jit3A_307 = arith.constant 0xFF800000 : f32
    %broadcast_in_dim3A_308 = vector.broadcast %jit3A_307 : f32 to vector<256x2048xf32>
    %select_n3A_309 = arith.select %eq3A_306, %broadcast_in_dim3A_308, %get3A_286 : vector<256x2048xi1>, vector<256x2048xf32>
    %swap3A_310 = arith.constant 0 : index
    %swap3A_311 = arith.constant 0 : index
    %swap3A_312 = vector.load %arg4[%swap3A_310, %swap3A_311] : memref<256x2048xf32, #tpu.memory_space<vmem>>, vector<256x2048xf32>
    tpu.vector_store %arg4[%swap3A_310, %swap3A_311], %select_n3A_309 {strides = array<i32>} : memref<256x2048xf32, #tpu.memory_space<vmem>>, vector<256x2048xf32>,
    %get3A_313 = arith.constant 0 : index
    %get3A_314 = arith.constant 0 : index
    %get3A_315 = vector.load %arg4[%get3A_313, %get3A_314] : memref<256x2048xf32, #tpu.memory_space<vmem>>, vector<256x2048xf32>
    %reduce_max3A_316 = arith.constant dense<0xFF800000> : vector<256xf32>
    %reduce_max3A_317 = vector.multi_reduction <maximumf>, %get3A_315, %reduce_max3A_316 [1] : vector<256x2048xf32> to vector<256xf32>
    %broadcast_in_dim3A_318 = vector.shape_cast %reduce_max3A_317 : vector<256xf32> to vector<256x1xf32>
    %eq3A_319 = vector.broadcast %broadcast_in_dim3A_318 : vector<256x1xf32> to vector<256x2048xf32>
    %eq3A_320 = arith.cmpf oeq, %get3A_315, %eq3A_319 : vector<256x2048xf32>
    %jit3A_321 = arith.constant 2048 : i32
    %broadcast_in_dim3A_322 = vector.broadcast %jit3A_321 : i32 to vector<256x2048xi32>
    %select_n3A_323 = arith.select %eq3A_320, %iota3A, %broadcast_in_dim3A_322 : vector<256x2048xi1>, vector<256x2048xi32>
    %reduce_min3A_324 = arith.constant dense<2147483647> : vector<256xi32>
    %reduce_min3A_325 = vector.multi_reduction <minsi>, %select_n3A_323, %reduce_min3A_324 [1] : vector<256x2048xi32> to vector<256xi32>
    %add3A_326 = vector.broadcast %mul3A_28 : i32 to vector<256xi32>
    %add3A_327 = arith.addi %reduce_min3A_325, %add3A_326 : vector<256xi32>
    %swap3A_328 = arith.constant 10 : index
    %swap3A_329 = arith.constant 0 : index
    %swap3A_330 = vector.load %arg3[%swap3A_328, %swap3A_329] : memref<20x256xi32, #tpu.memory_space<vmem>>, vector<1x256xi32>
    %swap3A_331 = vector.shape_cast %swap3A_330 : vector<1x256xi32> to vector<256xi32>
    %swap3A_332 = vector.shape_cast %add3A_327 : vector<256xi32> to vector<1x256xi32>
    tpu.vector_store %arg3[%swap3A_328, %swap3A_329], %swap3A_332 {strides = array<i32>} : memref<20x256xi32, #tpu.memory_space<vmem>>, vector<1x256xi32>,
    %broadcast_in_dim3A_333 = vector.shape_cast %reduce_min3A_325 : vector<256xi32> to vector<256x1xi32>
    %eq3A_334 = vector.broadcast %broadcast_in_dim3A_333 : vector<256x1xi32> to vector<256x2048xi32>
    %eq3A_335 = arith.cmpi eq, %iota3A, %eq3A_334 : vector<256x2048xi32>
    %jit3A_336 = arith.constant 0xFF800000 : f32
    %broadcast_in_dim3A_337 = vector.broadcast %jit3A_336 : f32 to vector<256x2048xf32>
    %select_n3A_338 = arith.select %eq3A_335, %broadcast_in_dim3A_337, %get3A_315 : vector<256x2048xi1>, vector<256x2048xf32>
    %swap3A_339 = arith.constant 0 : index
    %swap3A_340 = arith.constant 0 : index
    %swap3A_341 = vector.load %arg4[%swap3A_339, %swap3A_340] : memref<256x2048xf32, #tpu.memory_space<vmem>>, vector<256x2048xf32>
    tpu.vector_store %arg4[%swap3A_339, %swap3A_340], %select_n3A_338 {strides = array<i32>} : memref<256x2048xf32, #tpu.memory_space<vmem>>, vector<256x2048xf32>,
    %get3A_342 = arith.constant 0 : index
    %get3A_343 = arith.constant 0 : index
    %get3A_344 = vector.load %arg4[%get3A_342, %get3A_343] : memref<256x2048xf32, #tpu.memory_space<vmem>>, vector<256x2048xf32>
    %reduce_max3A_345 = arith.constant dense<0xFF800000> : vector<256xf32>
    %reduce_max3A_346 = vector.multi_reduction <maximumf>, %get3A_344, %reduce_max3A_345 [1] : vector<256x2048xf32> to vector<256xf32>
    %broadcast_in_dim3A_347 = vector.shape_cast %reduce_max3A_346 : vector<256xf32> to vector<256x1xf32>
    %eq3A_348 = vector.broadcast %broadcast_in_dim3A_347 : vector<256x1xf32> to vector<256x2048xf32>
    %eq3A_349 = arith.cmpf oeq, %get3A_344, %eq3A_348 : vector<256x2048xf32>
    %jit3A_350 = arith.constant 2048 : i32
    %broadcast_in_dim3A_351 = vector.broadcast %jit3A_350 : i32 to vector<256x2048xi32>
    %select_n3A_352 = arith.select %eq3A_349, %iota3A, %broadcast_in_dim3A_351 : vector<256x2048xi1>, vector<256x2048xi32>
    %reduce_min3A_353 = arith.constant dense<2147483647> : vector<256xi32>
    %reduce_min3A_354 = vector.multi_reduction <minsi>, %select_n3A_352, %reduce_min3A_353 [1] : vector<256x2048xi32> to vector<256xi32>
    %add3A_355 = vector.broadcast %mul3A_28 : i32 to vector<256xi32>
    %add3A_356 = arith.addi %reduce_min3A_354, %add3A_355 : vector<256xi32>
    %swap3A_357 = arith.constant 11 : index
    %swap3A_358 = arith.constant 0 : index
    %swap3A_359 = vector.load %arg3[%swap3A_357, %swap3A_358] : memref<20x256xi32, #tpu.memory_space<vmem>>, vector<1x256xi32>
    %swap3A_360 = vector.shape_cast %swap3A_359 : vector<1x256xi32> to vector<256xi32>
    %swap3A_361 = vector.shape_cast %add3A_356 : vector<256xi32> to vector<1x256xi32>
    tpu.vector_store %arg3[%swap3A_357, %swap3A_358], %swap3A_361 {strides = array<i32>} : memref<20x256xi32, #tpu.memory_space<vmem>>, vector<1x256xi32>,
    %broadcast_in_dim3A_362 = vector.shape_cast %reduce_min3A_354 : vector<256xi32> to vector<256x1xi32>
    %eq3A_363 = vector.broadcast %broadcast_in_dim3A_362 : vector<256x1xi32> to vector<256x2048xi32>
    %eq3A_364 = arith.cmpi eq, %iota3A, %eq3A_363 : vector<256x2048xi32>
    %jit3A_365 = arith.constant 0xFF800000 : f32
    %broadcast_in_dim3A_366 = vector.broadcast %jit3A_365 : f32 to vector<256x2048xf32>
    %select_n3A_367 = arith.select %eq3A_364, %broadcast_in_dim3A_366, %get3A_344 : vector<256x2048xi1>, vector<256x2048xf32>
    %swap3A_368 = arith.constant 0 : index
    %swap3A_369 = arith.constant 0 : index
    %swap3A_370 = vector.load %arg4[%swap3A_368, %swap3A_369] : memref<256x2048xf32, #tpu.memory_space<vmem>>, vector<256x2048xf32>
    tpu.vector_store %arg4[%swap3A_368, %swap3A_369], %select_n3A_367 {strides = array<i32>} : memref<256x2048xf32, #tpu.memory_space<vmem>>, vector<256x2048xf32>,
    %get3A_371 = arith.constant 0 : index
    %get3A_372 = arith.constant 0 : index
    %get3A_373 = vector.load %arg4[%get3A_371, %get3A_372] : memref<256x2048xf32, #tpu.memory_space<vmem>>, vector<256x2048xf32>
    %reduce_max3A_374 = arith.constant dense<0xFF800000> : vector<256xf32>
    %reduce_max3A_375 = vector.multi_reduction <maximumf>, %get3A_373, %reduce_max3A_374 [1] : vector<256x2048xf32> to vector<256xf32>
    %broadcast_in_dim3A_376 = vector.shape_cast %reduce_max3A_375 : vector<256xf32> to vector<256x1xf32>
    %eq3A_377 = vector.broadcast %broadcast_in_dim3A_376 : vector<256x1xf32> to vector<256x2048xf32>
    %eq3A_378 = arith.cmpf oeq, %get3A_373, %eq3A_377 : vector<256x2048xf32>
    %jit3A_379 = arith.constant 2048 : i32
    %broadcast_in_dim3A_380 = vector.broadcast %jit3A_379 : i32 to vector<256x2048xi32>
    %select_n3A_381 = arith.select %eq3A_378, %iota3A, %broadcast_in_dim3A_380 : vector<256x2048xi1>, vector<256x2048xi32>
    %reduce_min3A_382 = arith.constant dense<2147483647> : vector<256xi32>
    %reduce_min3A_383 = vector.multi_reduction <minsi>, %select_n3A_381, %reduce_min3A_382 [1] : vector<256x2048xi32> to vector<256xi32>
    %add3A_384 = vector.broadcast %mul3A_28 : i32 to vector<256xi32>
    %add3A_385 = arith.addi %reduce_min3A_383, %add3A_384 : vector<256xi32>
    %swap3A_386 = arith.constant 12 : index
    %swap3A_387 = arith.constant 0 : index
    %swap3A_388 = vector.load %arg3[%swap3A_386, %swap3A_387] : memref<20x256xi32, #tpu.memory_space<vmem>>, vector<1x256xi32>
    %swap3A_389 = vector.shape_cast %swap3A_388 : vector<1x256xi32> to vector<256xi32>
    %swap3A_390 = vector.shape_cast %add3A_385 : vector<256xi32> to vector<1x256xi32>
    tpu.vector_store %arg3[%swap3A_386, %swap3A_387], %swap3A_390 {strides = array<i32>} : memref<20x256xi32, #tpu.memory_space<vmem>>, vector<1x256xi32>,
    %broadcast_in_dim3A_391 = vector.shape_cast %reduce_min3A_383 : vector<256xi32> to vector<256x1xi32>
    %eq3A_392 = vector.broadcast %broadcast_in_dim3A_391 : vector<256x1xi32> to vector<256x2048xi32>
    %eq3A_393 = arith.cmpi eq, %iota3A, %eq3A_392 : vector<256x2048xi32>
    %jit3A_394 = arith.constant 0xFF800000 : f32
    %broadcast_in_dim3A_395 = vector.broadcast %jit3A_394 : f32 to vector<256x2048xf32>
    %select_n3A_396 = arith.select %eq3A_393, %broadcast_in_dim3A_395, %get3A_373 : vector<256x2048xi1>, vector<256x2048xf32>
    %swap3A_397 = arith.constant 0 : index
    %swap3A_398 = arith.constant 0 : index
    %swap3A_399 = vector.load %arg4[%swap3A_397, %swap3A_398] : memref<256x2048xf32, #tpu.memory_space<vmem>>, vector<256x2048xf32>
    tpu.vector_store %arg4[%swap3A_397, %swap3A_398], %select_n3A_396 {strides = array<i32>} : memref<256x2048xf32, #tpu.memory_space<vmem>>, vector<256x2048xf32>,
    %get3A_400 = arith.constant 0 : index
    %get3A_401 = arith.constant 0 : index
    %get3A_402 = vector.load %arg4[%get3A_400, %get3A_401] : memref<256x2048xf32, #tpu.memory_space<vmem>>, vector<256x2048xf32>
    %reduce_max3A_403 = arith.constant dense<0xFF800000> : vector<256xf32>
    %reduce_max3A_404 = vector.multi_reduction <maximumf>, %get3A_402, %reduce_max3A_403 [1] : vector<256x2048xf32> to vector<256xf32>
    %broadcast_in_dim3A_405 = vector.shape_cast %reduce_max3A_404 : vector<256xf32> to vector<256x1xf32>
    %eq3A_406 = vector.broadcast %broadcast_in_dim3A_405 : vector<256x1xf32> to vector<256x2048xf32>
    %eq3A_407 = arith.cmpf oeq, %get3A_402, %eq3A_406 : vector<256x2048xf32>
    %jit3A_408 = arith.constant 2048 : i32
    %broadcast_in_dim3A_409 = vector.broadcast %jit3A_408 : i32 to vector<256x2048xi32>
    %select_n3A_410 = arith.select %eq3A_407, %iota3A, %broadcast_in_dim3A_409 : vector<256x2048xi1>, vector<256x2048xi32>
    %reduce_min3A_411 = arith.constant dense<2147483647> : vector<256xi32>
    %reduce_min3A_412 = vector.multi_reduction <minsi>, %select_n3A_410, %reduce_min3A_411 [1] : vector<256x2048xi32> to vector<256xi32>
    %add3A_413 = vector.broadcast %mul3A_28 : i32 to vector<256xi32>
    %add3A_414 = arith.addi %reduce_min3A_412, %add3A_413 : vector<256xi32>
    %swap3A_415 = arith.constant 13 : index
    %swap3A_416 = arith.constant 0 : index
    %swap3A_417 = vector.load %arg3[%swap3A_415, %swap3A_416] : memref<20x256xi32, #tpu.memory_space<vmem>>, vector<1x256xi32>
    %swap3A_418 = vector.shape_cast %swap3A_417 : vector<1x256xi32> to vector<256xi32>
    %swap3A_419 = vector.shape_cast %add3A_414 : vector<256xi32> to vector<1x256xi32>
    tpu.vector_store %arg3[%swap3A_415, %swap3A_416], %swap3A_419 {strides = array<i32>} : memref<20x256xi32, #tpu.memory_space<vmem>>, vector<1x256xi32>,
    %broadcast_in_dim3A_420 = vector.shape_cast %reduce_min3A_412 : vector<256xi32> to vector<256x1xi32>
    %eq3A_421 = vector.broadcast %broadcast_in_dim3A_420 : vector<256x1xi32> to vector<256x2048xi32>
    %eq3A_422 = arith.cmpi eq, %iota3A, %eq3A_421 : vector<256x2048xi32>
    %jit3A_423 = arith.constant 0xFF800000 : f32
    %broadcast_in_dim3A_424 = vector.broadcast %jit3A_423 : f32 to vector<256x2048xf32>
    %select_n3A_425 = arith.select %eq3A_422, %broadcast_in_dim3A_424, %get3A_402 : vector<256x2048xi1>, vector<256x2048xf32>
    %swap3A_426 = arith.constant 0 : index
    %swap3A_427 = arith.constant 0 : index
    %swap3A_428 = vector.load %arg4[%swap3A_426, %swap3A_427] : memref<256x2048xf32, #tpu.memory_space<vmem>>, vector<256x2048xf32>
    tpu.vector_store %arg4[%swap3A_426, %swap3A_427], %select_n3A_425 {strides = array<i32>} : memref<256x2048xf32, #tpu.memory_space<vmem>>, vector<256x2048xf32>,
    %get3A_429 = arith.constant 0 : index
    %get3A_430 = arith.constant 0 : index
    %get3A_431 = vector.load %arg4[%get3A_429, %get3A_430] : memref<256x2048xf32, #tpu.memory_space<vmem>>, vector<256x2048xf32>
    %reduce_max3A_432 = arith.constant dense<0xFF800000> : vector<256xf32>
    %reduce_max3A_433 = vector.multi_reduction <maximumf>, %get3A_431, %reduce_max3A_432 [1] : vector<256x2048xf32> to vector<256xf32>
    %broadcast_in_dim3A_434 = vector.shape_cast %reduce_max3A_433 : vector<256xf32> to vector<256x1xf32>
    %eq3A_435 = vector.broadcast %broadcast_in_dim3A_434 : vector<256x1xf32> to vector<256x2048xf32>
    %eq3A_436 = arith.cmpf oeq, %get3A_431, %eq3A_435 : vector<256x2048xf32>
    %jit3A_437 = arith.constant 2048 : i32
    %broadcast_in_dim3A_438 = vector.broadcast %jit3A_437 : i32 to vector<256x2048xi32>
    %select_n3A_439 = arith.select %eq3A_436, %iota3A, %broadcast_in_dim3A_438 : vector<256x2048xi1>, vector<256x2048xi32>
    %reduce_min3A_440 = arith.constant dense<2147483647> : vector<256xi32>
    %reduce_min3A_441 = vector.multi_reduction <minsi>, %select_n3A_439, %reduce_min3A_440 [1] : vector<256x2048xi32> to vector<256xi32>
    %add3A_442 = vector.broadcast %mul3A_28 : i32 to vector<256xi32>
    %add3A_443 = arith.addi %reduce_min3A_441, %add3A_442 : vector<256xi32>
    %swap3A_444 = arith.constant 14 : index
    %swap3A_445 = arith.constant 0 : index
    %swap3A_446 = vector.load %arg3[%swap3A_444, %swap3A_445] : memref<20x256xi32, #tpu.memory_space<vmem>>, vector<1x256xi32>
    %swap3A_447 = vector.shape_cast %swap3A_446 : vector<1x256xi32> to vector<256xi32>
    %swap3A_448 = vector.shape_cast %add3A_443 : vector<256xi32> to vector<1x256xi32>
    tpu.vector_store %arg3[%swap3A_444, %swap3A_445], %swap3A_448 {strides = array<i32>} : memref<20x256xi32, #tpu.memory_space<vmem>>, vector<1x256xi32>,
    %broadcast_in_dim3A_449 = vector.shape_cast %reduce_min3A_441 : vector<256xi32> to vector<256x1xi32>
    %eq3A_450 = vector.broadcast %broadcast_in_dim3A_449 : vector<256x1xi32> to vector<256x2048xi32>
    %eq3A_451 = arith.cmpi eq, %iota3A, %eq3A_450 : vector<256x2048xi32>
    %jit3A_452 = arith.constant 0xFF800000 : f32
    %broadcast_in_dim3A_453 = vector.broadcast %jit3A_452 : f32 to vector<256x2048xf32>
    %select_n3A_454 = arith.select %eq3A_451, %broadcast_in_dim3A_453, %get3A_431 : vector<256x2048xi1>, vector<256x2048xf32>
    %swap3A_455 = arith.constant 0 : index
    %swap3A_456 = arith.constant 0 : index
    %swap3A_457 = vector.load %arg4[%swap3A_455, %swap3A_456] : memref<256x2048xf32, #tpu.memory_space<vmem>>, vector<256x2048xf32>
    tpu.vector_store %arg4[%swap3A_455, %swap3A_456], %select_n3A_454 {strides = array<i32>} : memref<256x2048xf32, #tpu.memory_space<vmem>>, vector<256x2048xf32>,
    %get3A_458 = arith.constant 0 : index
    %get3A_459 = arith.constant 0 : index
    %get3A_460 = vector.load %arg4[%get3A_458, %get3A_459] : memref<256x2048xf32, #tpu.memory_space<vmem>>, vector<256x2048xf32>
    %reduce_max3A_461 = arith.constant dense<0xFF800000> : vector<256xf32>
    %reduce_max3A_462 = vector.multi_reduction <maximumf>, %get3A_460, %reduce_max3A_461 [1] : vector<256x2048xf32> to vector<256xf32>
    %broadcast_in_dim3A_463 = vector.shape_cast %reduce_max3A_462 : vector<256xf32> to vector<256x1xf32>
    %eq3A_464 = vector.broadcast %broadcast_in_dim3A_463 : vector<256x1xf32> to vector<256x2048xf32>
    %eq3A_465 = arith.cmpf oeq, %get3A_460, %eq3A_464 : vector<256x2048xf32>
    %jit3A_466 = arith.constant 2048 : i32
    %broadcast_in_dim3A_467 = vector.broadcast %jit3A_466 : i32 to vector<256x2048xi32>
    %select_n3A_468 = arith.select %eq3A_465, %iota3A, %broadcast_in_dim3A_467 : vector<256x2048xi1>, vector<256x2048xi32>
    %reduce_min3A_469 = arith.constant dense<2147483647> : vector<256xi32>
    %reduce_min3A_470 = vector.multi_reduction <minsi>, %select_n3A_468, %reduce_min3A_469 [1] : vector<256x2048xi32> to vector<256xi32>
    %add3A_471 = vector.broadcast %mul3A_28 : i32 to vector<256xi32>
    %add3A_472 = arith.addi %reduce_min3A_470, %add3A_471 : vector<256xi32>
    %swap3A_473 = arith.constant 15 : index
    %swap3A_474 = arith.constant 0 : index
    %swap3A_475 = vector.load %arg3[%swap3A_473, %swap3A_474] : memref<20x256xi32, #tpu.memory_space<vmem>>, vector<1x256xi32>
    %swap3A_476 = vector.shape_cast %swap3A_475 : vector<1x256xi32> to vector<256xi32>
    %swap3A_477 = vector.shape_cast %add3A_472 : vector<256xi32> to vector<1x256xi32>
    tpu.vector_store %arg3[%swap3A_473, %swap3A_474], %swap3A_477 {strides = array<i32>} : memref<20x256xi32, #tpu.memory_space<vmem>>, vector<1x256xi32>,
    %broadcast_in_dim3A_478 = vector.shape_cast %reduce_min3A_470 : vector<256xi32> to vector<256x1xi32>
    %eq3A_479 = vector.broadcast %broadcast_in_dim3A_478 : vector<256x1xi32> to vector<256x2048xi32>
    %eq3A_480 = arith.cmpi eq, %iota3A, %eq3A_479 : vector<256x2048xi32>
    %jit3A_481 = arith.constant 0xFF800000 : f32
    %broadcast_in_dim3A_482 = vector.broadcast %jit3A_481 : f32 to vector<256x2048xf32>
    %select_n3A_483 = arith.select %eq3A_480, %broadcast_in_dim3A_482, %get3A_460 : vector<256x2048xi1>, vector<256x2048xf32>
    %swap3A_484 = arith.constant 0 : index
    %swap3A_485 = arith.constant 0 : index
    %swap3A_486 = vector.load %arg4[%swap3A_484, %swap3A_485] : memref<256x2048xf32, #tpu.memory_space<vmem>>, vector<256x2048xf32>
    tpu.vector_store %arg4[%swap3A_484, %swap3A_485], %select_n3A_483 {strides = array<i32>} : memref<256x2048xf32, #tpu.memory_space<vmem>>, vector<256x2048xf32>,
    %get3A_487 = arith.constant 0 : index
    %get3A_488 = arith.constant 0 : index
    %get3A_489 = vector.load %arg4[%get3A_487, %get3A_488] : memref<256x2048xf32, #tpu.memory_space<vmem>>, vector<256x2048xf32>
    %reduce_max3A_490 = arith.constant dense<0xFF800000> : vector<256xf32>
    %reduce_max3A_491 = vector.multi_reduction <maximumf>, %get3A_489, %reduce_max3A_490 [1] : vector<256x2048xf32> to vector<256xf32>
    %broadcast_in_dim3A_492 = vector.shape_cast %reduce_max3A_491 : vector<256xf32> to vector<256x1xf32>
    %eq3A_493 = vector.broadcast %broadcast_in_dim3A_492 : vector<256x1xf32> to vector<256x2048xf32>
    %eq3A_494 = arith.cmpf oeq, %get3A_489, %eq3A_493 : vector<256x2048xf32>
    %jit3A_495 = arith.constant 2048 : i32
    %broadcast_in_dim3A_496 = vector.broadcast %jit3A_495 : i32 to vector<256x2048xi32>
    %select_n3A_497 = arith.select %eq3A_494, %iota3A, %broadcast_in_dim3A_496 : vector<256x2048xi1>, vector<256x2048xi32>
    %reduce_min3A_498 = arith.constant dense<2147483647> : vector<256xi32>
    %reduce_min3A_499 = vector.multi_reduction <minsi>, %select_n3A_497, %reduce_min3A_498 [1] : vector<256x2048xi32> to vector<256xi32>
    %add3A_500 = vector.broadcast %mul3A_28 : i32 to vector<256xi32>
    %add3A_501 = arith.addi %reduce_min3A_499, %add3A_500 : vector<256xi32>
    %swap3A_502 = arith.constant 16 : index
    %swap3A_503 = arith.constant 0 : index
    %swap3A_504 = vector.load %arg3[%swap3A_502, %swap3A_503] : memref<20x256xi32, #tpu.memory_space<vmem>>, vector<1x256xi32>
    %swap3A_505 = vector.shape_cast %swap3A_504 : vector<1x256xi32> to vector<256xi32>
    %swap3A_506 = vector.shape_cast %add3A_501 : vector<256xi32> to vector<1x256xi32>
    tpu.vector_store %arg3[%swap3A_502, %swap3A_503], %swap3A_506 {strides = array<i32>} : memref<20x256xi32, #tpu.memory_space<vmem>>, vector<1x256xi32>,
    %broadcast_in_dim3A_507 = vector.shape_cast %reduce_min3A_499 : vector<256xi32> to vector<256x1xi32>
    %eq3A_508 = vector.broadcast %broadcast_in_dim3A_507 : vector<256x1xi32> to vector<256x2048xi32>
    %eq3A_509 = arith.cmpi eq, %iota3A, %eq3A_508 : vector<256x2048xi32>
    %jit3A_510 = arith.constant 0xFF800000 : f32
    %broadcast_in_dim3A_511 = vector.broadcast %jit3A_510 : f32 to vector<256x2048xf32>
    %select_n3A_512 = arith.select %eq3A_509, %broadcast_in_dim3A_511, %get3A_489 : vector<256x2048xi1>, vector<256x2048xf32>
    %swap3A_513 = arith.constant 0 : index
    %swap3A_514 = arith.constant 0 : index
    %swap3A_515 = vector.load %arg4[%swap3A_513, %swap3A_514] : memref<256x2048xf32, #tpu.memory_space<vmem>>, vector<256x2048xf32>
    tpu.vector_store %arg4[%swap3A_513, %swap3A_514], %select_n3A_512 {strides = array<i32>} : memref<256x2048xf32, #tpu.memory_space<vmem>>, vector<256x2048xf32>,
    %get3A_516 = arith.constant 0 : index
    %get3A_517 = arith.constant 0 : index
    %get3A_518 = vector.load %arg4[%get3A_516, %get3A_517] : memref<256x2048xf32, #tpu.memory_space<vmem>>, vector<256x2048xf32>
    %reduce_max3A_519 = arith.constant dense<0xFF800000> : vector<256xf32>
    %reduce_max3A_520 = vector.multi_reduction <maximumf>, %get3A_518, %reduce_max3A_519 [1] : vector<256x2048xf32> to vector<256xf32>
    %broadcast_in_dim3A_521 = vector.shape_cast %reduce_max3A_520 : vector<256xf32> to vector<256x1xf32>
    %eq3A_522 = vector.broadcast %broadcast_in_dim3A_521 : vector<256x1xf32> to vector<256x2048xf32>
    %eq3A_523 = arith.cmpf oeq, %get3A_518, %eq3A_522 : vector<256x2048xf32>
    %jit3A_524 = arith.constant 2048 : i32
    %broadcast_in_dim3A_525 = vector.broadcast %jit3A_524 : i32 to vector<256x2048xi32>
    %select_n3A_526 = arith.select %eq3A_523, %iota3A, %broadcast_in_dim3A_525 : vector<256x2048xi1>, vector<256x2048xi32>
    %reduce_min3A_527 = arith.constant dense<2147483647> : vector<256xi32>
    %reduce_min3A_528 = vector.multi_reduction <minsi>, %select_n3A_526, %reduce_min3A_527 [1] : vector<256x2048xi32> to vector<256xi32>
    %add3A_529 = vector.broadcast %mul3A_28 : i32 to vector<256xi32>
    %add3A_530 = arith.addi %reduce_min3A_528, %add3A_529 : vector<256xi32>
    %swap3A_531 = arith.constant 17 : index
    %swap3A_532 = arith.constant 0 : index
    %swap3A_533 = vector.load %arg3[%swap3A_531, %swap3A_532] : memref<20x256xi32, #tpu.memory_space<vmem>>, vector<1x256xi32>
    %swap3A_534 = vector.shape_cast %swap3A_533 : vector<1x256xi32> to vector<256xi32>
    %swap3A_535 = vector.shape_cast %add3A_530 : vector<256xi32> to vector<1x256xi32>
    tpu.vector_store %arg3[%swap3A_531, %swap3A_532], %swap3A_535 {strides = array<i32>} : memref<20x256xi32, #tpu.memory_space<vmem>>, vector<1x256xi32>,
    %broadcast_in_dim3A_536 = vector.shape_cast %reduce_min3A_528 : vector<256xi32> to vector<256x1xi32>
    %eq3A_537 = vector.broadcast %broadcast_in_dim3A_536 : vector<256x1xi32> to vector<256x2048xi32>
    %eq3A_538 = arith.cmpi eq, %iota3A, %eq3A_537 : vector<256x2048xi32>
    %jit3A_539 = arith.constant 0xFF800000 : f32
    %broadcast_in_dim3A_540 = vector.broadcast %jit3A_539 : f32 to vector<256x2048xf32>
    %select_n3A_541 = arith.select %eq3A_538, %broadcast_in_dim3A_540, %get3A_518 : vector<256x2048xi1>, vector<256x2048xf32>
    %swap3A_542 = arith.constant 0 : index
    %swap3A_543 = arith.constant 0 : index
    %swap3A_544 = vector.load %arg4[%swap3A_542, %swap3A_543] : memref<256x2048xf32, #tpu.memory_space<vmem>>, vector<256x2048xf32>
    tpu.vector_store %arg4[%swap3A_542, %swap3A_543], %select_n3A_541 {strides = array<i32>} : memref<256x2048xf32, #tpu.memory_space<vmem>>, vector<256x2048xf32>,
    %get3A_545 = arith.constant 0 : index
    %get3A_546 = arith.constant 0 : index
    %get3A_547 = vector.load %arg4[%get3A_545, %get3A_546] : memref<256x2048xf32, #tpu.memory_space<vmem>>, vector<256x2048xf32>
    %reduce_max3A_548 = arith.constant dense<0xFF800000> : vector<256xf32>
    %reduce_max3A_549 = vector.multi_reduction <maximumf>, %get3A_547, %reduce_max3A_548 [1] : vector<256x2048xf32> to vector<256xf32>
    %broadcast_in_dim3A_550 = vector.shape_cast %reduce_max3A_549 : vector<256xf32> to vector<256x1xf32>
    %eq3A_551 = vector.broadcast %broadcast_in_dim3A_550 : vector<256x1xf32> to vector<256x2048xf32>
    %eq3A_552 = arith.cmpf oeq, %get3A_547, %eq3A_551 : vector<256x2048xf32>
    %jit3A_553 = arith.constant 2048 : i32
    %broadcast_in_dim3A_554 = vector.broadcast %jit3A_553 : i32 to vector<256x2048xi32>
    %select_n3A_555 = arith.select %eq3A_552, %iota3A, %broadcast_in_dim3A_554 : vector<256x2048xi1>, vector<256x2048xi32>
    %reduce_min3A_556 = arith.constant dense<2147483647> : vector<256xi32>
    %reduce_min3A_557 = vector.multi_reduction <minsi>, %select_n3A_555, %reduce_min3A_556 [1] : vector<256x2048xi32> to vector<256xi32>
    %add3A_558 = vector.broadcast %mul3A_28 : i32 to vector<256xi32>
    %add3A_559 = arith.addi %reduce_min3A_557, %add3A_558 : vector<256xi32>
    %swap3A_560 = arith.constant 18 : index
    %swap3A_561 = arith.constant 0 : index
    %swap3A_562 = vector.load %arg3[%swap3A_560, %swap3A_561] : memref<20x256xi32, #tpu.memory_space<vmem>>, vector<1x256xi32>
    %swap3A_563 = vector.shape_cast %swap3A_562 : vector<1x256xi32> to vector<256xi32>
    %swap3A_564 = vector.shape_cast %add3A_559 : vector<256xi32> to vector<1x256xi32>
    tpu.vector_store %arg3[%swap3A_560, %swap3A_561], %swap3A_564 {strides = array<i32>} : memref<20x256xi32, #tpu.memory_space<vmem>>, vector<1x256xi32>,
    %broadcast_in_dim3A_565 = vector.shape_cast %reduce_min3A_557 : vector<256xi32> to vector<256x1xi32>
    %eq3A_566 = vector.broadcast %broadcast_in_dim3A_565 : vector<256x1xi32> to vector<256x2048xi32>
    %eq3A_567 = arith.cmpi eq, %iota3A, %eq3A_566 : vector<256x2048xi32>
    %jit3A_568 = arith.constant 0xFF800000 : f32
    %broadcast_in_dim3A_569 = vector.broadcast %jit3A_568 : f32 to vector<256x2048xf32>
    %select_n3A_570 = arith.select %eq3A_567, %broadcast_in_dim3A_569, %get3A_547 : vector<256x2048xi1>, vector<256x2048xf32>
    %swap3A_571 = arith.constant 0 : index
    %swap3A_572 = arith.constant 0 : index
    %swap3A_573 = vector.load %arg4[%swap3A_571, %swap3A_572] : memref<256x2048xf32, #tpu.memory_space<vmem>>, vector<256x2048xf32>
    tpu.vector_store %arg4[%swap3A_571, %swap3A_572], %select_n3A_570 {strides = array<i32>} : memref<256x2048xf32, #tpu.memory_space<vmem>>, vector<256x2048xf32>,
    %get3A_574 = arith.constant 0 : index
    %get3A_575 = arith.constant 0 : index
    %get3A_576 = vector.load %arg4[%get3A_574, %get3A_575] : memref<256x2048xf32, #tpu.memory_space<vmem>>, vector<256x2048xf32>
    %reduce_max3A_577 = arith.constant dense<0xFF800000> : vector<256xf32>
    %reduce_max3A_578 = vector.multi_reduction <maximumf>, %get3A_576, %reduce_max3A_577 [1] : vector<256x2048xf32> to vector<256xf32>
    %broadcast_in_dim3A_579 = vector.shape_cast %reduce_max3A_578 : vector<256xf32> to vector<256x1xf32>
    %eq3A_580 = vector.broadcast %broadcast_in_dim3A_579 : vector<256x1xf32> to vector<256x2048xf32>
    %eq3A_581 = arith.cmpf oeq, %get3A_576, %eq3A_580 : vector<256x2048xf32>
    %jit3A_582 = arith.constant 2048 : i32
    %broadcast_in_dim3A_583 = vector.broadcast %jit3A_582 : i32 to vector<256x2048xi32>
    %select_n3A_584 = arith.select %eq3A_581, %iota3A, %broadcast_in_dim3A_583 : vector<256x2048xi1>, vector<256x2048xi32>
    %reduce_min3A_585 = arith.constant dense<2147483647> : vector<256xi32>
    %reduce_min3A_586 = vector.multi_reduction <minsi>, %select_n3A_584, %reduce_min3A_585 [1] : vector<256x2048xi32> to vector<256xi32>
    %add3A_587 = vector.broadcast %mul3A_28 : i32 to vector<256xi32>
    %add3A_588 = arith.addi %reduce_min3A_586, %add3A_587 : vector<256xi32>
    %swap3A_589 = arith.constant 19 : index
    %swap3A_590 = arith.constant 0 : index
    %swap3A_591 = vector.load %arg3[%swap3A_589, %swap3A_590] : memref<20x256xi32, #tpu.memory_space<vmem>>, vector<1x256xi32>
    %swap3A_592 = vector.shape_cast %swap3A_591 : vector<1x256xi32> to vector<256xi32>
    %swap3A_593 = vector.shape_cast %add3A_588 : vector<256xi32> to vector<1x256xi32>
    tpu.vector_store %arg3[%swap3A_589, %swap3A_590], %swap3A_593 {strides = array<i32>} : memref<20x256xi32, #tpu.memory_space<vmem>>, vector<1x256xi32>,
    %broadcast_in_dim3A_594 = vector.shape_cast %reduce_min3A_586 : vector<256xi32> to vector<256x1xi32>
    %eq3A_595 = vector.broadcast %broadcast_in_dim3A_594 : vector<256x1xi32> to vector<256x2048xi32>
    %eq3A_596 = arith.cmpi eq, %iota3A, %eq3A_595 : vector<256x2048xi32>
    %jit3A_597 = arith.constant 0xFF800000 : f32
    %broadcast_in_dim3A_598 = vector.broadcast %jit3A_597 : f32 to vector<256x2048xf32>
    %select_n3A_599 = arith.select %eq3A_596, %broadcast_in_dim3A_598, %get3A_576 : vector<256x2048xi1>, vector<256x2048xf32>
    %swap3A_600 = arith.constant 0 : index
    %swap3A_601 = arith.constant 0 : index
    %swap3A_602 = vector.load %arg4[%swap3A_600, %swap3A_601] : memref<256x2048xf32, #tpu.memory_space<vmem>>, vector<256x2048xf32>
    tpu.vector_store %arg4[%swap3A_600, %swap3A_601], %select_n3A_599 {strides = array<i32>} : memref<256x2048xf32, #tpu.memory_space<vmem>>, vector<256x2048xf32>,
    return
  }
  func.func @transform_0(%arg0: i32, %arg1: i32) -> (i32, i32, i32) {
    %c0_i32 = arith.constant 0 : i32
    %c0_i32_0 = arith.constant 0 : i32
    %c0_i32_1 = arith.constant 0 : i32
    return %arg0, %c0_i32, %c0_i32_0 : i32, i32, i32
  }
  func.func @transform_1(%arg0: i32, %arg1: i32) -> (i32, i32) {
    %mul3A = arith.constant 8 : i32
    %mul3A_0 = arith.muli %arg0, %mul3A : i32
    %add3A = arith.addi %mul3A_0, %arg1 : i32
    %c0_i32 = arith.constant 0 : i32
    %c0_i32_1 = arith.constant 0 : i32
    return %c0_i32, %add3A : i32, i32
  }
}

module attributes {stable_mosaic.version = 14 : i64} {
  func.func @_conv_body(%arg0: i32, %arg1: i32, %arg2: memref<512x128xf32, #tpu.memory_space<vmem>>, %arg3: memref<512x128xf32, #tpu.memory_space<vmem>>, %arg4: memref<256x128xf32, #tpu.memory_space<vmem>>, %arg5: memref<512x128xf32, #tpu.memory_space<vmem>>, %arg6: memref<512x128xf32, #tpu.memory_space<vmem>>) attributes {dimension_semantics = [#tpu.dimension_semantics<arbitrary>, #tpu.dimension_semantics<arbitrary>], iteration_bounds = array<i64: 32, 20>, scalar_prefetch = 0 : i64, scratch_operands = 0 : i64, tpu.core_type = #tpu.core_type<tc>, window_params = [{transform_indices = @transform_0, window_bounds = array<i64: 512, 128>}, {transform_indices = @transform_1, window_bounds = array<i64: 512, 128>}, {pipeline_mode = #tpu.pipeline_mode<synchronous>, transform_indices = @transform_2, window_bounds = array<i64: 256, 128>}, {transform_indices = @transform_3, window_bounds = array<i64: 512, 128>}, {transform_indices = @transform_4, window_bounds = array<i64: 512, 128>}]} {
    %get3A = arith.constant 0 : index
    %get3A_0 = arith.constant 0 : index
    %get3A_1 = vector.load %arg3[%get3A, %get3A_0] : memref<512x128xf32, #tpu.memory_space<vmem>>, vector<512x128xf32>
    %get3A_2 = arith.constant 0 : index
    %get3A_3 = arith.constant 0 : index
    %get3A_4 = vector.load %arg2[%get3A_2, %get3A_3] : memref<512x128xf32, #tpu.memory_space<vmem>>, vector<512x128xf32>
    %sub3A = arith.subf %get3A_4, %get3A_1 : vector<512x128xf32>
    %concatenate3A = tpu.concatenate %sub3A, %get3A_1 in 1 : vector<512x128xf32>, vector<512x128xf32> -> vector<512x256xf32>
    %get3A_5 = arith.constant 0 : index
    %get3A_6 = arith.constant 0 : index
    %get3A_7 = vector.load %arg4[%get3A_5, %get3A_6] : memref<256x128xf32, #tpu.memory_space<vmem>>, vector<256x128xf32>
    %dot_general3A = arith.constant dense<0.000000e+00> : vector<512x128xf32>
    %dot_general3A_8 = tpu.matmul %concatenate3A, %get3A_7, %dot_general3A {dimension_numbers = #tpu.dot_dimension_numbers<[1], [0], [0], [1], [0, 0, 1, 1], [], []>, transpose_lhs_hint = false} : vector<512x256xf32>, vector<256x128xf32>, vector<512x128xf32> -> vector<512x128xf32>
    %swap3A = arith.constant 0 : index
    %swap3A_9 = arith.constant 0 : index
    %swap3A_10 = vector.load %arg6[%swap3A, %swap3A_9] : memref<512x128xf32, #tpu.memory_space<vmem>>, vector<512x128xf32>
    tpu.vector_store %arg6[%swap3A, %swap3A_9], %dot_general3A_8 {strides = array<i32>} : memref<512x128xf32, #tpu.memory_space<vmem>>, vector<512x128xf32>,
    %eq3A = arith.constant 0 : i32
    %eq3A_11 = arith.cmpi eq, %arg1, %eq3A : i32
    %convert_element_type3A = arith.extui %eq3A_11 : i1 to i32
    %cond3A = arith.constant 0 : i32
    %cond3A_12 = arith.cmpi ne, %convert_element_type3A, %cond3A : i32
    scf.if %cond3A_12 {
      %swap3A_17 = arith.constant 0 : index
      %swap3A_18 = arith.constant 0 : index
      %swap3A_19 = vector.load %arg5[%swap3A_17, %swap3A_18] : memref<512x128xf32, #tpu.memory_space<vmem>>, vector<512x128xf32>
      tpu.vector_store %arg5[%swap3A_17, %swap3A_18], %dot_general3A_8 {strides = array<i32>} : memref<512x128xf32, #tpu.memory_space<vmem>>, vector<512x128xf32>,
    } else {
    }
    %gt3A = arith.constant 0 : i32
    %gt3A_13 = arith.cmpi sgt, %arg1, %gt3A : i32
    %convert_element_type3A_14 = arith.extui %gt3A_13 : i1 to i32
    %cond3A_15 = arith.constant 0 : i32
    %cond3A_16 = arith.cmpi ne, %convert_element_type3A_14, %cond3A_15 : i32
    scf.if %cond3A_16 {
      %get3A_17 = arith.constant 0 : index
      %get3A_18 = arith.constant 0 : index
      %get3A_19 = vector.load %arg5[%get3A_17, %get3A_18] : memref<512x128xf32, #tpu.memory_space<vmem>>, vector<512x128xf32>
      %max3A = arith.maximumf %get3A_19, %dot_general3A_8 : vector<512x128xf32>
      %swap3A_20 = arith.constant 0 : index
      %swap3A_21 = arith.constant 0 : index
      %swap3A_22 = vector.load %arg5[%swap3A_20, %swap3A_21] : memref<512x128xf32, #tpu.memory_space<vmem>>, vector<512x128xf32>
      tpu.vector_store %arg5[%swap3A_20, %swap3A_21], %max3A {strides = array<i32>} : memref<512x128xf32, #tpu.memory_space<vmem>>, vector<512x128xf32>,
    } else {
    }
    return
  }
  func.func @transform_0(%arg0: i32, %arg1: i32) -> (i32, i32) {
    %mul3A = arith.constant 32 : i32
    %mul3A_0 = arith.muli %arg1, %mul3A : i32
    %add3A = arith.addi %mul3A_0, %arg0 : i32
    %c0_i32 = arith.constant 0 : i32
    %c0_i32_1 = arith.constant 0 : i32
    return %add3A, %c0_i32 : i32, i32
  }
  func.func @transform_1(%arg0: i32, %arg1: i32) -> (i32, i32) {
    %c0_i32 = arith.constant 0 : i32
    %c0_i32_0 = arith.constant 0 : i32
    return %arg0, %c0_i32 : i32, i32
  }
  func.func @transform_2(%arg0: i32, %arg1: i32) -> (i32, i32) {
    %c0_i32 = arith.constant 0 : i32
    %c0_i32_0 = arith.constant 0 : i32
    %c0_i32_1 = arith.constant 0 : i32
    return %c0_i32, %c0_i32_0 : i32, i32
  }
  func.func @transform_3(%arg0: i32, %arg1: i32) -> (i32, i32) {
    %c0_i32 = arith.constant 0 : i32
    %c0_i32_0 = arith.constant 0 : i32
    return %arg0, %c0_i32 : i32, i32
  }
  func.func @transform_4(%arg0: i32, %arg1: i32) -> (i32, i32) {
    %mul3A = arith.constant 32 : i32
    %mul3A_0 = arith.muli %arg1, %mul3A : i32
    %add3A = arith.addi %mul3A_0, %arg0 : i32
    %c0_i32 = arith.constant 0 : i32
    %c0_i32_1 = arith.constant 0 : i32
    return %add3A, %c0_i32 : i32, i32
  }
}

</mosaic_0001>

<sc_bundles>
// kernel: kernel.18.cloned.1.call-start
scs
__scs_entry_jumppad:
0x0: {  	(pc) =	sbr.rel $0x88, $3  }
0x1: {  	(tag) =	ssettag $0x0;
	lr =	simm.s32 $0x1  }
0x2: {  	[smem:$0x3F94] =	sst lr;
	_ =	strace $0xD0000000  }
0x3: {  	_ = 	snop  }
0x4: {  	_ = 	snop  }
0x5: {  	_ = 	snop  }
0x6: {  	_ = 	snop  }
0x7: {  	_ = 	snop  }
__scs_overlays_trampoline_lowered:
0x8: {  	[smem:$0x3FA3] =	sst s0  }
0x9: {  	[smem:$0x3FA4] =	sst s1  }
0xa: {  	[smem:$0x3FA5] =	sst s2  }
0xb: {  	[smem:$0x3FA6] =	sst s3  }
0xc: {  	[smem:$0x3FA7] =	sst s4  }
0xd: {  	[smem:$0x3FA8] =	sst s5  }
0xe: {  	[smem:$0x3FA9] =	sst s6  }
0xf: {  	[smem:$0x3FAA] =	sst s7  }
0x10: {  	[smem:$0x3FAB] =	sst s8  }
0x11: {  	[smem:$0x3FAC] =	sst s9;
	s0 =	simm.s32 @!p0 $0x0  }
0x12: {  	s1 =	sld [smem:$0x3F92];
	s0 =	simm.s32 @p0 $0x1  }
0x13: {  	[smem:$0x3FAD] =	sst s0;
	s0 =	simm.s32 @!p1 $0x0  }
0x14: {  	s2 =	sld [smem:$0x3F91];
	s0 =	simm.s32 @p1 $0x1  }
0x15: {  	[smem:$0x3FAE] =	sst s0;
	s0 =	simm.s32 @!p2 $0x0  }
0x16: {  	s3 =	sld [smem:$0x3FDB];
	s0 =	simm.s32 @p2 $0x1  }
0x17: {  	s4 =	simm.s32 $0x1BF5;
	[smem:$0x3FB0] =	sst s0  }
0x18: {  	s0 =	sld [smem:$0x3F93];
	_ =	swait.ge [sflag:s4], $0x0  }
0x19: {  	s7 =	sld [smem:$0x3F94]  }
0x1a: {  	s8 =	sadd.s32 $0xFFFFE003, lr  }
0x1b: {  	s9 =	sadd.s32 $0xFFFFFEF7, lr;
	s5 =	simm.s32 $0xFFFFFFFF;
	p2 =	slt.u32 s8, $0xFFFFF086  }
0x1c: {  	p1 =	slt.u32 s9, $0xF7A;
	s5 =	simm.s32 @!p2 $0x0  }
0x1d: {  	s5 =	simm.s32 @p1 $0x1;
	p0 =	seq.s32 s7, s2  }
0x1e: {  	s7 =	smul.u32 @!p0 $0xF7A, s2;
	p2 =	seq.s32 @!p0 s5, $0x0  }
0x1f: {  	s9 =	smul.u32 $0xF7A, s1;
	s8 =	simm.s32 @!p0 $0x1BF5;
	p2 =	por !p2, p0  }
0x20: {  	[sflag:s8] =	ssyncset.s32 @!p0 $0xFFFFF086;
	s6 =	sadd.s32 @!p0 s3, s7;
	s7 =	simm.s32 @!p0 $0x108  }
0x21: {  	s3 =	sadd.s32 s3, s9;
	s6 =	sadd.s32 @!p0 $0x88, s6;
	s7 =	simm.s32 @p2 $0x1082  }
0x22: {  	[simem:s7], [sflag:s8] =	dma.local @!p0 [hbm:s6], $0xF7A  }
0x23: {  	s9 =	sor.u32 $0xD0000000, s2;
	s6 =	simm.s32 $0x108;
	_ =	swait.ge @!p0 [sflag:s8], $0x0  }
0x24: {  	s3 =	sadd.s32 $0x88, s3;
	s6 =	simm.s32 @!p1 $0x1082;
	[sflag:s4] =	ssyncset.s32 $0xFFFFF086  }
0x25: {  	[simem:s6], [sflag:s4] =	dma.local [hbm:s3], $0xF7A  }
0x26: {  	[smem:$0x3F94] =	sst s1;
	(tag) =	ssettag s2;
	_ =	strace s9  }
0x27: {  	s1 =	sld [smem:$0x3FA4]  }
0x28: {  	s2 =	sld [smem:$0x3FA5]  }
0x29: {  	s4 =	sld [smem:$0x3FA7]  }
0x2a: {  	p0 =	seq.s32 s5, $0x0;
	s5 =	sld [smem:$0x3FA8]  }
0x2b: {  	s6 =	sld [smem:$0x3FA9]  }
0x2c: {  	s7 =	sld [smem:$0x3FAA]  }
0x2d: {  	s3 =	simm.s32 $0x108;
	s8 =	sld [smem:$0x3FAB]  }
0x2e: {  	s3 =	simm.s32 @!p0 $0x1082;
	s9 =	sld [smem:$0x3FAC]  }
0x2f: {  	lr =	sadd.s32 s0, s3;
	s0 =	sld [smem:$0x3FA3]  }
0x30: {  	s3 =	sld [smem:$0x3FA6]  }
0x31: {  	[smem:$0x3FAF] =	sst s10  }
0x32: {  	s10 =	sld [smem:$0x3FAD];
	_ =	sdelay $0x3  }
0x33: {  	p0 =	seq.s32 s10, $0x1;
	s10 =	sld [smem:$0x3FAF];
	_ =	sdelay $0x3  }
0x34: {  	[smem:$0x3FAF] =	sst s10  }
0x35: {  	s10 =	sld [smem:$0x3FAE];
	_ =	sdelay $0x3  }
0x36: {  	p1 =	seq.s32 s10, $0x1;
	s10 =	sld [smem:$0x3FAF];
	_ =	sdelay $0x3  }
0x37: {  	[smem:$0x3FAF] =	sst s10  }
0x38: {  	s10 =	sld [smem:$0x3FB0]  }
0x39: {  	_ = 	snop;
	(pc) =	sbr.ind lr, $3  }
0x3a: {  	_ = 	snop  }
0x3b: {  	_ = 	snop  }
0x3c: {  	p2 =	seq.s32 s10, $0x1;
	s10 =	sld [smem:$0x3FAF]  }
0x3d: {  	_ =	shalt  }
0x3e: {  	_ =	shalt  }
0x3f: {  	_ =	shalt  }
0x40: {  	_ =	shalt  }
0x41: {  	_ =	shalt  }
0x42: {  	_ =	shalt  }
0x43: {  	_ =	shalt  }
0x44: {  	_ =	shalt  }
0x45: {  	_ =	shalt  }
0x46: {  	_ =	shalt  }
0x47: {  	_ =	shalt  }
0x48: {  	_ =	shalt  }
0x49: {  	_ =	shalt  }
0x4a: {  	_ =	shalt  }
0x4b: {  	_ =	shalt  }
0x4c: {  	_ =	shalt  }
0x4d: {  	_ =	shalt  }
0x4e: {  	_ =	shalt  }
0x4f: {  	_ =	shalt  }
0x50: {  	_ =	shalt  }
0x51: {  	_ =	shalt  }
0x52: {  	_ =	shalt  }
0x53: {  	_ =	shalt  }
0x54: {  	_ =	shalt  }
0x55: {  	_ =	shalt  }
0x56: {  	_ =	shalt  }
0x57: {  	_ =	shalt  }
0x58: {  	_ =	shalt  }
0x59: {  	_ =	shalt  }
0x5a: {  	_ =	shalt  }
0x5b: {  	_ =	shalt  }
0x5c: {  	_ =	shalt  }
0x5d: {  	_ =	shalt  }
0x5e: {  	_ =	shalt  }
0x5f: {  	_ =	shalt  }
0x60: {  	_ =	shalt  }
0x61: {  	_ =	shalt  }
0x62: {  	_ =	shalt  }
0x63: {  	_ =	shalt  }
0x64: {  	_ =	shalt  }
0x65: {  	_ =	shalt  }
0x66: {  	_ =	shalt  }
0x67: {  	_ =	shalt  }
0x68: {  	_ =	shalt  }
0x69: {  	_ =	shalt  }
0x6a: {  	_ =	shalt  }
0x6b: {  	_ =	shalt  }
0x6c: {  	_ =	shalt  }
0x6d: {  	_ =	shalt  }
0x6e: {  	_ =	shalt  }
0x6f: {  	_ =	shalt  }
0x70: {  	_ =	shalt  }
0x71: {  	_ =	shalt  }
0x72: {  	_ =	shalt  }
0x73: {  	_ =	shalt  }
0x74: {  	_ =	shalt  }
0x75: {  	_ =	shalt  }
0x76: {  	_ =	shalt  }
0x77: {  	_ =	shalt  }
0x78: {  	_ =	shalt  }
0x79: {  	_ =	shalt  }
0x7a: {  	_ =	shalt  }
0x7b: {  	_ =	shalt  }
0x7c: {  	_ =	shalt  }
0x7d: {  	_ =	shalt  }
0x7e: {  	_ =	shalt  }
0x7f: {  	_ =	shalt  }
0x80: {  	_ =	shalt  }
0x81: {  	_ =	shalt  }
0x82: {  	_ =	shalt  }
0x83: {  	_ =	shalt  }
0x84: {  	_ =	shalt  }
0x85: {  	_ =	shalt  }
0x86: {  	_ =	shalt  }
0x87: {  	_ =	shalt  }
.Lfunc_end0:
.L_simem_size_0:
called_computation_lowered:
.L_overlay_start_0:
0x88: {  	s2 =	sld [smem:$0x3FD9]  }
0x89: {  	s3 =	sld [smem:$0x3FFE];
	_ =	sdelay $0x1  }
0x8a: {  	s1 =	srdreg.scid  }
0x8b: {  	s0 =	sand.u32 $0x1, s1  }
0x8c: {  	s17 =	sshll.u32 s0, $0xA;
	s2 =	sadd.s32 s3, s2  }
0x8d: {  	s2 =	sadd.s32 s2, s17  }
0x8e: {  	[smem:$0x3FBB] =	sst s2  }
0x8f: {  	_ = 	snop  }
0x90: {  	s2 =	sld [smem:$0x3FD0];
	(tm) =	ssettm $0x1  }
0x91: {  	s18 =	sld [smem:$0x3FFB];
	_ =	sdelay $0x3  }
0x92: {  	_ =	strace s18  }
0x93: {  	s3 =	sld [smem:$0x3FFC];
	_ =	sdelay $0x3  }
0x94: {  	_ =	strace s3  }
0x95: {  	s3 =	sld [smem:$0x3FFD];
	_ =	sdelay $0x3  }
0x96: {  	_ =	strace s3  }
0x97: {  	_ =	strace $0x8FFFFFFF  }
0x98: {  	s19 =	sld [smem:$0x3FDB];
	_ =	sdelay $0x1  }
0x99: {  	s4 =	simm.s32 $_scs_section_size  }
0x9a: {  	s5 =	simm.s32 $_size__tile_overlayer_lowered;
	s6 =	simm.s32 $_tile_overlayer_lowered  }
0x9b: {  	s22 =	simm.s32 $0x1BFF;
	s21 =	sshll.u32 s6, $0x1;
	s3 =	sadd.s32 s4, s19  }
0x9c: {  	s7 =	simm.s32 $0x0;
	s20 =	sshll.u32 s5, $0x1;
	s5 =	sadd.s32 s21, s3  }
0x9d: {  	[timem:s7], [sflag:s22] =	dma.local [hbm:s5], s20  }
0x9e: {  	_ =	swait.ge [sflag:s22], s20  }
0x9f: {  	s4 =	ssub.s32 $0x0, s20;
	[sflag:s22] =	ssyncset.done $0x0  }
0xa0: {  	[sflag:s22] =	ssyncadd.s32 s4;
	_ =	sdelay $0x1  }
0xa1: {  	s23 =	simm.s32 $0x1B8B  }
0xa2: {  	_ =	swait.ge [sflag:s23], $0x1  }
0xa3: {  	[sflag:s23] =	ssyncset.done $0x0  }
0xa4: {  	s25 =	simm.s32 $0x1B8E;
	s24 =	sld [smem:$0x3FFE];
	[sflag:s23] =	ssyncadd.s32 $0xFFFFFFFF  }
0xa5: {  	s26 =	simm.s32 $execute0_lowered;
	[smem:$0x3FD2] =	sst s25  }
0xa6: {  	s5 =	sshll.u32 s26, $0x1;
	_ =	strace $0x80000046;
	[dreg:$0x1] =	wrdreg $0xFFFFFFFF  }
0xa7: {  	s28 =	simm.s32 $_size_execute0_lowered;
	s3 =	sadd.s32 s3, s5;
	[dreg:$0x0] =	wrdreg $0x0  }
0xa8: {  	s5 =	sshll.u32 s28, $0x1;
	[dreg:$0x2] =	wrdreg s3  }
0xa9: {  	[dreg:$0x3] =	wrdreg s5  }
0xaa: {  	[dreg:$0x4] =	wrdreg $0xC0  }
0xab: {  	_ =	task [dreg:s7], $0x5FFFF  }
0xac: {  	[dreg:$0x1] =	wrdreg $0xFFFFFFFF  }
0xad: {  	[dreg:$0x0] =	wrdreg $0x60  }
0xae: {  	[dreg:$0x2] =	wrdreg s24  }
0xaf: {  	[dreg:$0x3] =	wrdreg s2  }
0xb0: {  	[dreg:$0x4] =	wrdreg $0x9  }
0xb1: {  	_ =	task.clear_ibuf [dreg:s7], $0x5FFFF;
	_ =	strace $0x90000046  }
0xb2: {  	s29 =	simm.s32 $0x9;
	_ =	strace $0x80000048  }
0xb3: {  	_ =	swait.ge [sflag:s29], $0x1  }
0xb4: {  	[sflag:s29] =	ssyncadd.s32 $0xFFFFFFFF  }
0xb5: {  	_ =	strace $0x90000048  }
0xb6: {  	_ =	sfence  }
0xb7: {  	s30 =	sld [smem:$0x0];
	_ =	sdelay $0x2  }
0xb8: {  	s31 =	sshll.u32 s1, $0xD;
	s1 =	sshrl.u32 s1, $0x2  }
0xb9: {  	s3 =	sand.u32 $0x4000, s31;
	s1 =	sadd.s32 s1, s30  }
0xba: {  	s0 =	sor.u32 s3, s0;
	s1 =	sshll.u32 s1, $0x11  }
0xbb: {  	s0 =	sor.u32 s1, s0  }
0xbc: {  	s0 =	sadd.s32 $0x8F2B, s0  }
0xbd: {  	[sflag:s0] =	ssyncadd.remote.s32 $0x1  }
0xbe: {  	_ =	sfence.sel $0xFFFF  }
0xbf: {  	[dreg:$0x0] =	wrdreg $0xFFFFFFFF;
	(pc) =	sbr.abs _section_cstart, $3  }
0xc0: {  	[dreg:$0x1] =	wrdreg $0xFFFFFFFF  }
0xc1: {  	_ =	task.clear_ibuf [dreg:s7], $0x2FFFF;
	_ =	strace $0x9FFFFFFF  }
0xc2: {  	(tm) =	ssettm $0x7FFFFFFF  }
0xc3: {  	_ =	shalt  }
tec
execute0_lowered:
.L_overlay_start_1:
0x0: {  	(tag) =	ssettag $0x1  }
0x1: {  	s4 =	rddreg [dreg:$0x0]  }
0x2: {  	s6 =	rddreg [dreg:$0x1]  }
0x3: {  	s0 =	rddreg [dreg:$0x2]  }
0x4: {  	s3 =	srdreg.scid;
	s1 =	stileid.u32  }
0x5: {  	s2 =	simm.s32 $0x0;
	s3 =	sand.u32 $0x1, s3;
	s5 =	smul.u32 $0x5000, s1  }
0x6: {  	[smem:$0x7FF] =	sst s2;
	s7 =	smul.u32 $0x2800, s3  }
0x7: {  	s10 =	simm.s32 $0x0;
	s8 =	ssub.s32 $0x2, s3;
	_ =	strace $0x80000047  }
0x8: {  	s3 =	sadd.s32 $0x1C00, s4;
	s9 =	sshrl.u32 s8, $0x1;
	s5 =	sadd.s32 s7, s5  }
0x9: {  	s29 =	ssub.s32 s8, s9;
	s7 =	simm.s32 $0x2;
	s8 =	simm.s32 $0x80  }
0xa: {  	s9 =	simm.s32 $0x1;
	s30 =	sadd.s32 s5, s4;
	s31 =	sshrl.u32 s5, $0x3  }
0xb: {  	s4 =	smax.u32 s29, $0x1;
	s5 =	sadd.s32 $0x5C00, s30;
	s6 =	sadd.s32 s31, s6  }
.LBB2_1:
0xc: {  	s11 =	sadd.s32 $0x0, s6  }
0xd: {  	[tilespmem:s2], [sflag:$0x2] =	stream.linear.gather [hbm4b:s11+s2], $0x80, $0x38;
	[tilespmem:$0x480] =	vst v63  }
0xe: {  	_ =	swait.ge [sflag:s7], $0x80  }
0xf: {  	[sflag:s7] =	ssyncset.done $0x0  }
0x10: {  	[sflag:s7] =	ssyncadd.s32 $0xFFFFFF80  }
0x11: {  	[tilespmem:s8], [sflag:$0x1] =	stream.indirect.gather [hbm4b:s3+s8], $0x8, s2, s8, $0xb8;
	[tilespmem:$0x480] =	vst v63  }
0x12: {  	_ =	swait.ge [sflag:s9], $0x400  }
0x13: {  	[sflag:s9] =	ssyncset.done $0x0  }
0x14: {  	[sflag:s9] =	ssyncadd.s32 $0xFFFFFC00  }
0x15: {  	[hbm4b:s5+s2] =	stream.linear.scatter [tilespmem:s8], [sflag:$0x2], $0x400, $0x38;
	[tilespmem:$0x480] =	vst v63  }
0x16: {  	s12 =	simm.s32 $0x10;
	_ =	swait.ge [sflag:s7], $0x400  }
0x17: {  	s13 =	simm.s32 $0x20;
	s11 =	sadd.s32 $0x80, s5;
	[sflag:s7] =	ssyncset.done $0x0  }
.LBB2_2:
0x18: {  	s14 =	sadd.s32 s12, s6  }
0x19: {  	[sflag:s7] =	ssyncadd.s32 $0xFFFFFC00;
	s12 =	smov.u32 s13;
	s15 =	sadd.s32 $0x10, s13  }
0x1a: {  	[tilespmem:s2], [sflag:$0x2] =	stream.linear.gather [hbm4b:s14+s2], $0x80, $0x38;
	[tilespmem:$0x480] =	vst v63  }
0x1b: {  	p0 =	sne.s32 s13, $0x4F0;
	_ =	swait.ge [sflag:s7], $0x80  }
0x1c: {  	[sflag:s7] =	ssyncset.done $0x0  }
0x1d: {  	[sflag:s7] =	ssyncadd.s32 $0xFFFFFF80  }
0x1e: {  	[tilespmem:s8], [sflag:$0x1] =	stream.indirect.gather [hbm4b:s3+s8], $0x8, s2, s8, $0xb8;
	[tilespmem:$0x480] =	vst v63  }
0x1f: {  	_ =	swait.ge [sflag:s9], $0x400  }
.Ltmp0:
0x20: {  	[sflag:s9] =	ssyncset.done $0x0;
	(pc) =	sbr.rel @p0 .LBB2_2-.Ltmp0, $4  }
0x21: {  	[sflag:s9] =	ssyncadd.s32 $0xFFFFFC00  }
0x22: {  	[hbm4b:s11+s2] =	stream.linear.scatter [tilespmem:s8], [sflag:$0x2], $0x400, $0x38;
	[tilespmem:$0x480] =	vst v63  }
0x23: {  	_ =	swait.ge [sflag:s7], $0x400  }
0x24: {  	s13 =	smov.u32 s15;
	s11 =	sadd.s32 $0x80, s11;
	[sflag:s7] =	ssyncset.done $0x0  }
0x25: {  	s12 =	sadd.s32 s12, s6;
	[sflag:s7] =	ssyncadd.s32 $0xFFFFFC00  }
0x26: {  	[tilespmem:s2], [sflag:$0x2] =	stream.linear.gather [hbm4b:s12+s2], $0x80, $0x38;
	[tilespmem:$0x480] =	vst v63  }
0x27: {  	_ =	swait.ge [sflag:s7], $0x80  }
0x28: {  	[sflag:s7] =	ssyncset.done $0x0  }
0x29: {  	[sflag:s7] =	ssyncadd.s32 $0xFFFFFF80  }
0x2a: {  	[tilespmem:s8], [sflag:$0x1] =	stream.indirect.gather [hbm4b:s3+s8], $0x8, s2, s8, $0xb8;
	[tilespmem:$0x480] =	vst v63  }
0x2b: {  	s10 =	sadd.s32 $0x1, s10;
	_ =	swait.ge [sflag:s9], $0x400  }
0x2c: {  	p0 =	sne.s32 s10, s4;
	[sflag:s9] =	ssyncset.done $0x0  }
.Ltmp1:
0x2d: {  	[sflag:s9] =	ssyncadd.s32 $0xFFFFFC00;
	(pc) =	sbr.rel @p0 .LBB2_1-.Ltmp1, $4  }
0x2e: {  	[hbm4b:s11+s2] =	stream.linear.scatter [tilespmem:s8], [sflag:$0x2], $0x400, $0x38;
	[tilespmem:$0x480] =	vst v63  }
0x2f: {  	_ =	swait.ge [sflag:s7], $0x400  }
0x30: {  	[sflag:s7] =	ssyncset.done $0x0  }
0x31: {  	[sflag:s7] =	ssyncadd.s32 $0xFFFFFC00  }
0x32: {  	_ =	sfence.sel $0x180000  }
0x33: {  	[bflag:$0x0] =	sbarrier.arrive $0xFFFF  }
0x34: {  	p0 =	sne.s32 s1, $0x0;
	_ =	strace $0x90000047  }
0x35: {  	s0 =	sadd.s32 @!p0 $0x100000, s0;
	[bflag:$0x2] =	sbarrier.arrive $0xFFFF  }
0x36: {  	[sflag:s0] =	ssyncadd.tile.s32 @!p0 $0x1;
	_ =	shalt  }
.Lfunc_end2:
_tile_overlayer_lowered:
.L_overlay_start_2:
0x37: {  	(tag) =	ssettag $0x2  }
0x38: {  	s0 =	rddreg [dreg:$0x0];
	s2 =	stileid.u32  }
0x39: {  	s1 =	rddreg [dreg:$0x1];
	p0 =	sne.s32 s2, $0x0  }
0x3a: {  	s3 =	rddreg [dreg:$0x2];
	[bflag:$0x3] =	sbarrier.arrive $0xFFFF;
	s2 =	simm.s32 @!p0 $0x1C02  }
0x3b: {  	[timem:s3], [sflag:s2] =	dma.local @!p0 [hbm:s0], s1  }
0x3c: {  	s0 =	simm.s32 @!p0 $0x2  }
0x3d: {  	_ =	swait.ge @!p0 [sflag:s0], s1  }
0x3e: {  	s1 =	ssub.s32 @!p0 $0x0, s1;
	[sflag:s0] =	ssyncset.done @!p0 $0x0  }
0x3f: {  	[sflag:s0] =	ssyncadd.s32 @!p0 s1  }
0x40: {  	[bflag:$0x3] =	sbarrier.arrive $0xFFFF  }
0x41: {  	_ =	shalt  }

// kernel: kernel.21.cloned.1.call-start
scs
__scs_entry_jumppad:
0x0: {  	(pc) =	sbr.rel $0x88, $3  }
0x1: {  	(tag) =	ssettag $0x0;
	lr =	simm.s32 $0x1  }
0x2: {  	[smem:$0x3F94] =	sst lr;
	_ =	strace $0xD0000000  }
0x3: {  	_ = 	snop  }
0x4: {  	_ = 	snop  }
0x5: {  	_ = 	snop  }
0x6: {  	_ = 	snop  }
0x7: {  	_ = 	snop  }
__scs_overlays_trampoline_lowered:
0x8: {  	[smem:$0x3FA3] =	sst s0  }
0x9: {  	[smem:$0x3FA4] =	sst s1  }
0xa: {  	[smem:$0x3FA5] =	sst s2  }
0xb: {  	[smem:$0x3FA6] =	sst s3  }
0xc: {  	[smem:$0x3FA7] =	sst s4  }
0xd: {  	[smem:$0x3FA8] =	sst s5  }
0xe: {  	[smem:$0x3FA9] =	sst s6  }
0xf: {  	[smem:$0x3FAA] =	sst s7  }
0x10: {  	[smem:$0x3FAB] =	sst s8  }
0x11: {  	[smem:$0x3FAC] =	sst s9;
	s0 =	simm.s32 @!p0 $0x0  }
0x12: {  	s1 =	sld [smem:$0x3F92];
	s0 =	simm.s32 @p0 $0x1  }
0x13: {  	[smem:$0x3FAD] =	sst s0;
	s0 =	simm.s32 @!p1 $0x0  }
0x14: {  	s2 =	sld [smem:$0x3F91];
	s0 =	simm.s32 @p1 $0x1  }
0x15: {  	[smem:$0x3FAE] =	sst s0;
	s0 =	simm.s32 @!p2 $0x0  }
0x16: {  	s3 =	sld [smem:$0x3FDB];
	s0 =	simm.s32 @p2 $0x1  }
0x17: {  	s4 =	simm.s32 $0x1BF5;
	[smem:$0x3FB0] =	sst s0  }
0x18: {  	s0 =	sld [smem:$0x3F93];
	_ =	swait.ge [sflag:s4], $0x0  }
0x19: {  	s7 =	sld [smem:$0x3F94]  }
0x1a: {  	s8 =	sadd.s32 $0xFFFFE003, lr  }
0x1b: {  	s9 =	sadd.s32 $0xFFFFFEF7, lr;
	s5 =	simm.s32 $0xFFFFFFFF;
	p2 =	slt.u32 s8, $0xFFFFF086  }
0x1c: {  	p1 =	slt.u32 s9, $0xF7A;
	s5 =	simm.s32 @!p2 $0x0  }
0x1d: {  	s5 =	simm.s32 @p1 $0x1;
	p0 =	seq.s32 s7, s2  }
0x1e: {  	s7 =	smul.u32 @!p0 $0xF7A, s2;
	p2 =	seq.s32 @!p0 s5, $0x0  }
0x1f: {  	s9 =	smul.u32 $0xF7A, s1;
	s8 =	simm.s32 @!p0 $0x1BF5;
	p2 =	por !p2, p0  }
0x20: {  	[sflag:s8] =	ssyncset.s32 @!p0 $0xFFFFF086;
	s6 =	sadd.s32 @!p0 s3, s7;
	s7 =	simm.s32 @!p0 $0x108  }
0x21: {  	s3 =	sadd.s32 s3, s9;
	s6 =	sadd.s32 @!p0 $0x88, s6;
	s7 =	simm.s32 @p2 $0x1082  }
0x22: {  	[simem:s7], [sflag:s8] =	dma.local @!p0 [hbm:s6], $0xF7A  }
0x23: {  	s9 =	sor.u32 $0xD0000000, s2;
	s6 =	simm.s32 $0x108;
	_ =	swait.ge @!p0 [sflag:s8], $0x0  }
0x24: {  	s3 =	sadd.s32 $0x88, s3;
	s6 =	simm.s32 @!p1 $0x1082;
	[sflag:s4] =	ssyncset.s32 $0xFFFFF086  }
0x25: {  	[simem:s6], [sflag:s4] =	dma.local [hbm:s3], $0xF7A  }
0x26: {  	[smem:$0x3F94] =	sst s1;
	(tag) =	ssettag s2;
	_ =	strace s9  }
0x27: {  	s1 =	sld [smem:$0x3FA4]  }
0x28: {  	s2 =	sld [smem:$0x3FA5]  }
0x29: {  	s4 =	sld [smem:$0x3FA7]  }
0x2a: {  	p0 =	seq.s32 s5, $0x0;
	s5 =	sld [smem:$0x3FA8]  }
0x2b: {  	s6 =	sld [smem:$0x3FA9]  }
0x2c: {  	s7 =	sld [smem:$0x3FAA]  }
0x2d: {  	s3 =	simm.s32 $0x108;
	s8 =	sld [smem:$0x3FAB]  }
0x2e: {  	s3 =	simm.s32 @!p0 $0x1082;
	s9 =	sld [smem:$0x3FAC]  }
0x2f: {  	lr =	sadd.s32 s0, s3;
	s0 =	sld [smem:$0x3FA3]  }
0x30: {  	s3 =	sld [smem:$0x3FA6]  }
0x31: {  	[smem:$0x3FAF] =	sst s10  }
0x32: {  	s10 =	sld [smem:$0x3FAD];
	_ =	sdelay $0x3  }
0x33: {  	p0 =	seq.s32 s10, $0x1;
	s10 =	sld [smem:$0x3FAF];
	_ =	sdelay $0x3  }
0x34: {  	[smem:$0x3FAF] =	sst s10  }
0x35: {  	s10 =	sld [smem:$0x3FAE];
	_ =	sdelay $0x3  }
0x36: {  	p1 =	seq.s32 s10, $0x1;
	s10 =	sld [smem:$0x3FAF];
	_ =	sdelay $0x3  }
0x37: {  	[smem:$0x3FAF] =	sst s10  }
0x38: {  	s10 =	sld [smem:$0x3FB0]  }
0x39: {  	_ = 	snop;
	(pc) =	sbr.ind lr, $3  }
0x3a: {  	_ = 	snop  }
0x3b: {  	_ = 	snop  }
0x3c: {  	p2 =	seq.s32 s10, $0x1;
	s10 =	sld [smem:$0x3FAF]  }
0x3d: {  	_ =	shalt  }
0x3e: {  	_ =	shalt  }
0x3f: {  	_ =	shalt  }
0x40: {  	_ =	shalt  }
0x41: {  	_ =	shalt  }
0x42: {  	_ =	shalt  }
0x43: {  	_ =	shalt  }
0x44: {  	_ =	shalt  }
0x45: {  	_ =	shalt  }
0x46: {  	_ =	shalt  }
0x47: {  	_ =	shalt  }
0x48: {  	_ =	shalt  }
0x49: {  	_ =	shalt  }
0x4a: {  	_ =	shalt  }
0x4b: {  	_ =	shalt  }
0x4c: {  	_ =	shalt  }
0x4d: {  	_ =	shalt  }
0x4e: {  	_ =	shalt  }
0x4f: {  	_ =	shalt  }
0x50: {  	_ =	shalt  }
0x51: {  	_ =	shalt  }
0x52: {  	_ =	shalt  }
0x53: {  	_ =	shalt  }
0x54: {  	_ =	shalt  }
0x55: {  	_ =	shalt  }
0x56: {  	_ =	shalt  }
0x57: {  	_ =	shalt  }
0x58: {  	_ =	shalt  }
0x59: {  	_ =	shalt  }
0x5a: {  	_ =	shalt  }
0x5b: {  	_ =	shalt  }
0x5c: {  	_ =	shalt  }
0x5d: {  	_ =	shalt  }
0x5e: {  	_ =	shalt  }
0x5f: {  	_ =	shalt  }
0x60: {  	_ =	shalt  }
0x61: {  	_ =	shalt  }
0x62: {  	_ =	shalt  }
0x63: {  	_ =	shalt  }
0x64: {  	_ =	shalt  }
0x65: {  	_ =	shalt  }
0x66: {  	_ =	shalt  }
0x67: {  	_ =	shalt  }
0x68: {  	_ =	shalt  }
0x69: {  	_ =	shalt  }
0x6a: {  	_ =	shalt  }
0x6b: {  	_ =	shalt  }
0x6c: {  	_ =	shalt  }
0x6d: {  	_ =	shalt  }
0x6e: {  	_ =	shalt  }
0x6f: {  	_ =	shalt  }
0x70: {  	_ =	shalt  }
0x71: {  	_ =	shalt  }
0x72: {  	_ =	shalt  }
0x73: {  	_ =	shalt  }
0x74: {  	_ =	shalt  }
0x75: {  	_ =	shalt  }
0x76: {  	_ =	shalt  }
0x77: {  	_ =	shalt  }
0x78: {  	_ =	shalt  }
0x79: {  	_ =	shalt  }
0x7a: {  	_ =	shalt  }
0x7b: {  	_ =	shalt  }
0x7c: {  	_ =	shalt  }
0x7d: {  	_ =	shalt  }
0x7e: {  	_ =	shalt  }
0x7f: {  	_ =	shalt  }
0x80: {  	_ =	shalt  }
0x81: {  	_ =	shalt  }
0x82: {  	_ =	shalt  }
0x83: {  	_ =	shalt  }
0x84: {  	_ =	shalt  }
0x85: {  	_ =	shalt  }
0x86: {  	_ =	shalt  }
0x87: {  	_ =	shalt  }
.Lfunc_end0:
.L_simem_size_0:
called_computation.1_lowered:
.L_overlay_start_0:
0x88: {  	s2 =	sld [smem:$0x3FD9]  }
0x89: {  	s3 =	sld [smem:$0x3FFE];
	_ =	sdelay $0x1  }
0x8a: {  	s1 =	srdreg.scid  }
0x8b: {  	s0 =	sand.u32 $0x1, s1  }
0x8c: {  	s16 =	sshll.u32 s0, $0xA;
	s2 =	sadd.s32 s3, s2  }
0x8d: {  	s2 =	sadd.s32 s2, s16  }
0x8e: {  	[smem:$0x3FBB] =	sst s2  }
0x8f: {  	_ = 	snop  }
0x90: {  	(tm) =	ssettm $0x1  }
0x91: {  	s17 =	sld [smem:$0x3FFB];
	_ =	sdelay $0x3  }
0x92: {  	_ =	strace s17  }
0x93: {  	s2 =	sld [smem:$0x3FFC];
	_ =	sdelay $0x3  }
0x94: {  	_ =	strace s2  }
0x95: {  	s2 =	sld [smem:$0x3FFD];
	_ =	sdelay $0x3  }
0x96: {  	_ =	strace s2  }
0x97: {  	_ =	strace $0x8FFFFFFF  }
0x98: {  	s18 =	sld [smem:$0x3FDB];
	_ =	sdelay $0x1  }
0x99: {  	s19 =	simm.s32 $_scs_section_size  }
0x9a: {  	s4 =	simm.s32 $_size__tile_overlayer_lowered;
	s5 =	simm.s32 $_tile_overlayer_lowered  }
0x9b: {  	s22 =	simm.s32 $0x1BFF;
	s21 =	sshll.u32 s5, $0x1;
	s2 =	sadd.s32 s19, s18  }
0x9c: {  	s6 =	simm.s32 $0x0;
	s20 =	sshll.u32 s4, $0x1;
	s4 =	sadd.s32 s21, s2  }
0x9d: {  	[timem:s6], [sflag:s22] =	dma.local [hbm:s4], s20  }
0x9e: {  	_ =	swait.ge [sflag:s22], s20  }
0x9f: {  	s3 =	ssub.s32 $0x0, s20;
	[sflag:s22] =	ssyncset.done $0x0  }
0xa0: {  	[sflag:s22] =	ssyncadd.s32 s3;
	_ =	sdelay $0x1  }
0xa1: {  	s23 =	simm.s32 $0x1B8B  }
0xa2: {  	_ =	swait.ge [sflag:s23], $0x1  }
0xa3: {  	[sflag:s23] =	ssyncset.done $0x0  }
0xa4: {  	s25 =	simm.s32 $0x1B8E;
	s24 =	sld [smem:$0x3FFE];
	[sflag:s23] =	ssyncadd.s32 $0xFFFFFFFF  }
0xa5: {  	s26 =	simm.s32 $execute0_lowered;
	[smem:$0x3FD2] =	sst s25  }
0xa6: {  	s4 =	sshll.u32 s26, $0x1;
	_ =	strace $0x80000049;
	[dreg:$0x1] =	wrdreg $0xFFFFFFFF  }
0xa7: {  	s28 =	simm.s32 $_size_execute0_lowered;
	s2 =	sadd.s32 s2, s4;
	[dreg:$0x0] =	wrdreg $0x0  }
0xa8: {  	s4 =	sshll.u32 s28, $0x1;
	[dreg:$0x2] =	wrdreg s2  }
0xa9: {  	[dreg:$0x3] =	wrdreg s4  }
0xaa: {  	[dreg:$0x4] =	wrdreg $0xC0  }
0xab: {  	_ =	task [dreg:s6], $0x5FFFF  }
0xac: {  	[dreg:$0x1] =	wrdreg $0xFFFFFFFF  }
0xad: {  	[dreg:$0x0] =	wrdreg $0x60  }
0xae: {  	[dreg:$0x2] =	wrdreg s24  }
0xaf: {  	[dreg:$0x3] =	wrdreg $0x9  }
0xb0: {  	_ =	task.clear_ibuf [dreg:s6], $0x4FFFF;
	_ =	strace $0x90000049  }
0xb1: {  	s29 =	simm.s32 $0x9;
	_ =	strace $0x8000004B  }
0xb2: {  	_ =	swait.ge [sflag:s29], $0x1  }
0xb3: {  	[sflag:s29] =	ssyncadd.s32 $0xFFFFFFFF  }
0xb4: {  	_ =	strace $0x9000004B  }
0xb5: {  	_ =	sfence  }
0xb6: {  	s30 =	sld [smem:$0x0];
	_ =	sdelay $0x2  }
0xb7: {  	s31 =	sshll.u32 s1, $0xD;
	s1 =	sshrl.u32 s1, $0x2  }
0xb8: {  	s3 =	sand.u32 $0x4000, s31;
	s1 =	sadd.s32 s1, s30  }
0xb9: {  	s0 =	sor.u32 s3, s0;
	s1 =	sshll.u32 s1, $0x11  }
0xba: {  	s0 =	sor.u32 s1, s0  }
0xbb: {  	s0 =	sadd.s32 $0x8F2B, s0  }
0xbc: {  	[sflag:s0] =	ssyncadd.remote.s32 $0x1  }
0xbd: {  	_ =	sfence.sel $0xFFFF  }
0xbe: {  	[dreg:$0x0] =	wrdreg $0xFFFFFFFF;
	(pc) =	sbr.abs _section_cstart, $3  }
0xbf: {  	[dreg:$0x1] =	wrdreg $0xFFFFFFFF  }
0xc0: {  	_ =	task.clear_ibuf [dreg:s6], $0x2FFFF;
	_ =	strace $0x9FFFFFFF  }
0xc1: {  	(tm) =	ssettm $0x7FFFFFFF  }
tec
execute0_lowered:
.L_overlay_start_1:
0x0: {  	(tag) =	ssettag $0x1  }
0x1: {  	s4 =	rddreg [dreg:$0x0]  }
0x2: {  	s0 =	rddreg [dreg:$0x1];
	s2 =	simm.s32 $0x0;
	s1 =	stileid.u32  }
0x3: {  	s3 =	srdreg.scid;
	s10 =	simm.s32 $0x0;
	s6 =	smul.u32 $0x5000, s1  }
0x4: {  	[smem:$0x7FF] =	sst s2;
	s5 =	sand.u32 $0x1, s3;
	s8 =	smul.u32 $0x28000, s1  }
0x5: {  	s3 =	sadd.s32 $0x1C00, s4;
	s7 =	smul.u32 $0x2800, s5;
	s9 =	ssub.s32 $0x2, s5  }
0x6: {  	_ =	strace $0x8000004A;
	s5 =	smul.u32 $0x14000, s5;
	s31 =	sshrl.u32 s9, $0x1  }
0x7: {  	s8 =	sadd.s32 s8, s4;
	s6 =	sadd.s32 s7, s6;
	s7 =	ssub.s32 s9, s31  }
0x8: {  	s5 =	sadd.s32 s5, s8;
	s8 =	simm.s32 $0x80;
	s6 =	sshrl.u32 s6, $0x3  }
0x9: {  	s9 =	simm.s32 $0x1;
	s5 =	sadd.s32 $0x2BC00, s5;
	s6 =	sadd.s32 s6, s4  }
0xa: {  	s4 =	smax.u32 s7, $0x1;
	s7 =	simm.s32 $0x2;
	s6 =	sadd.s32 $0x21C00, s6  }
.LBB2_1:
0xb: {  	s11 =	sadd.s32 $0x0, s6  }
0xc: {  	[tilespmem:s2], [sflag:$0x2] =	stream.linear.gather [hbm4b:s11+s2], $0x80, $0x38;
	[tilespmem:$0x2080] =	vst v63  }
0xd: {  	_ =	swait.ge [sflag:s7], $0x80  }
0xe: {  	[sflag:s7] =	ssyncset.done $0x0  }
0xf: {  	[sflag:s7] =	ssyncadd.s32 $0xFFFFFF80  }
0x10: {  	[tilespmem:s8], [sflag:$0x1] =	stream.indirect.gather [hbm4b:s3+s8], $0x40, s2, s8, $0xb8;
	[tilespmem:$0x2080] =	vst v63  }
0x11: {  	_ =	swait.ge [sflag:s9], $0x2000  }
0x12: {  	[sflag:s9] =	ssyncset.done $0x0  }
0x13: {  	[sflag:s9] =	ssyncadd.s32 $0xFFFFE000  }
0x14: {  	[hbm4b:s5+s2] =	stream.linear.scatter [tilespmem:s8], [sflag:$0x2], $0x2000, $0x38;
	[tilespmem:$0x2080] =	vst v63  }
0x15: {  	s12 =	simm.s32 $0x10;
	_ =	swait.ge [sflag:s7], $0x2000  }
0x16: {  	s13 =	simm.s32 $0x20;
	s11 =	sadd.s32 $0x400, s5;
	[sflag:s7] =	ssyncset.done $0x0  }
.LBB2_2:
0x17: {  	s14 =	sadd.s32 s12, s6  }
0x18: {  	[sflag:s7] =	ssyncadd.s32 $0xFFFFE000;
	s12 =	smov.u32 s13;
	s15 =	sadd.s32 $0x10, s13  }
0x19: {  	[tilespmem:s2], [sflag:$0x2] =	stream.linear.gather [hbm4b:s14+s2], $0x80, $0x38;
	[tilespmem:$0x2080] =	vst v63  }
0x1a: {  	p0 =	sne.s32 s13, $0x4F0;
	_ =	swait.ge [sflag:s7], $0x80  }
0x1b: {  	[sflag:s7] =	ssyncset.done $0x0  }
0x1c: {  	[sflag:s7] =	ssyncadd.s32 $0xFFFFFF80  }
0x1d: {  	[tilespmem:s8], [sflag:$0x1] =	stream.indirect.gather [hbm4b:s3+s8], $0x40, s2, s8, $0xb8;
	[tilespmem:$0x2080] =	vst v63  }
0x1e: {  	_ =	swait.ge [sflag:s9], $0x2000  }
.Ltmp0:
0x1f: {  	[sflag:s9] =	ssyncset.done $0x0;
	(pc) =	sbr.rel @p0 .LBB2_2-.Ltmp0, $4  }
0x20: {  	[sflag:s9] =	ssyncadd.s32 $0xFFFFE000  }
0x21: {  	[hbm4b:s11+s2] =	stream.linear.scatter [tilespmem:s8], [sflag:$0x2], $0x2000, $0x38;
	[tilespmem:$0x2080] =	vst v63  }
0x22: {  	_ =	swait.ge [sflag:s7], $0x2000  }
0x23: {  	s13 =	smov.u32 s15;
	s11 =	sadd.s32 $0x400, s11;
	[sflag:s7] =	ssyncset.done $0x0  }
0x24: {  	s12 =	sadd.s32 s12, s6;
	[sflag:s7] =	ssyncadd.s32 $0xFFFFE000  }
0x25: {  	[tilespmem:s2], [sflag:$0x2] =	stream.linear.gather [hbm4b:s12+s2], $0x80, $0x38;
	[tilespmem:$0x2080] =	vst v63  }
0x26: {  	_ =	swait.ge [sflag:s7], $0x80  }
0x27: {  	[sflag:s7] =	ssyncset.done $0x0  }
0x28: {  	[sflag:s7] =	ssyncadd.s32 $0xFFFFFF80  }
0x29: {  	[tilespmem:s8], [sflag:$0x1] =	stream.indirect.gather [hbm4b:s3+s8], $0x40, s2, s8, $0xb8;
	[tilespmem:$0x2080] =	vst v63  }
0x2a: {  	s10 =	sadd.s32 $0x1, s10;
	_ =	swait.ge [sflag:s9], $0x2000  }
0x2b: {  	p0 =	sne.s32 s10, s4;
	[sflag:s9] =	ssyncset.done $0x0  }
.Ltmp1:
0x2c: {  	[sflag:s9] =	ssyncadd.s32 $0xFFFFE000;
	(pc) =	sbr.rel @p0 .LBB2_1-.Ltmp1, $4  }
0x2d: {  	[hbm4b:s11+s2] =	stream.linear.scatter [tilespmem:s8], [sflag:$0x2], $0x2000, $0x38;
	[tilespmem:$0x2080] =	vst v63  }
0x2e: {  	_ =	swait.ge [sflag:s7], $0x2000  }
0x2f: {  	[sflag:s7] =	ssyncset.done $0x0  }
0x30: {  	[sflag:s7] =	ssyncadd.s32 $0xFFFFE000  }
0x31: {  	_ =	sfence.sel $0x180000  }
0x32: {  	[bflag:$0x0] =	sbarrier.arrive $0xFFFF  }
0x33: {  	p0 =	sne.s32 s1, $0x0;
	_ =	strace $0x9000004A  }
0x34: {  	s0 =	sadd.s32 @!p0 $0x100000, s0;
	[bflag:$0x2] =	sbarrier.arrive $0xFFFF  }
0x35: {  	[sflag:s0] =	ssyncadd.tile.s32 @!p0 $0x1;
	_ =	shalt  }
.Lfunc_end2:
_tile_overlayer_lowered:
.L_overlay_start_2:
0x36: {  	(tag) =	ssettag $0x2  }
0x37: {  	s0 =	rddreg [dreg:$0x0];
	s2 =	stileid.u32  }
0x38: {  	s1 =	rddreg [dreg:$0x1];
	p0 =	sne.s32 s2, $0x0  }
0x39: {  	s3 =	rddreg [dreg:$0x2];
	[bflag:$0x3] =	sbarrier.arrive $0xFFFF;
	s2 =	simm.s32 @!p0 $0x1C02  }
0x3a: {  	[timem:s3], [sflag:s2] =	dma.local @!p0 [hbm:s0], s1  }
0x3b: {  	s0 =	simm.s32 @!p0 $0x2  }
0x3c: {  	_ =	swait.ge @!p0 [sflag:s0], s1  }
0x3d: {  	s1 =	ssub.s32 @!p0 $0x0, s1;
	[sflag:s0] =	ssyncset.done @!p0 $0x0  }
0x3e: {  	[sflag:s0] =	ssyncadd.s32 @!p0 s1  }
0x3f: {  	[bflag:$0x3] =	sbarrier.arrive $0xFFFF  }
0x40: {  	_ =	shalt  }

// kernel: kernel.24.cloned.1.call-start
scs
__scs_entry_jumppad:
0x0: {  	(pc) =	sbr.rel $0x88, $3  }
0x1: {  	(tag) =	ssettag $0x0;
	lr =	simm.s32 $0x1  }
0x2: {  	[smem:$0x3F94] =	sst lr;
	_ =	strace $0xD0000000  }
0x3: {  	_ = 	snop  }
0x4: {  	_ = 	snop  }
0x5: {  	_ = 	snop  }
0x6: {  	_ = 	snop  }
0x7: {  	_ = 	snop  }
__scs_overlays_trampoline_lowered:
0x8: {  	[smem:$0x3FA3] =	sst s0  }
0x9: {  	[smem:$0x3FA4] =	sst s1  }
0xa: {  	[smem:$0x3FA5] =	sst s2  }
0xb: {  	[smem:$0x3FA6] =	sst s3  }
0xc: {  	[smem:$0x3FA7] =	sst s4  }
0xd: {  	[smem:$0x3FA8] =	sst s5  }
0xe: {  	[smem:$0x3FA9] =	sst s6  }
0xf: {  	[smem:$0x3FAA] =	sst s7  }
0x10: {  	[smem:$0x3FAB] =	sst s8  }
0x11: {  	[smem:$0x3FAC] =	sst s9;
	s0 =	simm.s32 @!p0 $0x0  }
0x12: {  	s1 =	sld [smem:$0x3F92];
	s0 =	simm.s32 @p0 $0x1  }
0x13: {  	[smem:$0x3FAD] =	sst s0;
	s0 =	simm.s32 @!p1 $0x0  }
0x14: {  	s2 =	sld [smem:$0x3F91];
	s0 =	simm.s32 @p1 $0x1  }
0x15: {  	[smem:$0x3FAE] =	sst s0;
	s0 =	simm.s32 @!p2 $0x0  }
0x16: {  	s3 =	sld [smem:$0x3FDB];
	s0 =	simm.s32 @p2 $0x1  }
0x17: {  	s4 =	simm.s32 $0x1BF5;
	[smem:$0x3FB0] =	sst s0  }
0x18: {  	s0 =	sld [smem:$0x3F93];
	_ =	swait.ge [sflag:s4], $0x0  }
0x19: {  	s7 =	sld [smem:$0x3F94]  }
0x1a: {  	s8 =	sadd.s32 $0xFFFFE003, lr  }
0x1b: {  	s9 =	sadd.s32 $0xFFFFFEF7, lr;
	s5 =	simm.s32 $0xFFFFFFFF;
	p2 =	slt.u32 s8, $0xFFFFF086  }
0x1c: {  	p1 =	slt.u32 s9, $0xF7A;
	s5 =	simm.s32 @!p2 $0x0  }
0x1d: {  	s5 =	simm.s32 @p1 $0x1;
	p0 =	seq.s32 s7, s2  }
0x1e: {  	s7 =	smul.u32 @!p0 $0xF7A, s2;
	p2 =	seq.s32 @!p0 s5, $0x0  }
0x1f: {  	s9 =	smul.u32 $0xF7A, s1;
	s8 =	simm.s32 @!p0 $0x1BF5;
	p2 =	por !p2, p0  }
0x20: {  	[sflag:s8] =	ssyncset.s32 @!p0 $0xFFFFF086;
	s6 =	sadd.s32 @!p0 s3, s7;
	s7 =	simm.s32 @!p0 $0x108  }
0x21: {  	s3 =	sadd.s32 s3, s9;
	s6 =	sadd.s32 @!p0 $0x88, s6;
	s7 =	simm.s32 @p2 $0x1082  }
0x22: {  	[simem:s7], [sflag:s8] =	dma.local @!p0 [hbm:s6], $0xF7A  }
0x23: {  	s9 =	sor.u32 $0xD0000000, s2;
	s6 =	simm.s32 $0x108;
	_ =	swait.ge @!p0 [sflag:s8], $0x0  }
0x24: {  	s3 =	sadd.s32 $0x88, s3;
	s6 =	simm.s32 @!p1 $0x1082;
	[sflag:s4] =	ssyncset.s32 $0xFFFFF086  }
0x25: {  	[simem:s6], [sflag:s4] =	dma.local [hbm:s3], $0xF7A  }
0x26: {  	[smem:$0x3F94] =	sst s1;
	(tag) =	ssettag s2;
	_ =	strace s9  }
0x27: {  	s1 =	sld [smem:$0x3FA4]  }
0x28: {  	s2 =	sld [smem:$0x3FA5]  }
0x29: {  	s4 =	sld [smem:$0x3FA7]  }
0x2a: {  	p0 =	seq.s32 s5, $0x0;
	s5 =	sld [smem:$0x3FA8]  }
0x2b: {  	s6 =	sld [smem:$0x3FA9]  }
0x2c: {  	s7 =	sld [smem:$0x3FAA]  }
0x2d: {  	s3 =	simm.s32 $0x108;
	s8 =	sld [smem:$0x3FAB]  }
0x2e: {  	s3 =	simm.s32 @!p0 $0x1082;
	s9 =	sld [smem:$0x3FAC]  }
0x2f: {  	lr =	sadd.s32 s0, s3;
	s0 =	sld [smem:$0x3FA3]  }
0x30: {  	s3 =	sld [smem:$0x3FA6]  }
0x31: {  	[smem:$0x3FAF] =	sst s10  }
0x32: {  	s10 =	sld [smem:$0x3FAD];
	_ =	sdelay $0x3  }
0x33: {  	p0 =	seq.s32 s10, $0x1;
	s10 =	sld [smem:$0x3FAF];
	_ =	sdelay $0x3  }
0x34: {  	[smem:$0x3FAF] =	sst s10  }
0x35: {  	s10 =	sld [smem:$0x3FAE];
	_ =	sdelay $0x3  }
0x36: {  	p1 =	seq.s32 s10, $0x1;
	s10 =	sld [smem:$0x3FAF];
	_ =	sdelay $0x3  }
0x37: {  	[smem:$0x3FAF] =	sst s10  }
0x38: {  	s10 =	sld [smem:$0x3FB0]  }
0x39: {  	_ = 	snop;
	(pc) =	sbr.ind lr, $3  }
0x3a: {  	_ = 	snop  }
0x3b: {  	_ = 	snop  }
0x3c: {  	p2 =	seq.s32 s10, $0x1;
	s10 =	sld [smem:$0x3FAF]  }
0x3d: {  	_ =	shalt  }
0x3e: {  	_ =	shalt  }
0x3f: {  	_ =	shalt  }
0x40: {  	_ =	shalt  }
0x41: {  	_ =	shalt  }
0x42: {  	_ =	shalt  }
0x43: {  	_ =	shalt  }
0x44: {  	_ =	shalt  }
0x45: {  	_ =	shalt  }
0x46: {  	_ =	shalt  }
0x47: {  	_ =	shalt  }
0x48: {  	_ =	shalt  }
0x49: {  	_ =	shalt  }
0x4a: {  	_ =	shalt  }
0x4b: {  	_ =	shalt  }
0x4c: {  	_ =	shalt  }
0x4d: {  	_ =	shalt  }
0x4e: {  	_ =	shalt  }
0x4f: {  	_ =	shalt  }
0x50: {  	_ =	shalt  }
0x51: {  	_ =	shalt  }
0x52: {  	_ =	shalt  }
0x53: {  	_ =	shalt  }
0x54: {  	_ =	shalt  }
0x55: {  	_ =	shalt  }
0x56: {  	_ =	shalt  }
0x57: {  	_ =	shalt  }
0x58: {  	_ =	shalt  }
0x59: {  	_ =	shalt  }
0x5a: {  	_ =	shalt  }
0x5b: {  	_ =	shalt  }
0x5c: {  	_ =	shalt  }
0x5d: {  	_ =	shalt  }
0x5e: {  	_ =	shalt  }
0x5f: {  	_ =	shalt  }
0x60: {  	_ =	shalt  }
0x61: {  	_ =	shalt  }
0x62: {  	_ =	shalt  }
0x63: {  	_ =	shalt  }
0x64: {  	_ =	shalt  }
0x65: {  	_ =	shalt  }
0x66: {  	_ =	shalt  }
0x67: {  	_ =	shalt  }
0x68: {  	_ =	shalt  }
0x69: {  	_ =	shalt  }
0x6a: {  	_ =	shalt  }
0x6b: {  	_ =	shalt  }
0x6c: {  	_ =	shalt  }
0x6d: {  	_ =	shalt  }
0x6e: {  	_ =	shalt  }
0x6f: {  	_ =	shalt  }
0x70: {  	_ =	shalt  }
0x71: {  	_ =	shalt  }
0x72: {  	_ =	shalt  }
0x73: {  	_ =	shalt  }
0x74: {  	_ =	shalt  }
0x75: {  	_ =	shalt  }
0x76: {  	_ =	shalt  }
0x77: {  	_ =	shalt  }
0x78: {  	_ =	shalt  }
0x79: {  	_ =	shalt  }
0x7a: {  	_ =	shalt  }
0x7b: {  	_ =	shalt  }
0x7c: {  	_ =	shalt  }
0x7d: {  	_ =	shalt  }
0x7e: {  	_ =	shalt  }
0x7f: {  	_ =	shalt  }
0x80: {  	_ =	shalt  }
0x81: {  	_ =	shalt  }
0x82: {  	_ =	shalt  }
0x83: {  	_ =	shalt  }
0x84: {  	_ =	shalt  }
0x85: {  	_ =	shalt  }
0x86: {  	_ =	shalt  }
0x87: {  	_ =	shalt  }
.Lfunc_end0:
.L_simem_size_0:
called_computation.2_lowered:
.L_overlay_start_0:
0x88: {  	s2 =	sld [smem:$0x3FD9]  }
0x89: {  	s3 =	sld [smem:$0x3FFE];
	_ =	sdelay $0x1  }
0x8a: {  	s1 =	srdreg.scid  }
0x8b: {  	s0 =	sand.u32 $0x1, s1  }
0x8c: {  	s16 =	sshll.u32 s0, $0xA;
	s2 =	sadd.s32 s3, s2  }
0x8d: {  	s2 =	sadd.s32 s2, s16  }
0x8e: {  	[smem:$0x3FBB] =	sst s2  }
0x8f: {  	_ = 	snop  }
0x90: {  	(tm) =	ssettm $0x1  }
0x91: {  	s17 =	sld [smem:$0x3FFB];
	_ =	sdelay $0x3  }
0x92: {  	_ =	strace s17  }
0x93: {  	s2 =	sld [smem:$0x3FFC];
	_ =	sdelay $0x3  }
0x94: {  	_ =	strace s2  }
0x95: {  	s2 =	sld [smem:$0x3FFD];
	_ =	sdelay $0x3  }
0x96: {  	_ =	strace s2  }
0x97: {  	_ =	strace $0x8FFFFFFF  }
0x98: {  	s18 =	sld [smem:$0x3FDB];
	_ =	sdelay $0x1  }
0x99: {  	s19 =	simm.s32 $_scs_section_size  }
0x9a: {  	s4 =	simm.s32 $_size__tile_overlayer_lowered;
	s5 =	simm.s32 $_tile_overlayer_lowered  }
0x9b: {  	s22 =	simm.s32 $0x1BFF;
	s21 =	sshll.u32 s5, $0x1;
	s2 =	sadd.s32 s19, s18  }
0x9c: {  	s6 =	simm.s32 $0x0;
	s20 =	sshll.u32 s4, $0x1;
	s4 =	sadd.s32 s21, s2  }
0x9d: {  	[timem:s6], [sflag:s22] =	dma.local [hbm:s4], s20  }
0x9e: {  	_ =	swait.ge [sflag:s22], s20  }
0x9f: {  	s3 =	ssub.s32 $0x0, s20;
	[sflag:s22] =	ssyncset.done $0x0  }
0xa0: {  	[sflag:s22] =	ssyncadd.s32 s3;
	_ =	sdelay $0x1  }
0xa1: {  	s23 =	simm.s32 $0x1B8B  }
0xa2: {  	_ =	swait.ge [sflag:s23], $0x1  }
0xa3: {  	[sflag:s23] =	ssyncset.done $0x0  }
0xa4: {  	s25 =	simm.s32 $0x1B8E;
	s24 =	sld [smem:$0x3FFE];
	[sflag:s23] =	ssyncadd.s32 $0xFFFFFFFF  }
0xa5: {  	s26 =	simm.s32 $execute0_lowered;
	[smem:$0x3FD2] =	sst s25  }
0xa6: {  	s4 =	sshll.u32 s26, $0x1;
	_ =	strace $0x8000004C;
	[dreg:$0x1] =	wrdreg $0xFFFFFFFF  }
0xa7: {  	s28 =	simm.s32 $_size_execute0_lowered;
	s2 =	sadd.s32 s2, s4;
	[dreg:$0x0] =	wrdreg $0x0  }
0xa8: {  	s4 =	sshll.u32 s28, $0x1;
	[dreg:$0x2] =	wrdreg s2  }
0xa9: {  	[dreg:$0x3] =	wrdreg s4  }
0xaa: {  	[dreg:$0x4] =	wrdreg $0xC0  }
0xab: {  	_ =	task [dreg:s6], $0x5FFFF  }
0xac: {  	[dreg:$0x1] =	wrdreg $0xFFFFFFFF  }
0xad: {  	[dreg:$0x0] =	wrdreg $0x60  }
0xae: {  	[dreg:$0x2] =	wrdreg s24  }
0xaf: {  	[dreg:$0x3] =	wrdreg $0x9  }
0xb0: {  	_ =	task.clear_ibuf [dreg:s6], $0x4FFFF;
	_ =	strace $0x9000004C  }
0xb1: {  	s29 =	simm.s32 $0x9;
	_ =	strace $0x8000004E  }
0xb2: {  	_ =	swait.ge [sflag:s29], $0x1  }
0xb3: {  	[sflag:s29] =	ssyncadd.s32 $0xFFFFFFFF  }
0xb4: {  	_ =	strace $0x9000004E  }
0xb5: {  	_ =	sfence  }
0xb6: {  	s30 =	sld [smem:$0x0];
	_ =	sdelay $0x2  }
0xb7: {  	s31 =	sshll.u32 s1, $0xD;
	s1 =	sshrl.u32 s1, $0x2  }
0xb8: {  	s3 =	sand.u32 $0x4000, s31;
	s1 =	sadd.s32 s1, s30  }
0xb9: {  	s0 =	sor.u32 s3, s0;
	s1 =	sshll.u32 s1, $0x11  }
0xba: {  	s0 =	sor.u32 s1, s0  }
0xbb: {  	s0 =	sadd.s32 $0x8F2B, s0  }
0xbc: {  	[sflag:s0] =	ssyncadd.remote.s32 $0x1  }
0xbd: {  	_ =	sfence.sel $0xFFFF  }
0xbe: {  	[dreg:$0x0] =	wrdreg $0xFFFFFFFF;
	(pc) =	sbr.abs _section_cstart, $3  }
0xbf: {  	[dreg:$0x1] =	wrdreg $0xFFFFFFFF  }
0xc0: {  	_ =	task.clear_ibuf [dreg:s6], $0x2FFFF;
	_ =	strace $0x9FFFFFFF  }
0xc1: {  	(tm) =	ssettm $0x7FFFFFFF  }
tec
execute0_lowered:
.L_overlay_start_1:
0x0: {  	(tag) =	ssettag $0x1  }
0x1: {  	s4 =	rddreg [dreg:$0x0]  }
0x2: {  	s0 =	rddreg [dreg:$0x1];
	s2 =	simm.s32 $0x0;
	s1 =	stileid.u32  }
0x3: {  	s3 =	srdreg.scid;
	s10 =	simm.s32 $0x0;
	s6 =	smul.u32 $0x5000, s1  }
0x4: {  	[smem:$0x7FF] =	sst s2;
	s5 =	sand.u32 $0x1, s3;
	s8 =	smul.u32 $0x28000, s1  }
0x5: {  	s3 =	sadd.s32 $0x1C00, s4;
	s7 =	smul.u32 $0x2800, s5;
	s9 =	ssub.s32 $0x2, s5  }
0x6: {  	_ =	strace $0x8000004D;
	s5 =	smul.u32 $0x14000, s5;
	s31 =	sshrl.u32 s9, $0x1  }
0x7: {  	s8 =	sadd.s32 s8, s4;
	s6 =	sadd.s32 s7, s6;
	s7 =	ssub.s32 s9, s31  }
0x8: {  	s5 =	sadd.s32 s5, s8;
	s8 =	simm.s32 $0x80;
	s6 =	sshrl.u32 s6, $0x3  }
0x9: {  	s9 =	simm.s32 $0x1;
	s5 =	sadd.s32 $0x2BC00, s5;
	s6 =	sadd.s32 s6, s4  }
0xa: {  	s4 =	smax.u32 s7, $0x1;
	s7 =	simm.s32 $0x2;
	s6 =	sadd.s32 $0x21C00, s6  }
.LBB2_1:
0xb: {  	s11 =	sadd.s32 $0x0, s6  }
0xc: {  	[tilespmem:s2], [sflag:$0x2] =	stream.linear.gather [hbm4b:s11+s2], $0x80, $0x38;
	[tilespmem:$0x2080] =	vst v63  }
0xd: {  	_ =	swait.ge [sflag:s7], $0x80  }
0xe: {  	[sflag:s7] =	ssyncset.done $0x0  }
0xf: {  	[sflag:s7] =	ssyncadd.s32 $0xFFFFFF80  }
0x10: {  	[tilespmem:s8], [sflag:$0x1] =	stream.indirect.gather [hbm4b:s3+s8], $0x40, s2, s8, $0xb8;
	[tilespmem:$0x2080] =	vst v63  }
0x11: {  	_ =	swait.ge [sflag:s9], $0x2000  }
0x12: {  	[sflag:s9] =	ssyncset.done $0x0  }
0x13: {  	[sflag:s9] =	ssyncadd.s32 $0xFFFFE000  }
0x14: {  	[hbm4b:s5+s2] =	stream.linear.scatter [tilespmem:s8], [sflag:$0x2], $0x2000, $0x38;
	[tilespmem:$0x2080] =	vst v63  }
0x15: {  	s12 =	simm.s32 $0x10;
	_ =	swait.ge [sflag:s7], $0x2000  }
0x16: {  	s13 =	simm.s32 $0x20;
	s11 =	sadd.s32 $0x400, s5;
	[sflag:s7] =	ssyncset.done $0x0  }
.LBB2_2:
0x17: {  	s14 =	sadd.s32 s12, s6  }
0x18: {  	[sflag:s7] =	ssyncadd.s32 $0xFFFFE000;
	s12 =	smov.u32 s13;
	s15 =	sadd.s32 $0x10, s13  }
0x19: {  	[tilespmem:s2], [sflag:$0x2] =	stream.linear.gather [hbm4b:s14+s2], $0x80, $0x38;
	[tilespmem:$0x2080] =	vst v63  }
0x1a: {  	p0 =	sne.s32 s13, $0x4F0;
	_ =	swait.ge [sflag:s7], $0x80  }
0x1b: {  	[sflag:s7] =	ssyncset.done $0x0  }
0x1c: {  	[sflag:s7] =	ssyncadd.s32 $0xFFFFFF80  }
0x1d: {  	[tilespmem:s8], [sflag:$0x1] =	stream.indirect.gather [hbm4b:s3+s8], $0x40, s2, s8, $0xb8;
	[tilespmem:$0x2080] =	vst v63  }
0x1e: {  	_ =	swait.ge [sflag:s9], $0x2000  }
.Ltmp0:
0x1f: {  	[sflag:s9] =	ssyncset.done $0x0;
	(pc) =	sbr.rel @p0 .LBB2_2-.Ltmp0, $4  }
0x20: {  	[sflag:s9] =	ssyncadd.s32 $0xFFFFE000  }
0x21: {  	[hbm4b:s11+s2] =	stream.linear.scatter [tilespmem:s8], [sflag:$0x2], $0x2000, $0x38;
	[tilespmem:$0x2080] =	vst v63  }
0x22: {  	_ =	swait.ge [sflag:s7], $0x2000  }
0x23: {  	s13 =	smov.u32 s15;
	s11 =	sadd.s32 $0x400, s11;
	[sflag:s7] =	ssyncset.done $0x0  }
0x24: {  	s12 =	sadd.s32 s12, s6;
	[sflag:s7] =	ssyncadd.s32 $0xFFFFE000  }
0x25: {  	[tilespmem:s2], [sflag:$0x2] =	stream.linear.gather [hbm4b:s12+s2], $0x80, $0x38;
	[tilespmem:$0x2080] =	vst v63  }
0x26: {  	_ =	swait.ge [sflag:s7], $0x80  }
0x27: {  	[sflag:s7] =	ssyncset.done $0x0  }
0x28: {  	[sflag:s7] =	ssyncadd.s32 $0xFFFFFF80  }
0x29: {  	[tilespmem:s8], [sflag:$0x1] =	stream.indirect.gather [hbm4b:s3+s8], $0x40, s2, s8, $0xb8;
	[tilespmem:$0x2080] =	vst v63  }
0x2a: {  	s10 =	sadd.s32 $0x1, s10;
	_ =	swait.ge [sflag:s9], $0x2000  }
0x2b: {  	p0 =	sne.s32 s10, s4;
	[sflag:s9] =	ssyncset.done $0x0  }
.Ltmp1:
0x2c: {  	[sflag:s9] =	ssyncadd.s32 $0xFFFFE000;
	(pc) =	sbr.rel @p0 .LBB2_1-.Ltmp1, $4  }
0x2d: {  	[hbm4b:s11+s2] =	stream.linear.scatter [tilespmem:s8], [sflag:$0x2], $0x2000, $0x38;
	[tilespmem:$0x2080] =	vst v63  }
0x2e: {  	_ =	swait.ge [sflag:s7], $0x2000  }
0x2f: {  	[sflag:s7] =	ssyncset.done $0x0  }
0x30: {  	[sflag:s7] =	ssyncadd.s32 $0xFFFFE000  }
0x31: {  	_ =	sfence.sel $0x180000  }
0x32: {  	[bflag:$0x0] =	sbarrier.arrive $0xFFFF  }
0x33: {  	p0 =	sne.s32 s1, $0x0;
	_ =	strace $0x9000004D  }
0x34: {  	s0 =	sadd.s32 @!p0 $0x100000, s0;
	[bflag:$0x2] =	sbarrier.arrive $0xFFFF  }
0x35: {  	[sflag:s0] =	ssyncadd.tile.s32 @!p0 $0x1;
	_ =	shalt  }
.Lfunc_end2:
_tile_overlayer_lowered:
.L_overlay_start_2:
0x36: {  	(tag) =	ssettag $0x2  }
0x37: {  	s0 =	rddreg [dreg:$0x0];
	s2 =	stileid.u32  }
0x38: {  	s1 =	rddreg [dreg:$0x1];
	p0 =	sne.s32 s2, $0x0  }
0x39: {  	s3 =	rddreg [dreg:$0x2];
	[bflag:$0x3] =	sbarrier.arrive $0xFFFF;
	s2 =	simm.s32 @!p0 $0x1C02  }
0x3a: {  	[timem:s3], [sflag:s2] =	dma.local @!p0 [hbm:s0], s1  }
0x3b: {  	s0 =	simm.s32 @!p0 $0x2  }
0x3c: {  	_ =	swait.ge @!p0 [sflag:s0], s1  }
0x3d: {  	s1 =	ssub.s32 @!p0 $0x0, s1;
	[sflag:s0] =	ssyncset.done @!p0 $0x0  }
0x3e: {  	[sflag:s0] =	ssyncadd.s32 @!p0 s1  }
0x3f: {  	[bflag:$0x3] =	sbarrier.arrive $0xFFFF  }
0x40: {  	_ =	shalt  }

// kernel: kernel.27.cloned.1.call-start
scs
__scs_entry_jumppad:
0x0: {  	(pc) =	sbr.rel $0x88, $3  }
0x1: {  	(tag) =	ssettag $0x0;
	lr =	simm.s32 $0x1  }
0x2: {  	[smem:$0x3F94] =	sst lr;
	_ =	strace $0xD0000000  }
0x3: {  	_ = 	snop  }
0x4: {  	_ = 	snop  }
0x5: {  	_ = 	snop  }
0x6: {  	_ = 	snop  }
0x7: {  	_ = 	snop  }
__scs_overlays_trampoline_lowered:
0x8: {  	[smem:$0x3FA3] =	sst s0  }
0x9: {  	[smem:$0x3FA4] =	sst s1  }
0xa: {  	[smem:$0x3FA5] =	sst s2  }
0xb: {  	[smem:$0x3FA6] =	sst s3  }
0xc: {  	[smem:$0x3FA7] =	sst s4  }
0xd: {  	[smem:$0x3FA8] =	sst s5  }
0xe: {  	[smem:$0x3FA9] =	sst s6  }
0xf: {  	[smem:$0x3FAA] =	sst s7  }
0x10: {  	[smem:$0x3FAB] =	sst s8  }
0x11: {  	[smem:$0x3FAC] =	sst s9;
	s0 =	simm.s32 @!p0 $0x0  }
0x12: {  	s1 =	sld [smem:$0x3F92];
	s0 =	simm.s32 @p0 $0x1  }
0x13: {  	[smem:$0x3FAD] =	sst s0;
	s0 =	simm.s32 @!p1 $0x0  }
0x14: {  	s2 =	sld [smem:$0x3F91];
	s0 =	simm.s32 @p1 $0x1  }
0x15: {  	[smem:$0x3FAE] =	sst s0;
	s0 =	simm.s32 @!p2 $0x0  }
0x16: {  	s3 =	sld [smem:$0x3FDB];
	s0 =	simm.s32 @p2 $0x1  }
0x17: {  	s4 =	simm.s32 $0x1BF5;
	[smem:$0x3FB0] =	sst s0  }
0x18: {  	s0 =	sld [smem:$0x3F93];
	_ =	swait.ge [sflag:s4], $0x0  }
0x19: {  	s7 =	sld [smem:$0x3F94]  }
0x1a: {  	s8 =	sadd.s32 $0xFFFFE003, lr  }
0x1b: {  	s9 =	sadd.s32 $0xFFFFFEF7, lr;
	s5 =	simm.s32 $0xFFFFFFFF;
	p2 =	slt.u32 s8, $0xFFFFF086  }
0x1c: {  	p1 =	slt.u32 s9, $0xF7A;
	s5 =	simm.s32 @!p2 $0x0  }
0x1d: {  	s5 =	simm.s32 @p1 $0x1;
	p0 =	seq.s32 s7, s2  }
0x1e: {  	s7 =	smul.u32 @!p0 $0xF7A, s2;
	p2 =	seq.s32 @!p0 s5, $0x0  }
0x1f: {  	s9 =	smul.u32 $0xF7A, s1;
	s8 =	simm.s32 @!p0 $0x1BF5;
	p2 =	por !p2, p0  }
0x20: {  	[sflag:s8] =	ssyncset.s32 @!p0 $0xFFFFF086;
	s6 =	sadd.s32 @!p0 s3, s7;
	s7 =	simm.s32 @!p0 $0x108  }
0x21: {  	s3 =	sadd.s32 s3, s9;
	s6 =	sadd.s32 @!p0 $0x88, s6;
	s7 =	simm.s32 @p2 $0x1082  }
0x22: {  	[simem:s7], [sflag:s8] =	dma.local @!p0 [hbm:s6], $0xF7A  }
0x23: {  	s9 =	sor.u32 $0xD0000000, s2;
	s6 =	simm.s32 $0x108;
	_ =	swait.ge @!p0 [sflag:s8], $0x0  }
0x24: {  	s3 =	sadd.s32 $0x88, s3;
	s6 =	simm.s32 @!p1 $0x1082;
	[sflag:s4] =	ssyncset.s32 $0xFFFFF086  }
0x25: {  	[simem:s6], [sflag:s4] =	dma.local [hbm:s3], $0xF7A  }
0x26: {  	[smem:$0x3F94] =	sst s1;
	(tag) =	ssettag s2;
	_ =	strace s9  }
0x27: {  	s1 =	sld [smem:$0x3FA4]  }
0x28: {  	s2 =	sld [smem:$0x3FA5]  }
0x29: {  	s4 =	sld [smem:$0x3FA7]  }
0x2a: {  	p0 =	seq.s32 s5, $0x0;
	s5 =	sld [smem:$0x3FA8]  }
0x2b: {  	s6 =	sld [smem:$0x3FA9]  }
0x2c: {  	s7 =	sld [smem:$0x3FAA]  }
0x2d: {  	s3 =	simm.s32 $0x108;
	s8 =	sld [smem:$0x3FAB]  }
0x2e: {  	s3 =	simm.s32 @!p0 $0x1082;
	s9 =	sld [smem:$0x3FAC]  }
0x2f: {  	lr =	sadd.s32 s0, s3;
	s0 =	sld [smem:$0x3FA3]  }
0x30: {  	s3 =	sld [smem:$0x3FA6]  }
0x31: {  	[smem:$0x3FAF] =	sst s10  }
0x32: {  	s10 =	sld [smem:$0x3FAD];
	_ =	sdelay $0x3  }
0x33: {  	p0 =	seq.s32 s10, $0x1;
	s10 =	sld [smem:$0x3FAF];
	_ =	sdelay $0x3  }
0x34: {  	[smem:$0x3FAF] =	sst s10  }
0x35: {  	s10 =	sld [smem:$0x3FAE];
	_ =	sdelay $0x3  }
0x36: {  	p1 =	seq.s32 s10, $0x1;
	s10 =	sld [smem:$0x3FAF];
	_ =	sdelay $0x3  }
0x37: {  	[smem:$0x3FAF] =	sst s10  }
0x38: {  	s10 =	sld [smem:$0x3FB0]  }
0x39: {  	_ = 	snop;
	(pc) =	sbr.ind lr, $3  }
0x3a: {  	_ = 	snop  }
0x3b: {  	_ = 	snop  }
0x3c: {  	p2 =	seq.s32 s10, $0x1;
	s10 =	sld [smem:$0x3FAF]  }
0x3d: {  	_ =	shalt  }
0x3e: {  	_ =	shalt  }
0x3f: {  	_ =	shalt  }
0x40: {  	_ =	shalt  }
0x41: {  	_ =	shalt  }
0x42: {  	_ =	shalt  }
0x43: {  	_ =	shalt  }
0x44: {  	_ =	shalt  }
0x45: {  	_ =	shalt  }
0x46: {  	_ =	shalt  }
0x47: {  	_ =	shalt  }
0x48: {  	_ =	shalt  }
0x49: {  	_ =	shalt  }
0x4a: {  	_ =	shalt  }
0x4b: {  	_ =	shalt  }
0x4c: {  	_ =	shalt  }
0x4d: {  	_ =	shalt  }
0x4e: {  	_ =	shalt  }
0x4f: {  	_ =	shalt  }
0x50: {  	_ =	shalt  }
0x51: {  	_ =	shalt  }
0x52: {  	_ =	shalt  }
0x53: {  	_ =	shalt  }
0x54: {  	_ =	shalt  }
0x55: {  	_ =	shalt  }
0x56: {  	_ =	shalt  }
0x57: {  	_ =	shalt  }
0x58: {  	_ =	shalt  }
0x59: {  	_ =	shalt  }
0x5a: {  	_ =	shalt  }
0x5b: {  	_ =	shalt  }
0x5c: {  	_ =	shalt  }
0x5d: {  	_ =	shalt  }
0x5e: {  	_ =	shalt  }
0x5f: {  	_ =	shalt  }
0x60: {  	_ =	shalt  }
0x61: {  	_ =	shalt  }
0x62: {  	_ =	shalt  }
0x63: {  	_ =	shalt  }
0x64: {  	_ =	shalt  }
0x65: {  	_ =	shalt  }
0x66: {  	_ =	shalt  }
0x67: {  	_ =	shalt  }
0x68: {  	_ =	shalt  }
0x69: {  	_ =	shalt  }
0x6a: {  	_ =	shalt  }
0x6b: {  	_ =	shalt  }
0x6c: {  	_ =	shalt  }
0x6d: {  	_ =	shalt  }
0x6e: {  	_ =	shalt  }
0x6f: {  	_ =	shalt  }
0x70: {  	_ =	shalt  }
0x71: {  	_ =	shalt  }
0x72: {  	_ =	shalt  }
0x73: {  	_ =	shalt  }
0x74: {  	_ =	shalt  }
0x75: {  	_ =	shalt  }
0x76: {  	_ =	shalt  }
0x77: {  	_ =	shalt  }
0x78: {  	_ =	shalt  }
0x79: {  	_ =	shalt  }
0x7a: {  	_ =	shalt  }
0x7b: {  	_ =	shalt  }
0x7c: {  	_ =	shalt  }
0x7d: {  	_ =	shalt  }
0x7e: {  	_ =	shalt  }
0x7f: {  	_ =	shalt  }
0x80: {  	_ =	shalt  }
0x81: {  	_ =	shalt  }
0x82: {  	_ =	shalt  }
0x83: {  	_ =	shalt  }
0x84: {  	_ =	shalt  }
0x85: {  	_ =	shalt  }
0x86: {  	_ =	shalt  }
0x87: {  	_ =	shalt  }
.Lfunc_end0:
.L_simem_size_0:
called_computation.3_lowered:
.L_overlay_start_0:
0x88: {  	s2 =	sld [smem:$0x3FD9]  }
0x89: {  	s3 =	sld [smem:$0x3FFE];
	_ =	sdelay $0x1  }
0x8a: {  	s1 =	srdreg.scid  }
0x8b: {  	s0 =	sand.u32 $0x1, s1  }
0x8c: {  	s17 =	sshll.u32 s0, $0xA;
	s2 =	sadd.s32 s3, s2  }
0x8d: {  	s2 =	sadd.s32 s2, s17  }
0x8e: {  	[smem:$0x3FBB] =	sst s2  }
0x8f: {  	_ = 	snop  }
0x90: {  	s2 =	sld [smem:$0x3FD0];
	(tm) =	ssettm $0x1  }
0x91: {  	s18 =	sld [smem:$0x3FFB];
	_ =	sdelay $0x3  }
0x92: {  	_ =	strace s18  }
0x93: {  	s3 =	sld [smem:$0x3FFC];
	_ =	sdelay $0x3  }
0x94: {  	_ =	strace s3  }
0x95: {  	s3 =	sld [smem:$0x3FFD];
	_ =	sdelay $0x3  }
0x96: {  	_ =	strace s3  }
0x97: {  	_ =	strace $0x8FFFFFFF  }
0x98: {  	s19 =	sld [smem:$0x3FDB];
	_ =	sdelay $0x1  }
0x99: {  	s4 =	simm.s32 $_scs_section_size  }
0x9a: {  	s5 =	simm.s32 $_size__tile_overlayer_lowered;
	s6 =	simm.s32 $_tile_overlayer_lowered  }
0x9b: {  	s22 =	simm.s32 $0x1BFF;
	s21 =	sshll.u32 s6, $0x1;
	s3 =	sadd.s32 s4, s19  }
0x9c: {  	s7 =	simm.s32 $0x0;
	s20 =	sshll.u32 s5, $0x1;
	s5 =	sadd.s32 s21, s3  }
0x9d: {  	[timem:s7], [sflag:s22] =	dma.local [hbm:s5], s20  }
0x9e: {  	_ =	swait.ge [sflag:s22], s20  }
0x9f: {  	s4 =	ssub.s32 $0x0, s20;
	[sflag:s22] =	ssyncset.done $0x0  }
0xa0: {  	[sflag:s22] =	ssyncadd.s32 s4;
	_ =	sdelay $0x1  }
0xa1: {  	s23 =	simm.s32 $0x1B8B  }
0xa2: {  	_ =	swait.ge [sflag:s23], $0x1  }
0xa3: {  	[sflag:s23] =	ssyncset.done $0x0  }
0xa4: {  	s25 =	simm.s32 $0x1B8E;
	s24 =	sld [smem:$0x3FFE];
	[sflag:s23] =	ssyncadd.s32 $0xFFFFFFFF  }
0xa5: {  	s26 =	simm.s32 $execute0_lowered;
	[smem:$0x3FD2] =	sst s25  }
0xa6: {  	s5 =	sshll.u32 s26, $0x1;
	_ =	strace $0x8000004F;
	[dreg:$0x1] =	wrdreg $0xFFFFFFFF  }
0xa7: {  	s28 =	simm.s32 $_size_execute0_lowered;
	s3 =	sadd.s32 s3, s5;
	[dreg:$0x0] =	wrdreg $0x0  }
0xa8: {  	s5 =	sshll.u32 s28, $0x1;
	[dreg:$0x2] =	wrdreg s3  }
0xa9: {  	[dreg:$0x3] =	wrdreg s5  }
0xaa: {  	[dreg:$0x4] =	wrdreg $0xC0  }
0xab: {  	_ =	task [dreg:s7], $0x5FFFF  }
0xac: {  	[dreg:$0x1] =	wrdreg $0xFFFFFFFF  }
0xad: {  	[dreg:$0x0] =	wrdreg $0x60  }
0xae: {  	[dreg:$0x2] =	wrdreg s2  }
0xaf: {  	[dreg:$0x3] =	wrdreg s24  }
0xb0: {  	[dreg:$0x4] =	wrdreg $0x9  }
0xb1: {  	_ =	task.clear_ibuf [dreg:s7], $0x5FFFF;
	_ =	strace $0x9000004F  }
0xb2: {  	s29 =	simm.s32 $0x9;
	_ =	strace $0x80000051  }
0xb3: {  	_ =	swait.ge [sflag:s29], $0x1  }
0xb4: {  	[sflag:s29] =	ssyncadd.s32 $0xFFFFFFFF  }
0xb5: {  	_ =	strace $0x90000051  }
0xb6: {  	_ =	sfence  }
0xb7: {  	s30 =	sld [smem:$0x0];
	_ =	sdelay $0x2  }
0xb8: {  	s31 =	sshll.u32 s1, $0xD;
	s1 =	sshrl.u32 s1, $0x2  }
0xb9: {  	s3 =	sand.u32 $0x4000, s31;
	s1 =	sadd.s32 s1, s30  }
0xba: {  	s0 =	sor.u32 s3, s0;
	s1 =	sshll.u32 s1, $0x11  }
0xbb: {  	s0 =	sor.u32 s1, s0  }
0xbc: {  	s0 =	sadd.s32 $0x8F2B, s0  }
0xbd: {  	[sflag:s0] =	ssyncadd.remote.s32 $0x1  }
0xbe: {  	_ =	sfence.sel $0xFFFF  }
0xbf: {  	[dreg:$0x0] =	wrdreg $0xFFFFFFFF;
	(pc) =	sbr.abs _section_cstart, $3  }
0xc0: {  	[dreg:$0x1] =	wrdreg $0xFFFFFFFF  }
0xc1: {  	_ =	task.clear_ibuf [dreg:s7], $0x2FFFF;
	_ =	strace $0x9FFFFFFF  }
0xc2: {  	(tm) =	ssettm $0x7FFFFFFF  }
0xc3: {  	_ =	shalt  }
tec
execute0_lowered:
.L_overlay_start_1:
0x0: {  	(tag) =	ssettag $0x1  }
0x1: {  	s2 =	rddreg [dreg:$0x0]  }
0x2: {  	s4 =	rddreg [dreg:$0x1]  }
0x3: {  	s0 =	rddreg [dreg:$0x2];
	s1 =	stileid.u32  }
0x4: {  	s5 =	srdreg.scid;
	s3 =	simm.s32 $0x0;
	s6 =	smul.u32 $0x5000, s1  }
0x5: {  	s10 =	simm.s32 $0x0;
	s5 =	sand.u32 $0x1, s5;
	s8 =	smul.u32 $0x50000, s1  }
0x6: {  	[smem:$0x7FF] =	sst s3;
	s7 =	smul.u32 $0x2800, s5;
	s9 =	ssub.s32 $0x2, s5  }
0x7: {  	_ =	strace $0x80000050;
	s5 =	smul.u32 $0x28000, s5;
	s31 =	sshrl.u32 s9, $0x1  }
0x8: {  	s8 =	sadd.s32 s8, s4;
	s6 =	sadd.s32 s7, s6;
	s7 =	ssub.s32 s9, s31  }
0x9: {  	s5 =	sadd.s32 s5, s8;
	s8 =	simm.s32 $0x80;
	s6 =	sshrl.u32 s6, $0x3  }
0xa: {  	s9 =	simm.s32 $0x1;
	s5 =	sadd.s32 $0xBC00, s5;
	s6 =	sadd.s32 s6, s4  }
0xb: {  	s4 =	smax.u32 s7, $0x1;
	s7 =	simm.s32 $0x2;
	s6 =	sadd.s32 $0x1C00, s6  }
.LBB2_1:
0xc: {  	s11 =	sadd.s32 $0x0, s6  }
0xd: {  	[tilespmem:s3], [sflag:$0x2] =	stream.linear.gather [hbm4b:s11+s3], $0x80, $0x38;
	[tilespmem:$0x4080] =	vst v63  }
0xe: {  	_ =	swait.ge [sflag:s7], $0x80  }
0xf: {  	[sflag:s7] =	ssyncset.done $0x0  }
0x10: {  	[sflag:s7] =	ssyncadd.s32 $0xFFFFFF80  }
0x11: {  	[tilespmem:s8], [sflag:$0x1] =	stream.indirect.gather [hbm4b:s2+s8], $0x80, s3, s8, $0xb8;
	[tilespmem:$0x4080] =	vst v63  }
0x12: {  	_ =	swait.ge [sflag:s9], $0x4000  }
0x13: {  	[sflag:s9] =	ssyncset.done $0x0  }
0x14: {  	[sflag:s9] =	ssyncadd.s32 $0xFFFFC000  }
0x15: {  	[hbm4b:s5+s3] =	stream.linear.scatter [tilespmem:s8], [sflag:$0x2], $0x4000, $0x38;
	[tilespmem:$0x4080] =	vst v63  }
0x16: {  	s12 =	simm.s32 $0x10;
	_ =	swait.ge [sflag:s7], $0x4000  }
0x17: {  	s13 =	simm.s32 $0x20;
	s11 =	sadd.s32 $0x800, s5;
	[sflag:s7] =	ssyncset.done $0x0  }
.LBB2_2:
0x18: {  	s14 =	sadd.s32 s12, s6  }
0x19: {  	[sflag:s7] =	ssyncadd.s32 $0xFFFFC000;
	s12 =	smov.u32 s13;
	s15 =	sadd.s32 $0x10, s13  }
0x1a: {  	[tilespmem:s3], [sflag:$0x2] =	stream.linear.gather [hbm4b:s14+s3], $0x80, $0x38;
	[tilespmem:$0x4080] =	vst v63  }
0x1b: {  	p0 =	sne.s32 s13, $0x4F0;
	_ =	swait.ge [sflag:s7], $0x80  }
0x1c: {  	[sflag:s7] =	ssyncset.done $0x0  }
0x1d: {  	[sflag:s7] =	ssyncadd.s32 $0xFFFFFF80  }
0x1e: {  	[tilespmem:s8], [sflag:$0x1] =	stream.indirect.gather [hbm4b:s2+s8], $0x80, s3, s8, $0xb8;
	[tilespmem:$0x4080] =	vst v63  }
0x1f: {  	_ =	swait.ge [sflag:s9], $0x4000  }
.Ltmp0:
0x20: {  	[sflag:s9] =	ssyncset.done $0x0;
	(pc) =	sbr.rel @p0 .LBB2_2-.Ltmp0, $4  }
0x21: {  	[sflag:s9] =	ssyncadd.s32 $0xFFFFC000  }
0x22: {  	[hbm4b:s11+s3] =	stream.linear.scatter [tilespmem:s8], [sflag:$0x2], $0x4000, $0x38;
	[tilespmem:$0x4080] =	vst v63  }
0x23: {  	_ =	swait.ge [sflag:s7], $0x4000  }
0x24: {  	s13 =	smov.u32 s15;
	s11 =	sadd.s32 $0x800, s11;
	[sflag:s7] =	ssyncset.done $0x0  }
0x25: {  	s12 =	sadd.s32 s12, s6;
	[sflag:s7] =	ssyncadd.s32 $0xFFFFC000  }
0x26: {  	[tilespmem:s3], [sflag:$0x2] =	stream.linear.gather [hbm4b:s12+s3], $0x80, $0x38;
	[tilespmem:$0x4080] =	vst v63  }
0x27: {  	_ =	swait.ge [sflag:s7], $0x80  }
0x28: {  	[sflag:s7] =	ssyncset.done $0x0  }
0x29: {  	[sflag:s7] =	ssyncadd.s32 $0xFFFFFF80  }
0x2a: {  	[tilespmem:s8], [sflag:$0x1] =	stream.indirect.gather [hbm4b:s2+s8], $0x80, s3, s8, $0xb8;
	[tilespmem:$0x4080] =	vst v63  }
0x2b: {  	s10 =	sadd.s32 $0x1, s10;
	_ =	swait.ge [sflag:s9], $0x4000  }
0x2c: {  	p0 =	sne.s32 s10, s4;
	[sflag:s9] =	ssyncset.done $0x0  }
.Ltmp1:
0x2d: {  	[sflag:s9] =	ssyncadd.s32 $0xFFFFC000;
	(pc) =	sbr.rel @p0 .LBB2_1-.Ltmp1, $4  }
0x2e: {  	[hbm4b:s11+s3] =	stream.linear.scatter [tilespmem:s8], [sflag:$0x2], $0x4000, $0x38;
	[tilespmem:$0x4080] =	vst v63  }
0x2f: {  	_ =	swait.ge [sflag:s7], $0x4000  }
0x30: {  	[sflag:s7] =	ssyncset.done $0x0  }
0x31: {  	[sflag:s7] =	ssyncadd.s32 $0xFFFFC000  }
0x32: {  	_ =	sfence.sel $0x180000  }
0x33: {  	[bflag:$0x0] =	sbarrier.arrive $0xFFFF  }
0x34: {  	p0 =	sne.s32 s1, $0x0;
	_ =	strace $0x90000050  }
0x35: {  	s0 =	sadd.s32 @!p0 $0x100000, s0;
	[bflag:$0x2] =	sbarrier.arrive $0xFFFF  }
0x36: {  	[sflag:s0] =	ssyncadd.tile.s32 @!p0 $0x1;
	_ =	shalt  }
.Lfunc_end2:
_tile_overlayer_lowered:
.L_overlay_start_2:
0x37: {  	(tag) =	ssettag $0x2  }
0x38: {  	s0 =	rddreg [dreg:$0x0];
	s2 =	stileid.u32  }
0x39: {  	s1 =	rddreg [dreg:$0x1];
	p0 =	sne.s32 s2, $0x0  }
0x3a: {  	s3 =	rddreg [dreg:$0x2];
	[bflag:$0x3] =	sbarrier.arrive $0xFFFF;
	s2 =	simm.s32 @!p0 $0x1C02  }
0x3b: {  	[timem:s3], [sflag:s2] =	dma.local @!p0 [hbm:s0], s1  }
0x3c: {  	s0 =	simm.s32 @!p0 $0x2  }
0x3d: {  	_ =	swait.ge @!p0 [sflag:s0], s1  }
0x3e: {  	s1 =	ssub.s32 @!p0 $0x0, s1;
	[sflag:s0] =	ssyncset.done @!p0 $0x0  }
0x3f: {  	[sflag:s0] =	ssyncadd.s32 @!p0 s1  }
0x40: {  	[bflag:$0x3] =	sbarrier.arrive $0xFFFF  }
0x41: {  	_ =	shalt  }

</sc_bundles>
